<compile_context>
chip_gen: v7x
topology: tpu7x:2x2x1
jax: 0.10.2.dev20260603
libtpu: 0.0.44.dev20260713+nightly
codegen_flags: <defaults>
</compile_context>

<pallas_src>
import jax
import jax.numpy as jnp
from jax import lax
from jax.experimental import pallas as pl
from jax.experimental.pallas import tpu as pltpu
from jax.experimental.pallas import tpu_sc as plsc

_BATCH = 4
_SEQ = 8192
_HIDDEN = 128
_LANES = 16
_NC = 2
_NS = 16
_NW = _NC * _NS
_SEQ_W = _SEQ // _NW
_CHUNK = 128
_NCHUNK = _SEQ_W // _CHUNK
_NITEM = _BATCH * _NCHUNK
_NBUF = 4


def _body(
    ids_hbm, tok_hbm, pos_hbm, out_hbm, pout_hbm,
    idx_v, pos_v, pid_v, bufs_v, gsems, osems, isem, psem,
):
    wid = lax.axis_index("s") * _NC + lax.axis_index("c")
    seq0 = wid * _SEQ_W
    bufs = [bufs_v.at[i] for i in range(_NBUF)]

    icopy = pltpu.async_copy(
        ids_hbm.at[:, pl.ds(seq0, _SEQ_W)], idx_v, isem
    )
    pcopy = pltpu.async_copy(pos_hbm.at[pl.ds(seq0, _SEQ_W)], pos_v, psem)

    def fire_gather(t):
        j, b = divmod(t, _BATCH)
        return pltpu.async_copy(
            tok_hbm.at[idx_v.at[b, pl.ds(j * _CHUNK, _CHUNK)]],
            bufs[t % _NBUF],
            gsems.at[t % _NBUF],
        )

    icopy.wait()

    gathers = [None] * _NITEM
    stores = [None] * _NITEM
    for t in range(_NBUF - 1):
        gathers[t] = fire_gather(t)

    @plsc.parallel_loop(0, _SEQ_W // _LANES, 1, unroll=1)
    def _mk_pos(r):
        val = lax.iota(jnp.int32, _LANES) + (seq0 + r * _LANES)
        for b in range(_BATCH):
            pid_v[b, pl.ds(r * _LANES, _LANES)] = val

    pstore = pltpu.async_copy(
        pid_v, pout_hbm.at[:, pl.ds(seq0, _SEQ_W)], psem
    )
    pcopy.wait()

    for t in range(_NITEM):
        j, b = divmod(t, _BATCH)
        gathers[t].wait()
        buf = bufs[t % _NBUF]
        prow = j * _CHUNK

        @plsc.parallel_loop(0, _CHUNK, 1, unroll=1)
        def _add_row(r):
            for v in range(_HIDDEN // _LANES):
                x = pos_v[prow + r, pl.ds(v * _LANES, _LANES)]
                plsc.addupdate(buf.at[r, pl.ds(v * _LANES, _LANES)], x)

        stores[t] = pltpu.async_copy(
            buf,
            out_hbm.at[b, pl.ds(seq0 + j * _CHUNK, _CHUNK)],
            osems.at[t % _NBUF],
        )
        nxt = t + _NBUF - 1
        if nxt < _NITEM:
            if nxt - _NBUF >= 0:
                stores[nxt - _NBUF].wait()
            gathers[nxt] = fire_gather(nxt)

    for t in range(_NITEM - _NBUF, _NITEM):
        stores[t].wait()
    pstore.wait()


def kernel(input_ids, tok_emb, pos_emb):
    k = pl.kernel(
        _body,
        out_type=(
            jax.ShapeDtypeStruct((_BATCH, _SEQ, _HIDDEN), jnp.float32),
            jax.ShapeDtypeStruct((_BATCH, _SEQ), jnp.int32),
        ),
        mesh=plsc.VectorSubcoreMesh(core_axis_name="c", subcore_axis_name="s"),
        scratch_types=[
            pltpu.VMEM((_BATCH, _SEQ_W), jnp.int32),
            pltpu.VMEM((_SEQ_W, _HIDDEN), jnp.float32),
            pltpu.VMEM((_BATCH, _SEQ_W), jnp.int32),
            pltpu.VMEM((_NBUF, _CHUNK, _HIDDEN), jnp.float32),
            pltpu.SemaphoreType.DMA((_NBUF,)),
            pltpu.SemaphoreType.DMA((_NBUF,)),
            pltpu.SemaphoreType.DMA,
            pltpu.SemaphoreType.DMA,
        ],
    )
    x, pos = k(input_ids.astype(jnp.int32), tok_emb, pos_emb)
    return (x, pos.astype(input_ids.dtype))

# --- scband reference (transcript-rebuilt; emitter-appended) ---
"""Pipeline reference for scband-traditional-embedding-46746424050215 (READ-ONLY COPY).

The authoritative reference and input builder live on the scoring server;
editing this copy changes nothing except your own understanding.
"""

import jax, jax.numpy as jnp
import numpy as np

VOCAB = 100000
HIDDEN = 128
MAX_SEQ = 8192
BATCH = 4
SEQ = 8192

def setup_inputs(seed: int = 0) -> dict:
    key = jax.random.key(seed)
    k1, k2, k3 = jax.random.split(key, 3)
    input_ids = jax.random.randint(k1, (BATCH, SEQ), 0, VOCAB)
    tok_emb = jax.random.normal(k2, (VOCAB, HIDDEN), dtype=jnp.float32) * 0.02
    pos_emb = jax.random.normal(k3, (MAX_SEQ, HIDDEN), dtype=jnp.float32) * 0.02
    return {"input_ids": input_ids, "tok_emb": tok_emb, "pos_emb": pos_emb}

def reference(input_ids, tok_emb, pos_emb):
    bsz, seq_len = input_ids.shape
    pos = jnp.broadcast_to(jnp.arange(seq_len, dtype=input_ids.dtype)[None, :], (bsz, seq_len))
    x = jnp.take(tok_emb, input_ids, axis=0) + jnp.take(pos_emb, pos, axis=0)
    return (x, pos)

if __name__ == "__main__":
    import jax
    _d = setup_inputs()
    print(jax.jit(kernel)(*tuple(_d.values())))

</pallas_src>

<mosaic_0001>
#map = affine_map<(d0, d1) -> (0, 0)>
#map1 = affine_map<(d0, d1) -> (0, 0, 0)>
module attributes {stable_mosaic.version = 14 : i64} {
  func.func @_body(%arg0: i32, %arg1: i32, %arg2: memref<4x8192xi32, #tpu.memory_space<hbm>>, %arg3: memref<100000x128xf32, #tpu.memory_space<hbm>>, %arg4: memref<8192x128xf32, #tpu.memory_space<hbm>>, %arg5: memref<4x8192x128xf32, #tpu.memory_space<hbm>>, %arg6: memref<4x8192xi32, #tpu.memory_space<hbm>>, %arg7: memref<4x256xi32, #tpu.memory_space<vmem>>, %arg8: memref<256x128xf32, #tpu.memory_space<vmem>>, %arg9: memref<4x256xi32, #tpu.memory_space<vmem>>, %arg10: memref<4x128x128xf32, #tpu.memory_space<vmem>>, %arg11: memref<4x!tpu.dma_semaphore, #tpu.memory_space<semaphore_mem>>, %arg12: memref<4x!tpu.dma_semaphore, #tpu.memory_space<semaphore_mem>>, %arg13: memref<!tpu.dma_semaphore, #tpu.memory_space<semaphore_mem>>, %arg14: memref<!tpu.dma_semaphore, #tpu.memory_space<semaphore_mem>>) attributes {dimension_semantics = [#tpu.dimension_semantics<core_parallel>, #tpu.dimension_semantics<subcore_parallel>], iteration_bounds = array<i64: 2, 16>, scalar_prefetch = 0 : i64, scratch_operands = 8 : i64, tpu.core_type = #tpu.core_type<sc_vector_subcore>, window_params = [{transform_indices = #map}, {transform_indices = #map}, {transform_indices = #map}, {transform_indices = #map1}, {transform_indices = #map}]} {
    %mul3A = arith.constant 2 : i32
    %mul3A_0 = arith.muli %arg1, %mul3A : i32
    %add3A = arith.addi %mul3A_0, %arg0 : i32
    %mul3A_1 = arith.constant 256 : i32
    %mul3A_2 = arith.muli %add3A, %mul3A_1 : i32
    %dma_start3A = arith.constant 0 : i32
    %dma_start3A_3 = tpu.memref_slice %arg2[%dma_start3A, %mul3A_2] : memref<4x8192xi32, #tpu.memory_space<hbm>> -> memref<4x256xi32, #tpu.memory_space<hbm>>
    %dma_start3A_4 = arith.constant 0 : i32
    %dma_start3A_5 = tpu.memref_slice %arg2[%dma_start3A_4, %mul3A_2] : memref<4x8192xi32, #tpu.memory_space<hbm>> -> memref<4x256xi32, #tpu.memory_space<hbm>>
    tpu.enqueue_dma source(%dma_start3A_5 : memref<4x256xi32, #tpu.memory_space<hbm>>) target(%arg7 : memref<4x256xi32, #tpu.memory_space<vmem>>) target_semaphore(%arg13 : memref<!tpu.dma_semaphore, #tpu.memory_space<semaphore_mem>>)
    %dma_start3A_6 = arith.constant 0 : i32
    %dma_start3A_7 = tpu.memref_slice %arg4[%mul3A_2, %dma_start3A_6] : memref<8192x128xf32, #tpu.memory_space<hbm>> -> memref<256x128xf32, #tpu.memory_space<hbm>>
    %dma_start3A_8 = arith.constant 0 : i32
    %dma_start3A_9 = tpu.memref_slice %arg4[%mul3A_2, %dma_start3A_8] : memref<8192x128xf32, #tpu.memory_space<hbm>> -> memref<256x128xf32, #tpu.memory_space<hbm>>
    tpu.enqueue_dma source(%dma_start3A_9 : memref<256x128xf32, #tpu.memory_space<hbm>>) target(%arg8 : memref<256x128xf32, #tpu.memory_space<vmem>>) target_semaphore(%arg14 : memref<!tpu.dma_semaphore, #tpu.memory_space<semaphore_mem>>)
    %dma_wait3A = arith.constant 0 : i32
    %dma_wait3A_10 = tpu.memref_slice %arg2[%dma_wait3A, %mul3A_2] : memref<4x8192xi32, #tpu.memory_space<hbm>> -> memref<4x256xi32, #tpu.memory_space<hbm>>
    %dma_wait3A_11 = arith.constant 0 : i32
    %dma_wait3A_12 = tpu.memref_slice %arg2[%dma_wait3A_11, %mul3A_2] : memref<4x8192xi32, #tpu.memory_space<hbm>> -> memref<4x256xi32, #tpu.memory_space<hbm>>
    tpu.wait_dma2 semaphore(%arg13 : memref<!tpu.dma_semaphore, #tpu.memory_space<semaphore_mem>>) src(%dma_wait3A_12 : memref<4x256xi32, #tpu.memory_space<hbm>>) dst(%arg7 : memref<4x256xi32, #tpu.memory_space<vmem>>)
    %dma_start3A_13 = arith.constant 0 : i32
    %dma_start3A_14 = arith.constant 0 : i32
    %dma_start3A_15 = arith.constant 0 : i32
    %dma_start3A_16 = arith.constant 0 : i32
    %dma_start3A_17 = arith.constant 0 : i32
    %dma_start3A_18 = tpu.memref_slice %arg10[%dma_start3A_14, %dma_start3A_16, %dma_start3A_17] : memref<4x128x128xf32, #tpu.memory_space<vmem>> -> memref<1x128x128xf32, #tpu.memory_space<vmem>>
    %dma_start3A_19 = tpu.memref_squeeze %dma_start3A_18 : memref<1x128x128xf32, #tpu.memory_space<vmem>> -> memref<128x128xf32, #tpu.memory_space<vmem>>
    %dma_start3A_20 = arith.constant 0 : i32
    %dma_start3A_21 = tpu.memref_slice %arg7[%dma_start3A_13, %dma_start3A_20] : memref<4x256xi32, #tpu.memory_space<vmem>> -> memref<1x128xi32, #tpu.memory_space<vmem>>
    %dma_start3A_22 = tpu.memref_squeeze %dma_start3A_21 : memref<1x128xi32, #tpu.memory_space<vmem>> -> memref<128xi32, #tpu.memory_space<vmem>>
    %dma_start3A_23 = arith.constant 0 : i32
    %dma_start3A_24 = arith.constant 0 : i32
    %dma_start3A_25 = tpu.memref_slice %arg3[%dma_start3A_23, %dma_start3A_24] : memref<100000x128xf32, #tpu.memory_space<hbm>> -> memref<100000x128xf32, #tpu.memory_space<hbm>>
    %dma_start3A_26 = tpu.memref_slice %arg11[%dma_start3A_15] : memref<4x!tpu.dma_semaphore, #tpu.memory_space<semaphore_mem>> -> memref<1x!tpu.dma_semaphore, #tpu.memory_space<semaphore_mem>>
    %dma_start3A_27 = tpu.memref_squeeze %dma_start3A_26 : memref<1x!tpu.dma_semaphore, #tpu.memory_space<semaphore_mem>> -> memref<!tpu.dma_semaphore, #tpu.memory_space<semaphore_mem>>
    tpu.enqueue_indirect_dma source(%dma_start3A_25 : memref<100000x128xf32, #tpu.memory_space<hbm>>) target(%dma_start3A_19 : memref<128x128xf32, #tpu.memory_space<vmem>>) offsets(%dma_start3A_22 : memref<128xi32, #tpu.memory_space<vmem>>) semaphore(%dma_start3A_27 : memref<!tpu.dma_semaphore, #tpu.memory_space<semaphore_mem>>)
    %dma_start3A_28 = arith.constant 1 : i32
    %dma_start3A_29 = arith.constant 1 : i32
    %dma_start3A_30 = arith.constant 1 : i32
    %dma_start3A_31 = arith.constant 0 : i32
    %dma_start3A_32 = arith.constant 0 : i32
    %dma_start3A_33 = tpu.memref_slice %arg10[%dma_start3A_29, %dma_start3A_31, %dma_start3A_32] : memref<4x128x128xf32, #tpu.memory_space<vmem>> -> memref<1x128x128xf32, #tpu.memory_space<vmem>>
    %dma_start3A_34 = tpu.memref_squeeze %dma_start3A_33 : memref<1x128x128xf32, #tpu.memory_space<vmem>> -> memref<128x128xf32, #tpu.memory_space<vmem>>
    %dma_start3A_35 = arith.constant 0 : i32
    %dma_start3A_36 = tpu.memref_slice %arg7[%dma_start3A_28, %dma_start3A_35] : memref<4x256xi32, #tpu.memory_space<vmem>> -> memref<1x128xi32, #tpu.memory_space<vmem>>
    %dma_start3A_37 = tpu.memref_squeeze %dma_start3A_36 : memref<1x128xi32, #tpu.memory_space<vmem>> -> memref<128xi32, #tpu.memory_space<vmem>>
    %dma_start3A_38 = arith.constant 0 : i32
    %dma_start3A_39 = arith.constant 0 : i32
    %dma_start3A_40 = tpu.memref_slice %arg3[%dma_start3A_38, %dma_start3A_39] : memref<100000x128xf32, #tpu.memory_space<hbm>> -> memref<100000x128xf32, #tpu.memory_space<hbm>>
    %dma_start3A_41 = tpu.memref_slice %arg11[%dma_start3A_30] : memref<4x!tpu.dma_semaphore, #tpu.memory_space<semaphore_mem>> -> memref<1x!tpu.dma_semaphore, #tpu.memory_space<semaphore_mem>>
    %dma_start3A_42 = tpu.memref_squeeze %dma_start3A_41 : memref<1x!tpu.dma_semaphore, #tpu.memory_space<semaphore_mem>> -> memref<!tpu.dma_semaphore, #tpu.memory_space<semaphore_mem>>
    tpu.enqueue_indirect_dma source(%dma_start3A_40 : memref<100000x128xf32, #tpu.memory_space<hbm>>) target(%dma_start3A_34 : memref<128x128xf32, #tpu.memory_space<vmem>>) offsets(%dma_start3A_37 : memref<128xi32, #tpu.memory_space<vmem>>) semaphore(%dma_start3A_42 : memref<!tpu.dma_semaphore, #tpu.memory_space<semaphore_mem>>)
    %dma_start3A_43 = arith.constant 2 : i32
    %dma_start3A_44 = arith.constant 2 : i32
    %dma_start3A_45 = arith.constant 2 : i32
    %dma_start3A_46 = arith.constant 0 : i32
    %dma_start3A_47 = arith.constant 0 : i32
    %dma_start3A_48 = tpu.memref_slice %arg10[%dma_start3A_44, %dma_start3A_46, %dma_start3A_47] : memref<4x128x128xf32, #tpu.memory_space<vmem>> -> memref<1x128x128xf32, #tpu.memory_space<vmem>>
    %dma_start3A_49 = tpu.memref_squeeze %dma_start3A_48 : memref<1x128x128xf32, #tpu.memory_space<vmem>> -> memref<128x128xf32, #tpu.memory_space<vmem>>
    %dma_start3A_50 = arith.constant 0 : i32
    %dma_start3A_51 = tpu.memref_slice %arg7[%dma_start3A_43, %dma_start3A_50] : memref<4x256xi32, #tpu.memory_space<vmem>> -> memref<1x128xi32, #tpu.memory_space<vmem>>
    %dma_start3A_52 = tpu.memref_squeeze %dma_start3A_51 : memref<1x128xi32, #tpu.memory_space<vmem>> -> memref<128xi32, #tpu.memory_space<vmem>>
    %dma_start3A_53 = arith.constant 0 : i32
    %dma_start3A_54 = arith.constant 0 : i32
    %dma_start3A_55 = tpu.memref_slice %arg3[%dma_start3A_53, %dma_start3A_54] : memref<100000x128xf32, #tpu.memory_space<hbm>> -> memref<100000x128xf32, #tpu.memory_space<hbm>>
    %dma_start3A_56 = tpu.memref_slice %arg11[%dma_start3A_45] : memref<4x!tpu.dma_semaphore, #tpu.memory_space<semaphore_mem>> -> memref<1x!tpu.dma_semaphore, #tpu.memory_space<semaphore_mem>>
    %dma_start3A_57 = tpu.memref_squeeze %dma_start3A_56 : memref<1x!tpu.dma_semaphore, #tpu.memory_space<semaphore_mem>> -> memref<!tpu.dma_semaphore, #tpu.memory_space<semaphore_mem>>
    tpu.enqueue_indirect_dma source(%dma_start3A_55 : memref<100000x128xf32, #tpu.memory_space<hbm>>) target(%dma_start3A_49 : memref<128x128xf32, #tpu.memory_space<vmem>>) offsets(%dma_start3A_52 : memref<128xi32, #tpu.memory_space<vmem>>) semaphore(%dma_start3A_57 : memref<!tpu.dma_semaphore, #tpu.memory_space<semaphore_mem>>)
    %parallel_loop3A = arith.constant 0 : i32
    %parallel_loop3A_58 = arith.constant 16 : i32
    %parallel_loop3A_59 = arith.constant 1 : i32
    scf.for %parallel_loop3A_619 = %parallel_loop3A to %parallel_loop3A_58 step %parallel_loop3A_59  : i32 {
      %parallel_loop3A_620 = tpu.iota {dimensions = array<i32: 0>} : vector<16xi32>
      %parallel_loop3A_621 = arith.constant 16 : i32
      %parallel_loop3A_622 = arith.muli %parallel_loop3A_619, %parallel_loop3A_621 : i32
      %parallel_loop3A_623 = arith.addi %mul3A_2, %parallel_loop3A_622 : i32
      %parallel_loop3A_624 = vector.broadcast %parallel_loop3A_623 : i32 to vector<16xi32>
      %parallel_loop3A_625 = arith.addi %parallel_loop3A_620, %parallel_loop3A_624 : vector<16xi32>
      %parallel_loop3A_626 = arith.constant 16 : i32
      %parallel_loop3A_627 = arith.muli %parallel_loop3A_619, %parallel_loop3A_626 : i32
      %parallel_loop3A_628 = arith.constant 0 : i32
      %parallel_loop3A_629 = arith.index_cast %parallel_loop3A_628 : i32 to index
      %parallel_loop3A_630 = arith.index_cast %parallel_loop3A_627 : i32 to index
      %parallel_loop3A_631 = tpu.vector_load %arg9[%parallel_loop3A_629, %parallel_loop3A_630] {strides = array<i32>} : memref<4x256xi32, #tpu.memory_space<vmem>>, vector<1x16xi32>,
      %parallel_loop3A_632 = vector.shape_cast %parallel_loop3A_631 : vector<1x16xi32> to vector<16xi32>
      %parallel_loop3A_633 = vector.shape_cast %parallel_loop3A_625 : vector<16xi32> to vector<1x16xi32>
      tpu.vector_store %arg9[%parallel_loop3A_629, %parallel_loop3A_630], %parallel_loop3A_633 {strides = array<i32>} : memref<4x256xi32, #tpu.memory_space<vmem>>, vector<1x16xi32>,
      %parallel_loop3A_634 = arith.constant 16 : i32
      %parallel_loop3A_635 = arith.muli %parallel_loop3A_619, %parallel_loop3A_634 : i32
      %parallel_loop3A_636 = arith.constant 1 : i32
      %parallel_loop3A_637 = arith.index_cast %parallel_loop3A_636 : i32 to index
      %parallel_loop3A_638 = arith.index_cast %parallel_loop3A_635 : i32 to index
      %parallel_loop3A_639 = tpu.vector_load %arg9[%parallel_loop3A_637, %parallel_loop3A_638] {strides = array<i32>} : memref<4x256xi32, #tpu.memory_space<vmem>>, vector<1x16xi32>,
      %parallel_loop3A_640 = vector.shape_cast %parallel_loop3A_639 : vector<1x16xi32> to vector<16xi32>
      %parallel_loop3A_641 = vector.shape_cast %parallel_loop3A_625 : vector<16xi32> to vector<1x16xi32>
      tpu.vector_store %arg9[%parallel_loop3A_637, %parallel_loop3A_638], %parallel_loop3A_641 {strides = array<i32>} : memref<4x256xi32, #tpu.memory_space<vmem>>, vector<1x16xi32>,
      %parallel_loop3A_642 = arith.constant 16 : i32
      %parallel_loop3A_643 = arith.muli %parallel_loop3A_619, %parallel_loop3A_642 : i32
      %parallel_loop3A_644 = arith.constant 2 : i32
      %parallel_loop3A_645 = arith.index_cast %parallel_loop3A_644 : i32 to index
      %parallel_loop3A_646 = arith.index_cast %parallel_loop3A_643 : i32 to index
      %parallel_loop3A_647 = tpu.vector_load %arg9[%parallel_loop3A_645, %parallel_loop3A_646] {strides = array<i32>} : memref<4x256xi32, #tpu.memory_space<vmem>>, vector<1x16xi32>,
      %parallel_loop3A_648 = vector.shape_cast %parallel_loop3A_647 : vector<1x16xi32> to vector<16xi32>
      %parallel_loop3A_649 = vector.shape_cast %parallel_loop3A_625 : vector<16xi32> to vector<1x16xi32>
      tpu.vector_store %arg9[%parallel_loop3A_645, %parallel_loop3A_646], %parallel_loop3A_649 {strides = array<i32>} : memref<4x256xi32, #tpu.memory_space<vmem>>, vector<1x16xi32>,
      %parallel_loop3A_650 = arith.constant 16 : i32
      %parallel_loop3A_651 = arith.muli %parallel_loop3A_619, %parallel_loop3A_650 : i32
      %parallel_loop3A_652 = arith.constant 3 : i32
      %parallel_loop3A_653 = arith.index_cast %parallel_loop3A_652 : i32 to index
      %parallel_loop3A_654 = arith.index_cast %parallel_loop3A_651 : i32 to index
      %parallel_loop3A_655 = tpu.vector_load %arg9[%parallel_loop3A_653, %parallel_loop3A_654] {strides = array<i32>} : memref<4x256xi32, #tpu.memory_space<vmem>>, vector<1x16xi32>,
      %parallel_loop3A_656 = vector.shape_cast %parallel_loop3A_655 : vector<1x16xi32> to vector<16xi32>
      %parallel_loop3A_657 = vector.shape_cast %parallel_loop3A_625 : vector<16xi32> to vector<1x16xi32>
      tpu.vector_store %arg9[%parallel_loop3A_653, %parallel_loop3A_654], %parallel_loop3A_657 {strides = array<i32>} : memref<4x256xi32, #tpu.memory_space<vmem>>, vector<1x16xi32>,
    } {sc.loop_unroll_factor = 1 : i64, sc.parallel_access}
    %dma_start3A_60 = arith.constant 0 : i32
    %dma_start3A_61 = tpu.memref_slice %arg6[%dma_start3A_60, %mul3A_2] : memref<4x8192xi32, #tpu.memory_space<hbm>> -> memref<4x256xi32, #tpu.memory_space<hbm>>
    %dma_start3A_62 = arith.constant 0 : i32
    %dma_start3A_63 = tpu.memref_slice %arg6[%dma_start3A_62, %mul3A_2] : memref<4x8192xi32, #tpu.memory_space<hbm>> -> memref<4x256xi32, #tpu.memory_space<hbm>>
    tpu.enqueue_dma source(%arg9 : memref<4x256xi32, #tpu.memory_space<vmem>>) target(%dma_start3A_63 : memref<4x256xi32, #tpu.memory_space<hbm>>) target_semaphore(%arg14 : memref<!tpu.dma_semaphore, #tpu.memory_space<semaphore_mem>>)
    %dma_wait3A_64 = arith.constant 0 : i32
    %dma_wait3A_65 = tpu.memref_slice %arg4[%mul3A_2, %dma_wait3A_64] : memref<8192x128xf32, #tpu.memory_space<hbm>> -> memref<256x128xf32, #tpu.memory_space<hbm>>
    %dma_wait3A_66 = arith.constant 0 : i32
    %dma_wait3A_67 = tpu.memref_slice %arg4[%mul3A_2, %dma_wait3A_66] : memref<8192x128xf32, #tpu.memory_space<hbm>> -> memref<256x128xf32, #tpu.memory_space<hbm>>
    tpu.wait_dma2 semaphore(%arg14 : memref<!tpu.dma_semaphore, #tpu.memory_space<semaphore_mem>>) src(%dma_wait3A_67 : memref<256x128xf32, #tpu.memory_space<hbm>>) dst(%arg8 : memref<256x128xf32, #tpu.memory_space<vmem>>)
    %dma_wait3A_68 = arith.constant 0 : i32
    %dma_wait3A_69 = arith.constant 0 : i32
    %dma_wait3A_70 = arith.constant 0 : i32
    %dma_wait3A_71 = arith.constant 0 : i32
    %dma_wait3A_72 = arith.constant 0 : i32
    %dma_wait3A_73 = tpu.memref_slice %arg10[%dma_wait3A_69, %dma_wait3A_71, %dma_wait3A_72] : memref<4x128x128xf32, #tpu.memory_space<vmem>> -> memref<1x128x128xf32, #tpu.memory_space<vmem>>
    %dma_wait3A_74 = tpu.memref_squeeze %dma_wait3A_73 : memref<1x128x128xf32, #tpu.memory_space<vmem>> -> memref<128x128xf32, #tpu.memory_space<vmem>>
    %dma_wait3A_75 = arith.constant 0 : i32
    %dma_wait3A_76 = tpu.memref_slice %arg7[%dma_wait3A_68, %dma_wait3A_75] : memref<4x256xi32, #tpu.memory_space<vmem>> -> memref<1x128xi32, #tpu.memory_space<vmem>>
    %dma_wait3A_77 = tpu.memref_squeeze %dma_wait3A_76 : memref<1x128xi32, #tpu.memory_space<vmem>> -> memref<128xi32, #tpu.memory_space<vmem>>
    %dma_wait3A_78 = arith.constant 0 : i32
    %dma_wait3A_79 = arith.constant 0 : i32
    %dma_wait3A_80 = tpu.memref_slice %arg3[%dma_wait3A_78, %dma_wait3A_79] : memref<100000x128xf32, #tpu.memory_space<hbm>> -> memref<100000x128xf32, #tpu.memory_space<hbm>>
    %dma_wait3A_81 = tpu.memref_slice %arg11[%dma_wait3A_70] : memref<4x!tpu.dma_semaphore, #tpu.memory_space<semaphore_mem>> -> memref<1x!tpu.dma_semaphore, #tpu.memory_space<semaphore_mem>>
    %dma_wait3A_82 = tpu.memref_squeeze %dma_wait3A_81 : memref<1x!tpu.dma_semaphore, #tpu.memory_space<semaphore_mem>> -> memref<!tpu.dma_semaphore, #tpu.memory_space<semaphore_mem>>
    tpu.wait_indirect_dma semaphore(%dma_wait3A_82 : memref<!tpu.dma_semaphore, #tpu.memory_space<semaphore_mem>>) src(%dma_wait3A_80 : memref<100000x128xf32, #tpu.memory_space<hbm>>) dst(%dma_wait3A_74 : memref<128x128xf32, #tpu.memory_space<vmem>>)
    %parallel_loop3A_83 = arith.constant 0 : i32
    %parallel_loop3A_84 = arith.constant 128 : i32
    %parallel_loop3A_85 = arith.constant 1 : i32
    %parallel_loop3A_86 = arith.constant 0 : i32
    scf.for %parallel_loop3A_619 = %parallel_loop3A_83 to %parallel_loop3A_84 step %parallel_loop3A_85  : i32 {
      %parallel_loop3A_620 = arith.constant 0 : i32
      %parallel_loop3A_621 = arith.addi %parallel_loop3A_620, %parallel_loop3A_619 : i32
      %parallel_loop3A_622 = arith.index_cast %parallel_loop3A_621 : i32 to index
      %parallel_loop3A_623 = arith.constant 0 : index
      %parallel_loop3A_624 = tpu.vector_load %arg8[%parallel_loop3A_622, %parallel_loop3A_623] {strides = array<i32>} : memref<256x128xf32, #tpu.memory_space<vmem>>, vector<1x16xf32>,
      %parallel_loop3A_625 = vector.shape_cast %parallel_loop3A_624 : vector<1x16xf32> to vector<16xf32>
      %parallel_loop3A_626 = arith.constant 0 : i32
      %parallel_loop3A_627 = arith.constant 0 : i32
      %parallel_loop3A_628 = tpu.memref_slice %arg10[%parallel_loop3A_86, %parallel_loop3A_626, %parallel_loop3A_627] : memref<4x128x128xf32, #tpu.memory_space<vmem>> -> memref<1x128x128xf32, #tpu.memory_space<vmem>>
      %parallel_loop3A_629 = tpu.memref_squeeze %parallel_loop3A_628 : memref<1x128x128xf32, #tpu.memory_space<vmem>> -> memref<128x128xf32, #tpu.memory_space<vmem>>
      %parallel_loop3A_630 = arith.index_cast %parallel_loop3A_619 : i32 to index
      %parallel_loop3A_631 = arith.constant 0 : index
      %parallel_loop3A_632 = tpu.vector_load %parallel_loop3A_629[%parallel_loop3A_630, %parallel_loop3A_631] {strides = array<i32>} : memref<128x128xf32, #tpu.memory_space<vmem>>, vector<1x16xf32>,
      %parallel_loop3A_633 = vector.shape_cast %parallel_loop3A_632 : vector<1x16xf32> to vector<16xf32>
      %parallel_loop3A_634 = vector.shape_cast %parallel_loop3A_625 : vector<16xf32> to vector<1x16xf32>
      tpu.vector_store %parallel_loop3A_629[%parallel_loop3A_630, %parallel_loop3A_631], %parallel_loop3A_634 {add = true, strides = array<i32>} : memref<128x128xf32, #tpu.memory_space<vmem>>, vector<1x16xf32>,
      %parallel_loop3A_635 = arith.constant 0 : i32
      %parallel_loop3A_636 = arith.addi %parallel_loop3A_635, %parallel_loop3A_619 : i32
      %parallel_loop3A_637 = arith.index_cast %parallel_loop3A_636 : i32 to index
      %parallel_loop3A_638 = arith.constant 16 : index
      %parallel_loop3A_639 = tpu.vector_load %arg8[%parallel_loop3A_637, %parallel_loop3A_638] {strides = array<i32>} : memref<256x128xf32, #tpu.memory_space<vmem>>, vector<1x16xf32>,
      %parallel_loop3A_640 = vector.shape_cast %parallel_loop3A_639 : vector<1x16xf32> to vector<16xf32>
      %parallel_loop3A_641 = arith.constant 0 : i32
      %parallel_loop3A_642 = arith.constant 0 : i32
      %parallel_loop3A_643 = tpu.memref_slice %arg10[%parallel_loop3A_86, %parallel_loop3A_641, %parallel_loop3A_642] : memref<4x128x128xf32, #tpu.memory_space<vmem>> -> memref<1x128x128xf32, #tpu.memory_space<vmem>>
      %parallel_loop3A_644 = tpu.memref_squeeze %parallel_loop3A_643 : memref<1x128x128xf32, #tpu.memory_space<vmem>> -> memref<128x128xf32, #tpu.memory_space<vmem>>
      %parallel_loop3A_645 = arith.index_cast %parallel_loop3A_619 : i32 to index
      %parallel_loop3A_646 = arith.constant 16 : index
      %parallel_loop3A_647 = tpu.vector_load %parallel_loop3A_644[%parallel_loop3A_645, %parallel_loop3A_646] {strides = array<i32>} : memref<128x128xf32, #tpu.memory_space<vmem>>, vector<1x16xf32>,
      %parallel_loop3A_648 = vector.shape_cast %parallel_loop3A_647 : vector<1x16xf32> to vector<16xf32>
      %parallel_loop3A_649 = vector.shape_cast %parallel_loop3A_640 : vector<16xf32> to vector<1x16xf32>
      tpu.vector_store %parallel_loop3A_644[%parallel_loop3A_645, %parallel_loop3A_646], %parallel_loop3A_649 {add = true, strides = array<i32>} : memref<128x128xf32, #tpu.memory_space<vmem>>, vector<1x16xf32>,
      %parallel_loop3A_650 = arith.constant 0 : i32
      %parallel_loop3A_651 = arith.addi %parallel_loop3A_650, %parallel_loop3A_619 : i32
      %parallel_loop3A_652 = arith.index_cast %parallel_loop3A_651 : i32 to index
      %parallel_loop3A_653 = arith.constant 32 : index
      %parallel_loop3A_654 = tpu.vector_load %arg8[%parallel_loop3A_652, %parallel_loop3A_653] {strides = array<i32>} : memref<256x128xf32, #tpu.memory_space<vmem>>, vector<1x16xf32>,
      %parallel_loop3A_655 = vector.shape_cast %parallel_loop3A_654 : vector<1x16xf32> to vector<16xf32>
      %parallel_loop3A_656 = arith.constant 0 : i32
      %parallel_loop3A_657 = arith.constant 0 : i32
      %parallel_loop3A_658 = tpu.memref_slice %arg10[%parallel_loop3A_86, %parallel_loop3A_656, %parallel_loop3A_657] : memref<4x128x128xf32, #tpu.memory_space<vmem>> -> memref<1x128x128xf32, #tpu.memory_space<vmem>>
      %parallel_loop3A_659 = tpu.memref_squeeze %parallel_loop3A_658 : memref<1x128x128xf32, #tpu.memory_space<vmem>> -> memref<128x128xf32, #tpu.memory_space<vmem>>
      %parallel_loop3A_660 = arith.index_cast %parallel_loop3A_619 : i32 to index
      %parallel_loop3A_661 = arith.constant 32 : index
      %parallel_loop3A_662 = tpu.vector_load %parallel_loop3A_659[%parallel_loop3A_660, %parallel_loop3A_661] {strides = array<i32>} : memref<128x128xf32, #tpu.memory_space<vmem>>, vector<1x16xf32>,
      %parallel_loop3A_663 = vector.shape_cast %parallel_loop3A_662 : vector<1x16xf32> to vector<16xf32>
      %parallel_loop3A_664 = vector.shape_cast %parallel_loop3A_655 : vector<16xf32> to vector<1x16xf32>
      tpu.vector_store %parallel_loop3A_659[%parallel_loop3A_660, %parallel_loop3A_661], %parallel_loop3A_664 {add = true, strides = array<i32>} : memref<128x128xf32, #tpu.memory_space<vmem>>, vector<1x16xf32>,
      %parallel_loop3A_665 = arith.constant 0 : i32
      %parallel_loop3A_666 = arith.addi %parallel_loop3A_665, %parallel_loop3A_619 : i32
      %parallel_loop3A_667 = arith.index_cast %parallel_loop3A_666 : i32 to index
      %parallel_loop3A_668 = arith.constant 48 : index
      %parallel_loop3A_669 = tpu.vector_load %arg8[%parallel_loop3A_667, %parallel_loop3A_668] {strides = array<i32>} : memref<256x128xf32, #tpu.memory_space<vmem>>, vector<1x16xf32>,
      %parallel_loop3A_670 = vector.shape_cast %parallel_loop3A_669 : vector<1x16xf32> to vector<16xf32>
      %parallel_loop3A_671 = arith.constant 0 : i32
      %parallel_loop3A_672 = arith.constant 0 : i32
      %parallel_loop3A_673 = tpu.memref_slice %arg10[%parallel_loop3A_86, %parallel_loop3A_671, %parallel_loop3A_672] : memref<4x128x128xf32, #tpu.memory_space<vmem>> -> memref<1x128x128xf32, #tpu.memory_space<vmem>>
      %parallel_loop3A_674 = tpu.memref_squeeze %parallel_loop3A_673 : memref<1x128x128xf32, #tpu.memory_space<vmem>> -> memref<128x128xf32, #tpu.memory_space<vmem>>
      %parallel_loop3A_675 = arith.index_cast %parallel_loop3A_619 : i32 to index
      %parallel_loop3A_676 = arith.constant 48 : index
      %parallel_loop3A_677 = tpu.vector_load %parallel_loop3A_674[%parallel_loop3A_675, %parallel_loop3A_676] {strides = array<i32>} : memref<128x128xf32, #tpu.memory_space<vmem>>, vector<1x16xf32>,
      %parallel_loop3A_678 = vector.shape_cast %parallel_loop3A_677 : vector<1x16xf32> to vector<16xf32>
      %parallel_loop3A_679 = vector.shape_cast %parallel_loop3A_670 : vector<16xf32> to vector<1x16xf32>
      tpu.vector_store %parallel_loop3A_674[%parallel_loop3A_675, %parallel_loop3A_676], %parallel_loop3A_679 {add = true, strides = array<i32>} : memref<128x128xf32, #tpu.memory_space<vmem>>, vector<1x16xf32>,
      %parallel_loop3A_680 = arith.constant 0 : i32
      %parallel_loop3A_681 = arith.addi %parallel_loop3A_680, %parallel_loop3A_619 : i32
      %parallel_loop3A_682 = arith.index_cast %parallel_loop3A_681 : i32 to index
      %parallel_loop3A_683 = arith.constant 64 : index
      %parallel_loop3A_684 = tpu.vector_load %arg8[%parallel_loop3A_682, %parallel_loop3A_683] {strides = array<i32>} : memref<256x128xf32, #tpu.memory_space<vmem>>, vector<1x16xf32>,
      %parallel_loop3A_685 = vector.shape_cast %parallel_loop3A_684 : vector<1x16xf32> to vector<16xf32>
      %parallel_loop3A_686 = arith.constant 0 : i32
      %parallel_loop3A_687 = arith.constant 0 : i32
      %parallel_loop3A_688 = tpu.memref_slice %arg10[%parallel_loop3A_86, %parallel_loop3A_686, %parallel_loop3A_687] : memref<4x128x128xf32, #tpu.memory_space<vmem>> -> memref<1x128x128xf32, #tpu.memory_space<vmem>>
      %parallel_loop3A_689 = tpu.memref_squeeze %parallel_loop3A_688 : memref<1x128x128xf32, #tpu.memory_space<vmem>> -> memref<128x128xf32, #tpu.memory_space<vmem>>
      %parallel_loop3A_690 = arith.index_cast %parallel_loop3A_619 : i32 to index
      %parallel_loop3A_691 = arith.constant 64 : index
      %parallel_loop3A_692 = tpu.vector_load %parallel_loop3A_689[%parallel_loop3A_690, %parallel_loop3A_691] {strides = array<i32>} : memref<128x128xf32, #tpu.memory_space<vmem>>, vector<1x16xf32>,
      %parallel_loop3A_693 = vector.shape_cast %parallel_loop3A_692 : vector<1x16xf32> to vector<16xf32>
      %parallel_loop3A_694 = vector.shape_cast %parallel_loop3A_685 : vector<16xf32> to vector<1x16xf32>
      tpu.vector_store %parallel_loop3A_689[%parallel_loop3A_690, %parallel_loop3A_691], %parallel_loop3A_694 {add = true, strides = array<i32>} : memref<128x128xf32, #tpu.memory_space<vmem>>, vector<1x16xf32>,
      %parallel_loop3A_695 = arith.constant 0 : i32
      %parallel_loop3A_696 = arith.addi %parallel_loop3A_695, %parallel_loop3A_619 : i32
      %parallel_loop3A_697 = arith.index_cast %parallel_loop3A_696 : i32 to index
      %parallel_loop3A_698 = arith.constant 80 : index
      %parallel_loop3A_699 = tpu.vector_load %arg8[%parallel_loop3A_697, %parallel_loop3A_698] {strides = array<i32>} : memref<256x128xf32, #tpu.memory_space<vmem>>, vector<1x16xf32>,
      %parallel_loop3A_700 = vector.shape_cast %parallel_loop3A_699 : vector<1x16xf32> to vector<16xf32>
      %parallel_loop3A_701 = arith.constant 0 : i32
      %parallel_loop3A_702 = arith.constant 0 : i32
      %parallel_loop3A_703 = tpu.memref_slice %arg10[%parallel_loop3A_86, %parallel_loop3A_701, %parallel_loop3A_702] : memref<4x128x128xf32, #tpu.memory_space<vmem>> -> memref<1x128x128xf32, #tpu.memory_space<vmem>>
      %parallel_loop3A_704 = tpu.memref_squeeze %parallel_loop3A_703 : memref<1x128x128xf32, #tpu.memory_space<vmem>> -> memref<128x128xf32, #tpu.memory_space<vmem>>
      %parallel_loop3A_705 = arith.index_cast %parallel_loop3A_619 : i32 to index
      %parallel_loop3A_706 = arith.constant 80 : index
      %parallel_loop3A_707 = tpu.vector_load %parallel_loop3A_704[%parallel_loop3A_705, %parallel_loop3A_706] {strides = array<i32>} : memref<128x128xf32, #tpu.memory_space<vmem>>, vector<1x16xf32>,
      %parallel_loop3A_708 = vector.shape_cast %parallel_loop3A_707 : vector<1x16xf32> to vector<16xf32>
      %parallel_loop3A_709 = vector.shape_cast %parallel_loop3A_700 : vector<16xf32> to vector<1x16xf32>
      tpu.vector_store %parallel_loop3A_704[%parallel_loop3A_705, %parallel_loop3A_706], %parallel_loop3A_709 {add = true, strides = array<i32>} : memref<128x128xf32, #tpu.memory_space<vmem>>, vector<1x16xf32>,
      %parallel_loop3A_710 = arith.constant 0 : i32
      %parallel_loop3A_711 = arith.addi %parallel_loop3A_710, %parallel_loop3A_619 : i32
      %parallel_loop3A_712 = arith.index_cast %parallel_loop3A_711 : i32 to index
      %parallel_loop3A_713 = arith.constant 96 : index
      %parallel_loop3A_714 = tpu.vector_load %arg8[%parallel_loop3A_712, %parallel_loop3A_713] {strides = array<i32>} : memref<256x128xf32, #tpu.memory_space<vmem>>, vector<1x16xf32>,
      %parallel_loop3A_715 = vector.shape_cast %parallel_loop3A_714 : vector<1x16xf32> to vector<16xf32>
      %parallel_loop3A_716 = arith.constant 0 : i32
      %parallel_loop3A_717 = arith.constant 0 : i32
      %parallel_loop3A_718 = tpu.memref_slice %arg10[%parallel_loop3A_86, %parallel_loop3A_716, %parallel_loop3A_717] : memref<4x128x128xf32, #tpu.memory_space<vmem>> -> memref<1x128x128xf32, #tpu.memory_space<vmem>>
      %parallel_loop3A_719 = tpu.memref_squeeze %parallel_loop3A_718 : memref<1x128x128xf32, #tpu.memory_space<vmem>> -> memref<128x128xf32, #tpu.memory_space<vmem>>
      %parallel_loop3A_720 = arith.index_cast %parallel_loop3A_619 : i32 to index
      %parallel_loop3A_721 = arith.constant 96 : index
      %parallel_loop3A_722 = tpu.vector_load %parallel_loop3A_719[%parallel_loop3A_720, %parallel_loop3A_721] {strides = array<i32>} : memref<128x128xf32, #tpu.memory_space<vmem>>, vector<1x16xf32>,
      %parallel_loop3A_723 = vector.shape_cast %parallel_loop3A_722 : vector<1x16xf32> to vector<16xf32>
      %parallel_loop3A_724 = vector.shape_cast %parallel_loop3A_715 : vector<16xf32> to vector<1x16xf32>
      tpu.vector_store %parallel_loop3A_719[%parallel_loop3A_720, %parallel_loop3A_721], %parallel_loop3A_724 {add = true, strides = array<i32>} : memref<128x128xf32, #tpu.memory_space<vmem>>, vector<1x16xf32>,
      %parallel_loop3A_725 = arith.constant 0 : i32
      %parallel_loop3A_726 = arith.addi %parallel_loop3A_725, %parallel_loop3A_619 : i32
      %parallel_loop3A_727 = arith.index_cast %parallel_loop3A_726 : i32 to index
      %parallel_loop3A_728 = arith.constant 112 : index
      %parallel_loop3A_729 = tpu.vector_load %arg8[%parallel_loop3A_727, %parallel_loop3A_728] {strides = array<i32>} : memref<256x128xf32, #tpu.memory_space<vmem>>, vector<1x16xf32>,
      %parallel_loop3A_730 = vector.shape_cast %parallel_loop3A_729 : vector<1x16xf32> to vector<16xf32>
      %parallel_loop3A_731 = arith.constant 0 : i32
      %parallel_loop3A_732 = arith.constant 0 : i32
      %parallel_loop3A_733 = tpu.memref_slice %arg10[%parallel_loop3A_86, %parallel_loop3A_731, %parallel_loop3A_732] : memref<4x128x128xf32, #tpu.memory_space<vmem>> -> memref<1x128x128xf32, #tpu.memory_space<vmem>>
      %parallel_loop3A_734 = tpu.memref_squeeze %parallel_loop3A_733 : memref<1x128x128xf32, #tpu.memory_space<vmem>> -> memref<128x128xf32, #tpu.memory_space<vmem>>
      %parallel_loop3A_735 = arith.index_cast %parallel_loop3A_619 : i32 to index
      %parallel_loop3A_736 = arith.constant 112 : index
      %parallel_loop3A_737 = tpu.vector_load %parallel_loop3A_734[%parallel_loop3A_735, %parallel_loop3A_736] {strides = array<i32>} : memref<128x128xf32, #tpu.memory_space<vmem>>, vector<1x16xf32>,
      %parallel_loop3A_738 = vector.shape_cast %parallel_loop3A_737 : vector<1x16xf32> to vector<16xf32>
      %parallel_loop3A_739 = vector.shape_cast %parallel_loop3A_730 : vector<16xf32> to vector<1x16xf32>
      tpu.vector_store %parallel_loop3A_734[%parallel_loop3A_735, %parallel_loop3A_736], %parallel_loop3A_739 {add = true, strides = array<i32>} : memref<128x128xf32, #tpu.memory_space<vmem>>, vector<1x16xf32>,
    } {sc.loop_unroll_factor = 1 : i64, sc.parallel_access}
    %add3A_87 = arith.constant 0 : i32
    %add3A_88 = arith.addi %mul3A_2, %add3A_87 : i32
    %dma_start3A_89 = arith.constant 0 : i32
    %dma_start3A_90 = arith.constant 0 : i32
    %dma_start3A_91 = arith.constant 0 : i32
    %dma_start3A_92 = arith.constant 0 : i32
    %dma_start3A_93 = arith.constant 0 : i32
    %dma_start3A_94 = tpu.memref_slice %arg10[%dma_start3A_89, %dma_start3A_92, %dma_start3A_93] : memref<4x128x128xf32, #tpu.memory_space<vmem>> -> memref<1x128x128xf32, #tpu.memory_space<vmem>>
    %dma_start3A_95 = tpu.memref_squeeze %dma_start3A_94 : memref<1x128x128xf32, #tpu.memory_space<vmem>> -> memref<128x128xf32, #tpu.memory_space<vmem>>
    %dma_start3A_96 = arith.constant 0 : i32
    %dma_start3A_97 = tpu.memref_slice %arg5[%dma_start3A_90, %add3A_88, %dma_start3A_96] : memref<4x8192x128xf32, #tpu.memory_space<hbm>> -> memref<1x128x128xf32, #tpu.memory_space<hbm>>
    %dma_start3A_98 = tpu.memref_squeeze %dma_start3A_97 : memref<1x128x128xf32, #tpu.memory_space<hbm>> -> memref<128x128xf32, #tpu.memory_space<hbm>>
    %dma_start3A_99 = tpu.memref_slice %arg12[%dma_start3A_91] : memref<4x!tpu.dma_semaphore, #tpu.memory_space<semaphore_mem>> -> memref<1x!tpu.dma_semaphore, #tpu.memory_space<semaphore_mem>>
    %dma_start3A_100 = tpu.memref_squeeze %dma_start3A_99 : memref<1x!tpu.dma_semaphore, #tpu.memory_space<semaphore_mem>> -> memref<!tpu.dma_semaphore, #tpu.memory_space<semaphore_mem>>
    %dma_start3A_101 = arith.constant 0 : i32
    %dma_start3A_102 = tpu.memref_slice %arg5[%dma_start3A_90, %add3A_88, %dma_start3A_101] : memref<4x8192x128xf32, #tpu.memory_space<hbm>> -> memref<1x128x128xf32, #tpu.memory_space<hbm>>
    %dma_start3A_103 = tpu.memref_squeeze %dma_start3A_102 : memref<1x128x128xf32, #tpu.memory_space<hbm>> -> memref<128x128xf32, #tpu.memory_space<hbm>>
    %dma_start3A_104 = arith.constant 0 : i32
    %dma_start3A_105 = arith.constant 0 : i32
    %dma_start3A_106 = tpu.memref_slice %arg10[%dma_start3A_89, %dma_start3A_104, %dma_start3A_105] : memref<4x128x128xf32, #tpu.memory_space<vmem>> -> memref<1x128x128xf32, #tpu.memory_space<vmem>>
    %dma_start3A_107 = tpu.memref_squeeze %dma_start3A_106 : memref<1x128x128xf32, #tpu.memory_space<vmem>> -> memref<128x128xf32, #tpu.memory_space<vmem>>
    tpu.enqueue_dma source(%dma_start3A_107 : memref<128x128xf32, #tpu.memory_space<vmem>>) target(%dma_start3A_103 : memref<128x128xf32, #tpu.memory_space<hbm>>) target_semaphore(%dma_start3A_100 : memref<!tpu.dma_semaphore, #tpu.memory_space<semaphore_mem>>)
    %dma_start3A_108 = arith.constant 3 : i32
    %dma_start3A_109 = arith.constant 3 : i32
    %dma_start3A_110 = arith.constant 3 : i32
    %dma_start3A_111 = arith.constant 0 : i32
    %dma_start3A_112 = arith.constant 0 : i32
    %dma_start3A_113 = tpu.memref_slice %arg10[%dma_start3A_109, %dma_start3A_111, %dma_start3A_112] : memref<4x128x128xf32, #tpu.memory_space<vmem>> -> memref<1x128x128xf32, #tpu.memory_space<vmem>>
    %dma_start3A_114 = tpu.memref_squeeze %dma_start3A_113 : memref<1x128x128xf32, #tpu.memory_space<vmem>> -> memref<128x128xf32, #tpu.memory_space<vmem>>
    %dma_start3A_115 = arith.constant 0 : i32
    %dma_start3A_116 = tpu.memref_slice %arg7[%dma_start3A_108, %dma_start3A_115] : memref<4x256xi32, #tpu.memory_space<vmem>> -> memref<1x128xi32, #tpu.memory_space<vmem>>
    %dma_start3A_117 = tpu.memref_squeeze %dma_start3A_116 : memref<1x128xi32, #tpu.memory_space<vmem>> -> memref<128xi32, #tpu.memory_space<vmem>>
    %dma_start3A_118 = arith.constant 0 : i32
    %dma_start3A_119 = arith.constant 0 : i32
    %dma_start3A_120 = tpu.memref_slice %arg3[%dma_start3A_118, %dma_start3A_119] : memref<100000x128xf32, #tpu.memory_space<hbm>> -> memref<100000x128xf32, #tpu.memory_space<hbm>>
    %dma_start3A_121 = tpu.memref_slice %arg11[%dma_start3A_110] : memref<4x!tpu.dma_semaphore, #tpu.memory_space<semaphore_mem>> -> memref<1x!tpu.dma_semaphore, #tpu.memory_space<semaphore_mem>>
    %dma_start3A_122 = tpu.memref_squeeze %dma_start3A_121 : memref<1x!tpu.dma_semaphore, #tpu.memory_space<semaphore_mem>> -> memref<!tpu.dma_semaphore, #tpu.memory_space<semaphore_mem>>
    tpu.enqueue_indirect_dma source(%dma_start3A_120 : memref<100000x128xf32, #tpu.memory_space<hbm>>) target(%dma_start3A_114 : memref<128x128xf32, #tpu.memory_space<vmem>>) offsets(%dma_start3A_117 : memref<128xi32, #tpu.memory_space<vmem>>) semaphore(%dma_start3A_122 : memref<!tpu.dma_semaphore, #tpu.memory_space<semaphore_mem>>)
    %dma_wait3A_123 = arith.constant 1 : i32
    %dma_wait3A_124 = arith.constant 1 : i32
    %dma_wait3A_125 = arith.constant 1 : i32
    %dma_wait3A_126 = arith.constant 0 : i32
    %dma_wait3A_127 = arith.constant 0 : i32
    %dma_wait3A_128 = tpu.memref_slice %arg10[%dma_wait3A_124, %dma_wait3A_126, %dma_wait3A_127] : memref<4x128x128xf32, #tpu.memory_space<vmem>> -> memref<1x128x128xf32, #tpu.memory_space<vmem>>
    %dma_wait3A_129 = tpu.memref_squeeze %dma_wait3A_128 : memref<1x128x128xf32, #tpu.memory_space<vmem>> -> memref<128x128xf32, #tpu.memory_space<vmem>>
    %dma_wait3A_130 = arith.constant 0 : i32
    %dma_wait3A_131 = tpu.memref_slice %arg7[%dma_wait3A_123, %dma_wait3A_130] : memref<4x256xi32, #tpu.memory_space<vmem>> -> memref<1x128xi32, #tpu.memory_space<vmem>>
    %dma_wait3A_132 = tpu.memref_squeeze %dma_wait3A_131 : memref<1x128xi32, #tpu.memory_space<vmem>> -> memref<128xi32, #tpu.memory_space<vmem>>
    %dma_wait3A_133 = arith.constant 0 : i32
    %dma_wait3A_134 = arith.constant 0 : i32
    %dma_wait3A_135 = tpu.memref_slice %arg3[%dma_wait3A_133, %dma_wait3A_134] : memref<100000x128xf32, #tpu.memory_space<hbm>> -> memref<100000x128xf32, #tpu.memory_space<hbm>>
    %dma_wait3A_136 = tpu.memref_slice %arg11[%dma_wait3A_125] : memref<4x!tpu.dma_semaphore, #tpu.memory_space<semaphore_mem>> -> memref<1x!tpu.dma_semaphore, #tpu.memory_space<semaphore_mem>>
    %dma_wait3A_137 = tpu.memref_squeeze %dma_wait3A_136 : memref<1x!tpu.dma_semaphore, #tpu.memory_space<semaphore_mem>> -> memref<!tpu.dma_semaphore, #tpu.memory_space<semaphore_mem>>
    tpu.wait_indirect_dma semaphore(%dma_wait3A_137 : memref<!tpu.dma_semaphore, #tpu.memory_space<semaphore_mem>>) src(%dma_wait3A_135 : memref<100000x128xf32, #tpu.memory_space<hbm>>) dst(%dma_wait3A_129 : memref<128x128xf32, #tpu.memory_space<vmem>>)
    %parallel_loop3A_138 = arith.constant 0 : i32
    %parallel_loop3A_139 = arith.constant 128 : i32
    %parallel_loop3A_140 = arith.constant 1 : i32
    %parallel_loop3A_141 = arith.constant 1 : i32
    scf.for %parallel_loop3A_619 = %parallel_loop3A_138 to %parallel_loop3A_139 step %parallel_loop3A_140  : i32 {
      %parallel_loop3A_620 = arith.constant 0 : i32
      %parallel_loop3A_621 = arith.addi %parallel_loop3A_620, %parallel_loop3A_619 : i32
      %parallel_loop3A_622 = arith.index_cast %parallel_loop3A_621 : i32 to index
      %parallel_loop3A_623 = arith.constant 0 : index
      %parallel_loop3A_624 = tpu.vector_load %arg8[%parallel_loop3A_622, %parallel_loop3A_623] {strides = array<i32>} : memref<256x128xf32, #tpu.memory_space<vmem>>, vector<1x16xf32>,
      %parallel_loop3A_625 = vector.shape_cast %parallel_loop3A_624 : vector<1x16xf32> to vector<16xf32>
      %parallel_loop3A_626 = arith.constant 0 : i32
      %parallel_loop3A_627 = arith.constant 0 : i32
      %parallel_loop3A_628 = tpu.memref_slice %arg10[%parallel_loop3A_141, %parallel_loop3A_626, %parallel_loop3A_627] : memref<4x128x128xf32, #tpu.memory_space<vmem>> -> memref<1x128x128xf32, #tpu.memory_space<vmem>>
      %parallel_loop3A_629 = tpu.memref_squeeze %parallel_loop3A_628 : memref<1x128x128xf32, #tpu.memory_space<vmem>> -> memref<128x128xf32, #tpu.memory_space<vmem>>
      %parallel_loop3A_630 = arith.index_cast %parallel_loop3A_619 : i32 to index
      %parallel_loop3A_631 = arith.constant 0 : index
      %parallel_loop3A_632 = tpu.vector_load %parallel_loop3A_629[%parallel_loop3A_630, %parallel_loop3A_631] {strides = array<i32>} : memref<128x128xf32, #tpu.memory_space<vmem>>, vector<1x16xf32>,
      %parallel_loop3A_633 = vector.shape_cast %parallel_loop3A_632 : vector<1x16xf32> to vector<16xf32>
      %parallel_loop3A_634 = vector.shape_cast %parallel_loop3A_625 : vector<16xf32> to vector<1x16xf32>
      tpu.vector_store %parallel_loop3A_629[%parallel_loop3A_630, %parallel_loop3A_631], %parallel_loop3A_634 {add = true, strides = array<i32>} : memref<128x128xf32, #tpu.memory_space<vmem>>, vector<1x16xf32>,
      %parallel_loop3A_635 = arith.constant 0 : i32
      %parallel_loop3A_636 = arith.addi %parallel_loop3A_635, %parallel_loop3A_619 : i32
      %parallel_loop3A_637 = arith.index_cast %parallel_loop3A_636 : i32 to index
      %parallel_loop3A_638 = arith.constant 16 : index
      %parallel_loop3A_639 = tpu.vector_load %arg8[%parallel_loop3A_637, %parallel_loop3A_638] {strides = array<i32>} : memref<256x128xf32, #tpu.memory_space<vmem>>, vector<1x16xf32>,
      %parallel_loop3A_640 = vector.shape_cast %parallel_loop3A_639 : vector<1x16xf32> to vector<16xf32>
      %parallel_loop3A_641 = arith.constant 0 : i32
      %parallel_loop3A_642 = arith.constant 0 : i32
      %parallel_loop3A_643 = tpu.memref_slice %arg10[%parallel_loop3A_141, %parallel_loop3A_641, %parallel_loop3A_642] : memref<4x128x128xf32, #tpu.memory_space<vmem>> -> memref<1x128x128xf32, #tpu.memory_space<vmem>>
      %parallel_loop3A_644 = tpu.memref_squeeze %parallel_loop3A_643 : memref<1x128x128xf32, #tpu.memory_space<vmem>> -> memref<128x128xf32, #tpu.memory_space<vmem>>
      %parallel_loop3A_645 = arith.index_cast %parallel_loop3A_619 : i32 to index
      %parallel_loop3A_646 = arith.constant 16 : index
      %parallel_loop3A_647 = tpu.vector_load %parallel_loop3A_644[%parallel_loop3A_645, %parallel_loop3A_646] {strides = array<i32>} : memref<128x128xf32, #tpu.memory_space<vmem>>, vector<1x16xf32>,
      %parallel_loop3A_648 = vector.shape_cast %parallel_loop3A_647 : vector<1x16xf32> to vector<16xf32>
      %parallel_loop3A_649 = vector.shape_cast %parallel_loop3A_640 : vector<16xf32> to vector<1x16xf32>
      tpu.vector_store %parallel_loop3A_644[%parallel_loop3A_645, %parallel_loop3A_646], %parallel_loop3A_649 {add = true, strides = array<i32>} : memref<128x128xf32, #tpu.memory_space<vmem>>, vector<1x16xf32>,
      %parallel_loop3A_650 = arith.constant 0 : i32
      %parallel_loop3A_651 = arith.addi %parallel_loop3A_650, %parallel_loop3A_619 : i32
      %parallel_loop3A_652 = arith.index_cast %parallel_loop3A_651 : i32 to index
      %parallel_loop3A_653 = arith.constant 32 : index
      %parallel_loop3A_654 = tpu.vector_load %arg8[%parallel_loop3A_652, %parallel_loop3A_653] {strides = array<i32>} : memref<256x128xf32, #tpu.memory_space<vmem>>, vector<1x16xf32>,
      %parallel_loop3A_655 = vector.shape_cast %parallel_loop3A_654 : vector<1x16xf32> to vector<16xf32>
      %parallel_loop3A_656 = arith.constant 0 : i32
      %parallel_loop3A_657 = arith.constant 0 : i32
      %parallel_loop3A_658 = tpu.memref_slice %arg10[%parallel_loop3A_141, %parallel_loop3A_656, %parallel_loop3A_657] : memref<4x128x128xf32, #tpu.memory_space<vmem>> -> memref<1x128x128xf32, #tpu.memory_space<vmem>>
      %parallel_loop3A_659 = tpu.memref_squeeze %parallel_loop3A_658 : memref<1x128x128xf32, #tpu.memory_space<vmem>> -> memref<128x128xf32, #tpu.memory_space<vmem>>
      %parallel_loop3A_660 = arith.index_cast %parallel_loop3A_619 : i32 to index
      %parallel_loop3A_661 = arith.constant 32 : index
      %parallel_loop3A_662 = tpu.vector_load %parallel_loop3A_659[%parallel_loop3A_660, %parallel_loop3A_661] {strides = array<i32>} : memref<128x128xf32, #tpu.memory_space<vmem>>, vector<1x16xf32>,
      %parallel_loop3A_663 = vector.shape_cast %parallel_loop3A_662 : vector<1x16xf32> to vector<16xf32>
      %parallel_loop3A_664 = vector.shape_cast %parallel_loop3A_655 : vector<16xf32> to vector<1x16xf32>
      tpu.vector_store %parallel_loop3A_659[%parallel_loop3A_660, %parallel_loop3A_661], %parallel_loop3A_664 {add = true, strides = array<i32>} : memref<128x128xf32, #tpu.memory_space<vmem>>, vector<1x16xf32>,
      %parallel_loop3A_665 = arith.constant 0 : i32
      %parallel_loop3A_666 = arith.addi %parallel_loop3A_665, %parallel_loop3A_619 : i32
      %parallel_loop3A_667 = arith.index_cast %parallel_loop3A_666 : i32 to index
      %parallel_loop3A_668 = arith.constant 48 : index
      %parallel_loop3A_669 = tpu.vector_load %arg8[%parallel_loop3A_667, %parallel_loop3A_668] {strides = array<i32>} : memref<256x128xf32, #tpu.memory_space<vmem>>, vector<1x16xf32>,
      %parallel_loop3A_670 = vector.shape_cast %parallel_loop3A_669 : vector<1x16xf32> to vector<16xf32>
      %parallel_loop3A_671 = arith.constant 0 : i32
      %parallel_loop3A_672 = arith.constant 0 : i32
      %parallel_loop3A_673 = tpu.memref_slice %arg10[%parallel_loop3A_141, %parallel_loop3A_671, %parallel_loop3A_672] : memref<4x128x128xf32, #tpu.memory_space<vmem>> -> memref<1x128x128xf32, #tpu.memory_space<vmem>>
      %parallel_loop3A_674 = tpu.memref_squeeze %parallel_loop3A_673 : memref<1x128x128xf32, #tpu.memory_space<vmem>> -> memref<128x128xf32, #tpu.memory_space<vmem>>
      %parallel_loop3A_675 = arith.index_cast %parallel_loop3A_619 : i32 to index
      %parallel_loop3A_676 = arith.constant 48 : index
      %parallel_loop3A_677 = tpu.vector_load %parallel_loop3A_674[%parallel_loop3A_675, %parallel_loop3A_676] {strides = array<i32>} : memref<128x128xf32, #tpu.memory_space<vmem>>, vector<1x16xf32>,
      %parallel_loop3A_678 = vector.shape_cast %parallel_loop3A_677 : vector<1x16xf32> to vector<16xf32>
      %parallel_loop3A_679 = vector.shape_cast %parallel_loop3A_670 : vector<16xf32> to vector<1x16xf32>
      tpu.vector_store %parallel_loop3A_674[%parallel_loop3A_675, %parallel_loop3A_676], %parallel_loop3A_679 {add = true, strides = array<i32>} : memref<128x128xf32, #tpu.memory_space<vmem>>, vector<1x16xf32>,
      %parallel_loop3A_680 = arith.constant 0 : i32
      %parallel_loop3A_681 = arith.addi %parallel_loop3A_680, %parallel_loop3A_619 : i32
      %parallel_loop3A_682 = arith.index_cast %parallel_loop3A_681 : i32 to index
      %parallel_loop3A_683 = arith.constant 64 : index
      %parallel_loop3A_684 = tpu.vector_load %arg8[%parallel_loop3A_682, %parallel_loop3A_683] {strides = array<i32>} : memref<256x128xf32, #tpu.memory_space<vmem>>, vector<1x16xf32>,
      %parallel_loop3A_685 = vector.shape_cast %parallel_loop3A_684 : vector<1x16xf32> to vector<16xf32>
      %parallel_loop3A_686 = arith.constant 0 : i32
      %parallel_loop3A_687 = arith.constant 0 : i32
      %parallel_loop3A_688 = tpu.memref_slice %arg10[%parallel_loop3A_141, %parallel_loop3A_686, %parallel_loop3A_687] : memref<4x128x128xf32, #tpu.memory_space<vmem>> -> memref<1x128x128xf32, #tpu.memory_space<vmem>>
      %parallel_loop3A_689 = tpu.memref_squeeze %parallel_loop3A_688 : memref<1x128x128xf32, #tpu.memory_space<vmem>> -> memref<128x128xf32, #tpu.memory_space<vmem>>
      %parallel_loop3A_690 = arith.index_cast %parallel_loop3A_619 : i32 to index
      %parallel_loop3A_691 = arith.constant 64 : index
      %parallel_loop3A_692 = tpu.vector_load %parallel_loop3A_689[%parallel_loop3A_690, %parallel_loop3A_691] {strides = array<i32>} : memref<128x128xf32, #tpu.memory_space<vmem>>, vector<1x16xf32>,
      %parallel_loop3A_693 = vector.shape_cast %parallel_loop3A_692 : vector<1x16xf32> to vector<16xf32>
      %parallel_loop3A_694 = vector.shape_cast %parallel_loop3A_685 : vector<16xf32> to vector<1x16xf32>
      tpu.vector_store %parallel_loop3A_689[%parallel_loop3A_690, %parallel_loop3A_691], %parallel_loop3A_694 {add = true, strides = array<i32>} : memref<128x128xf32, #tpu.memory_space<vmem>>, vector<1x16xf32>,
      %parallel_loop3A_695 = arith.constant 0 : i32
      %parallel_loop3A_696 = arith.addi %parallel_loop3A_695, %parallel_loop3A_619 : i32
      %parallel_loop3A_697 = arith.index_cast %parallel_loop3A_696 : i32 to index
      %parallel_loop3A_698 = arith.constant 80 : index
      %parallel_loop3A_699 = tpu.vector_load %arg8[%parallel_loop3A_697, %parallel_loop3A_698] {strides = array<i32>} : memref<256x128xf32, #tpu.memory_space<vmem>>, vector<1x16xf32>,
      %parallel_loop3A_700 = vector.shape_cast %parallel_loop3A_699 : vector<1x16xf32> to vector<16xf32>
      %parallel_loop3A_701 = arith.constant 0 : i32
      %parallel_loop3A_702 = arith.constant 0 : i32
      %parallel_loop3A_703 = tpu.memref_slice %arg10[%parallel_loop3A_141, %parallel_loop3A_701, %parallel_loop3A_702] : memref<4x128x128xf32, #tpu.memory_space<vmem>> -> memref<1x128x128xf32, #tpu.memory_space<vmem>>
      %parallel_loop3A_704 = tpu.memref_squeeze %parallel_loop3A_703 : memref<1x128x128xf32, #tpu.memory_space<vmem>> -> memref<128x128xf32, #tpu.memory_space<vmem>>
      %parallel_loop3A_705 = arith.index_cast %parallel_loop3A_619 : i32 to index
      %parallel_loop3A_706 = arith.constant 80 : index
      %parallel_loop3A_707 = tpu.vector_load %parallel_loop3A_704[%parallel_loop3A_705, %parallel_loop3A_706] {strides = array<i32>} : memref<128x128xf32, #tpu.memory_space<vmem>>, vector<1x16xf32>,
      %parallel_loop3A_708 = vector.shape_cast %parallel_loop3A_707 : vector<1x16xf32> to vector<16xf32>
      %parallel_loop3A_709 = vector.shape_cast %parallel_loop3A_700 : vector<16xf32> to vector<1x16xf32>
      tpu.vector_store %parallel_loop3A_704[%parallel_loop3A_705, %parallel_loop3A_706], %parallel_loop3A_709 {add = true, strides = array<i32>} : memref<128x128xf32, #tpu.memory_space<vmem>>, vector<1x16xf32>,
      %parallel_loop3A_710 = arith.constant 0 : i32
      %parallel_loop3A_711 = arith.addi %parallel_loop3A_710, %parallel_loop3A_619 : i32
      %parallel_loop3A_712 = arith.index_cast %parallel_loop3A_711 : i32 to index
      %parallel_loop3A_713 = arith.constant 96 : index
      %parallel_loop3A_714 = tpu.vector_load %arg8[%parallel_loop3A_712, %parallel_loop3A_713] {strides = array<i32>} : memref<256x128xf32, #tpu.memory_space<vmem>>, vector<1x16xf32>,
      %parallel_loop3A_715 = vector.shape_cast %parallel_loop3A_714 : vector<1x16xf32> to vector<16xf32>
      %parallel_loop3A_716 = arith.constant 0 : i32
      %parallel_loop3A_717 = arith.constant 0 : i32
      %parallel_loop3A_718 = tpu.memref_slice %arg10[%parallel_loop3A_141, %parallel_loop3A_716, %parallel_loop3A_717] : memref<4x128x128xf32, #tpu.memory_space<vmem>> -> memref<1x128x128xf32, #tpu.memory_space<vmem>>
      %parallel_loop3A_719 = tpu.memref_squeeze %parallel_loop3A_718 : memref<1x128x128xf32, #tpu.memory_space<vmem>> -> memref<128x128xf32, #tpu.memory_space<vmem>>
      %parallel_loop3A_720 = arith.index_cast %parallel_loop3A_619 : i32 to index
      %parallel_loop3A_721 = arith.constant 96 : index
      %parallel_loop3A_722 = tpu.vector_load %parallel_loop3A_719[%parallel_loop3A_720, %parallel_loop3A_721] {strides = array<i32>} : memref<128x128xf32, #tpu.memory_space<vmem>>, vector<1x16xf32>,
      %parallel_loop3A_723 = vector.shape_cast %parallel_loop3A_722 : vector<1x16xf32> to vector<16xf32>
      %parallel_loop3A_724 = vector.shape_cast %parallel_loop3A_715 : vector<16xf32> to vector<1x16xf32>
      tpu.vector_store %parallel_loop3A_719[%parallel_loop3A_720, %parallel_loop3A_721], %parallel_loop3A_724 {add = true, strides = array<i32>} : memref<128x128xf32, #tpu.memory_space<vmem>>, vector<1x16xf32>,
      %parallel_loop3A_725 = arith.constant 0 : i32
      %parallel_loop3A_726 = arith.addi %parallel_loop3A_725, %parallel_loop3A_619 : i32
      %parallel_loop3A_727 = arith.index_cast %parallel_loop3A_726 : i32 to index
      %parallel_loop3A_728 = arith.constant 112 : index
      %parallel_loop3A_729 = tpu.vector_load %arg8[%parallel_loop3A_727, %parallel_loop3A_728] {strides = array<i32>} : memref<256x128xf32, #tpu.memory_space<vmem>>, vector<1x16xf32>,
      %parallel_loop3A_730 = vector.shape_cast %parallel_loop3A_729 : vector<1x16xf32> to vector<16xf32>
      %parallel_loop3A_731 = arith.constant 0 : i32
      %parallel_loop3A_732 = arith.constant 0 : i32
      %parallel_loop3A_733 = tpu.memref_slice %arg10[%parallel_loop3A_141, %parallel_loop3A_731, %parallel_loop3A_732] : memref<4x128x128xf32, #tpu.memory_space<vmem>> -> memref<1x128x128xf32, #tpu.memory_space<vmem>>
      %parallel_loop3A_734 = tpu.memref_squeeze %parallel_loop3A_733 : memref<1x128x128xf32, #tpu.memory_space<vmem>> -> memref<128x128xf32, #tpu.memory_space<vmem>>
      %parallel_loop3A_735 = arith.index_cast %parallel_loop3A_619 : i32 to index
      %parallel_loop3A_736 = arith.constant 112 : index
      %parallel_loop3A_737 = tpu.vector_load %parallel_loop3A_734[%parallel_loop3A_735, %parallel_loop3A_736] {strides = array<i32>} : memref<128x128xf32, #tpu.memory_space<vmem>>, vector<1x16xf32>,
      %parallel_loop3A_738 = vector.shape_cast %parallel_loop3A_737 : vector<1x16xf32> to vector<16xf32>
      %parallel_loop3A_739 = vector.shape_cast %parallel_loop3A_730 : vector<16xf32> to vector<1x16xf32>
      tpu.vector_store %parallel_loop3A_734[%parallel_loop3A_735, %parallel_loop3A_736], %parallel_loop3A_739 {add = true, strides = array<i32>} : memref<128x128xf32, #tpu.memory_space<vmem>>, vector<1x16xf32>,
    } {sc.loop_unroll_factor = 1 : i64, sc.parallel_access}
    %add3A_142 = arith.constant 0 : i32
    %add3A_143 = arith.addi %mul3A_2, %add3A_142 : i32
    %dma_start3A_144 = arith.constant 1 : i32
    %dma_start3A_145 = arith.constant 1 : i32
    %dma_start3A_146 = arith.constant 1 : i32
    %dma_start3A_147 = arith.constant 0 : i32
    %dma_start3A_148 = arith.constant 0 : i32
    %dma_start3A_149 = tpu.memref_slice %arg10[%dma_start3A_144, %dma_start3A_147, %dma_start3A_148] : memref<4x128x128xf32, #tpu.memory_space<vmem>> -> memref<1x128x128xf32, #tpu.memory_space<vmem>>
    %dma_start3A_150 = tpu.memref_squeeze %dma_start3A_149 : memref<1x128x128xf32, #tpu.memory_space<vmem>> -> memref<128x128xf32, #tpu.memory_space<vmem>>
    %dma_start3A_151 = arith.constant 0 : i32
    %dma_start3A_152 = tpu.memref_slice %arg5[%dma_start3A_145, %add3A_143, %dma_start3A_151] : memref<4x8192x128xf32, #tpu.memory_space<hbm>> -> memref<1x128x128xf32, #tpu.memory_space<hbm>>
    %dma_start3A_153 = tpu.memref_squeeze %dma_start3A_152 : memref<1x128x128xf32, #tpu.memory_space<hbm>> -> memref<128x128xf32, #tpu.memory_space<hbm>>
    %dma_start3A_154 = tpu.memref_slice %arg12[%dma_start3A_146] : memref<4x!tpu.dma_semaphore, #tpu.memory_space<semaphore_mem>> -> memref<1x!tpu.dma_semaphore, #tpu.memory_space<semaphore_mem>>
    %dma_start3A_155 = tpu.memref_squeeze %dma_start3A_154 : memref<1x!tpu.dma_semaphore, #tpu.memory_space<semaphore_mem>> -> memref<!tpu.dma_semaphore, #tpu.memory_space<semaphore_mem>>
    %dma_start3A_156 = arith.constant 0 : i32
    %dma_start3A_157 = tpu.memref_slice %arg5[%dma_start3A_145, %add3A_143, %dma_start3A_156] : memref<4x8192x128xf32, #tpu.memory_space<hbm>> -> memref<1x128x128xf32, #tpu.memory_space<hbm>>
    %dma_start3A_158 = tpu.memref_squeeze %dma_start3A_157 : memref<1x128x128xf32, #tpu.memory_space<hbm>> -> memref<128x128xf32, #tpu.memory_space<hbm>>
    %dma_start3A_159 = arith.constant 0 : i32
    %dma_start3A_160 = arith.constant 0 : i32
    %dma_start3A_161 = tpu.memref_slice %arg10[%dma_start3A_144, %dma_start3A_159, %dma_start3A_160] : memref<4x128x128xf32, #tpu.memory_space<vmem>> -> memref<1x128x128xf32, #tpu.memory_space<vmem>>
    %dma_start3A_162 = tpu.memref_squeeze %dma_start3A_161 : memref<1x128x128xf32, #tpu.memory_space<vmem>> -> memref<128x128xf32, #tpu.memory_space<vmem>>
    tpu.enqueue_dma source(%dma_start3A_162 : memref<128x128xf32, #tpu.memory_space<vmem>>) target(%dma_start3A_158 : memref<128x128xf32, #tpu.memory_space<hbm>>) target_semaphore(%dma_start3A_155 : memref<!tpu.dma_semaphore, #tpu.memory_space<semaphore_mem>>)
    %dma_wait3A_163 = arith.constant 0 : i32
    %dma_wait3A_164 = arith.constant 0 : i32
    %dma_wait3A_165 = arith.constant 0 : i32
    %dma_wait3A_166 = arith.constant 0 : i32
    %dma_wait3A_167 = arith.constant 0 : i32
    %dma_wait3A_168 = tpu.memref_slice %arg10[%dma_wait3A_163, %dma_wait3A_166, %dma_wait3A_167] : memref<4x128x128xf32, #tpu.memory_space<vmem>> -> memref<1x128x128xf32, #tpu.memory_space<vmem>>
    %dma_wait3A_169 = tpu.memref_squeeze %dma_wait3A_168 : memref<1x128x128xf32, #tpu.memory_space<vmem>> -> memref<128x128xf32, #tpu.memory_space<vmem>>
    %dma_wait3A_170 = arith.constant 0 : i32
    %dma_wait3A_171 = tpu.memref_slice %arg5[%dma_wait3A_164, %add3A_88, %dma_wait3A_170] : memref<4x8192x128xf32, #tpu.memory_space<hbm>> -> memref<1x128x128xf32, #tpu.memory_space<hbm>>
    %dma_wait3A_172 = tpu.memref_squeeze %dma_wait3A_171 : memref<1x128x128xf32, #tpu.memory_space<hbm>> -> memref<128x128xf32, #tpu.memory_space<hbm>>
    %dma_wait3A_173 = tpu.memref_slice %arg12[%dma_wait3A_165] : memref<4x!tpu.dma_semaphore, #tpu.memory_space<semaphore_mem>> -> memref<1x!tpu.dma_semaphore, #tpu.memory_space<semaphore_mem>>
    %dma_wait3A_174 = tpu.memref_squeeze %dma_wait3A_173 : memref<1x!tpu.dma_semaphore, #tpu.memory_space<semaphore_mem>> -> memref<!tpu.dma_semaphore, #tpu.memory_space<semaphore_mem>>
    %dma_wait3A_175 = arith.constant 0 : i32
    %dma_wait3A_176 = tpu.memref_slice %arg5[%dma_wait3A_164, %add3A_88, %dma_wait3A_175] : memref<4x8192x128xf32, #tpu.memory_space<hbm>> -> memref<1x128x128xf32, #tpu.memory_space<hbm>>
    %dma_wait3A_177 = tpu.memref_squeeze %dma_wait3A_176 : memref<1x128x128xf32, #tpu.memory_space<hbm>> -> memref<128x128xf32, #tpu.memory_space<hbm>>
    %dma_wait3A_178 = arith.constant 0 : i32
    %dma_wait3A_179 = arith.constant 0 : i32
    %dma_wait3A_180 = tpu.memref_slice %arg10[%dma_wait3A_163, %dma_wait3A_178, %dma_wait3A_179] : memref<4x128x128xf32, #tpu.memory_space<vmem>> -> memref<1x128x128xf32, #tpu.memory_space<vmem>>
    %dma_wait3A_181 = tpu.memref_squeeze %dma_wait3A_180 : memref<1x128x128xf32, #tpu.memory_space<vmem>> -> memref<128x128xf32, #tpu.memory_space<vmem>>
    tpu.wait_dma2 semaphore(%dma_wait3A_174 : memref<!tpu.dma_semaphore, #tpu.memory_space<semaphore_mem>>) src(%dma_wait3A_181 : memref<128x128xf32, #tpu.memory_space<vmem>>) dst(%dma_wait3A_177 : memref<128x128xf32, #tpu.memory_space<hbm>>)
    %dma_start3A_182 = arith.constant 0 : i32
    %dma_start3A_183 = arith.constant 0 : i32
    %dma_start3A_184 = arith.constant 0 : i32
    %dma_start3A_185 = arith.constant 0 : i32
    %dma_start3A_186 = arith.constant 0 : i32
    %dma_start3A_187 = tpu.memref_slice %arg10[%dma_start3A_183, %dma_start3A_185, %dma_start3A_186] : memref<4x128x128xf32, #tpu.memory_space<vmem>> -> memref<1x128x128xf32, #tpu.memory_space<vmem>>
    %dma_start3A_188 = tpu.memref_squeeze %dma_start3A_187 : memref<1x128x128xf32, #tpu.memory_space<vmem>> -> memref<128x128xf32, #tpu.memory_space<vmem>>
    %dma_start3A_189 = arith.constant 128 : i32
    %dma_start3A_190 = tpu.memref_slice %arg7[%dma_start3A_182, %dma_start3A_189] : memref<4x256xi32, #tpu.memory_space<vmem>> -> memref<1x128xi32, #tpu.memory_space<vmem>>
    %dma_start3A_191 = tpu.memref_squeeze %dma_start3A_190 : memref<1x128xi32, #tpu.memory_space<vmem>> -> memref<128xi32, #tpu.memory_space<vmem>>
    %dma_start3A_192 = arith.constant 0 : i32
    %dma_start3A_193 = arith.constant 0 : i32
    %dma_start3A_194 = tpu.memref_slice %arg3[%dma_start3A_192, %dma_start3A_193] : memref<100000x128xf32, #tpu.memory_space<hbm>> -> memref<100000x128xf32, #tpu.memory_space<hbm>>
    %dma_start3A_195 = tpu.memref_slice %arg11[%dma_start3A_184] : memref<4x!tpu.dma_semaphore, #tpu.memory_space<semaphore_mem>> -> memref<1x!tpu.dma_semaphore, #tpu.memory_space<semaphore_mem>>
    %dma_start3A_196 = tpu.memref_squeeze %dma_start3A_195 : memref<1x!tpu.dma_semaphore, #tpu.memory_space<semaphore_mem>> -> memref<!tpu.dma_semaphore, #tpu.memory_space<semaphore_mem>>
    tpu.enqueue_indirect_dma source(%dma_start3A_194 : memref<100000x128xf32, #tpu.memory_space<hbm>>) target(%dma_start3A_188 : memref<128x128xf32, #tpu.memory_space<vmem>>) offsets(%dma_start3A_191 : memref<128xi32, #tpu.memory_space<vmem>>) semaphore(%dma_start3A_196 : memref<!tpu.dma_semaphore, #tpu.memory_space<semaphore_mem>>)
    %dma_wait3A_197 = arith.constant 2 : i32
    %dma_wait3A_198 = arith.constant 2 : i32
    %dma_wait3A_199 = arith.constant 2 : i32
    %dma_wait3A_200 = arith.constant 0 : i32
    %dma_wait3A_201 = arith.constant 0 : i32
    %dma_wait3A_202 = tpu.memref_slice %arg10[%dma_wait3A_198, %dma_wait3A_200, %dma_wait3A_201] : memref<4x128x128xf32, #tpu.memory_space<vmem>> -> memref<1x128x128xf32, #tpu.memory_space<vmem>>
    %dma_wait3A_203 = tpu.memref_squeeze %dma_wait3A_202 : memref<1x128x128xf32, #tpu.memory_space<vmem>> -> memref<128x128xf32, #tpu.memory_space<vmem>>
    %dma_wait3A_204 = arith.constant 0 : i32
    %dma_wait3A_205 = tpu.memref_slice %arg7[%dma_wait3A_197, %dma_wait3A_204] : memref<4x256xi32, #tpu.memory_space<vmem>> -> memref<1x128xi32, #tpu.memory_space<vmem>>
    %dma_wait3A_206 = tpu.memref_squeeze %dma_wait3A_205 : memref<1x128xi32, #tpu.memory_space<vmem>> -> memref<128xi32, #tpu.memory_space<vmem>>
    %dma_wait3A_207 = arith.constant 0 : i32
    %dma_wait3A_208 = arith.constant 0 : i32
    %dma_wait3A_209 = tpu.memref_slice %arg3[%dma_wait3A_207, %dma_wait3A_208] : memref<100000x128xf32, #tpu.memory_space<hbm>> -> memref<100000x128xf32, #tpu.memory_space<hbm>>
    %dma_wait3A_210 = tpu.memref_slice %arg11[%dma_wait3A_199] : memref<4x!tpu.dma_semaphore, #tpu.memory_space<semaphore_mem>> -> memref<1x!tpu.dma_semaphore, #tpu.memory_space<semaphore_mem>>
    %dma_wait3A_211 = tpu.memref_squeeze %dma_wait3A_210 : memref<1x!tpu.dma_semaphore, #tpu.memory_space<semaphore_mem>> -> memref<!tpu.dma_semaphore, #tpu.memory_space<semaphore_mem>>
    tpu.wait_indirect_dma semaphore(%dma_wait3A_211 : memref<!tpu.dma_semaphore, #tpu.memory_space<semaphore_mem>>) src(%dma_wait3A_209 : memref<100000x128xf32, #tpu.memory_space<hbm>>) dst(%dma_wait3A_203 : memref<128x128xf32, #tpu.memory_space<vmem>>)
    %parallel_loop3A_212 = arith.constant 0 : i32
    %parallel_loop3A_213 = arith.constant 128 : i32
    %parallel_loop3A_214 = arith.constant 1 : i32
    %parallel_loop3A_215 = arith.constant 2 : i32
    scf.for %parallel_loop3A_619 = %parallel_loop3A_212 to %parallel_loop3A_213 step %parallel_loop3A_214  : i32 {
      %parallel_loop3A_620 = arith.constant 0 : i32
      %parallel_loop3A_621 = arith.addi %parallel_loop3A_620, %parallel_loop3A_619 : i32
      %parallel_loop3A_622 = arith.index_cast %parallel_loop3A_621 : i32 to index
      %parallel_loop3A_623 = arith.constant 0 : index
      %parallel_loop3A_624 = tpu.vector_load %arg8[%parallel_loop3A_622, %parallel_loop3A_623] {strides = array<i32>} : memref<256x128xf32, #tpu.memory_space<vmem>>, vector<1x16xf32>,
      %parallel_loop3A_625 = vector.shape_cast %parallel_loop3A_624 : vector<1x16xf32> to vector<16xf32>
      %parallel_loop3A_626 = arith.constant 0 : i32
      %parallel_loop3A_627 = arith.constant 0 : i32
      %parallel_loop3A_628 = tpu.memref_slice %arg10[%parallel_loop3A_215, %parallel_loop3A_626, %parallel_loop3A_627] : memref<4x128x128xf32, #tpu.memory_space<vmem>> -> memref<1x128x128xf32, #tpu.memory_space<vmem>>
      %parallel_loop3A_629 = tpu.memref_squeeze %parallel_loop3A_628 : memref<1x128x128xf32, #tpu.memory_space<vmem>> -> memref<128x128xf32, #tpu.memory_space<vmem>>
      %parallel_loop3A_630 = arith.index_cast %parallel_loop3A_619 : i32 to index
      %parallel_loop3A_631 = arith.constant 0 : index
      %parallel_loop3A_632 = tpu.vector_load %parallel_loop3A_629[%parallel_loop3A_630, %parallel_loop3A_631] {strides = array<i32>} : memref<128x128xf32, #tpu.memory_space<vmem>>, vector<1x16xf32>,
      %parallel_loop3A_633 = vector.shape_cast %parallel_loop3A_632 : vector<1x16xf32> to vector<16xf32>
      %parallel_loop3A_634 = vector.shape_cast %parallel_loop3A_625 : vector<16xf32> to vector<1x16xf32>
      tpu.vector_store %parallel_loop3A_629[%parallel_loop3A_630, %parallel_loop3A_631], %parallel_loop3A_634 {add = true, strides = array<i32>} : memref<128x128xf32, #tpu.memory_space<vmem>>, vector<1x16xf32>,
      %parallel_loop3A_635 = arith.constant 0 : i32
      %parallel_loop3A_636 = arith.addi %parallel_loop3A_635, %parallel_loop3A_619 : i32
      %parallel_loop3A_637 = arith.index_cast %parallel_loop3A_636 : i32 to index
      %parallel_loop3A_638 = arith.constant 16 : index
      %parallel_loop3A_639 = tpu.vector_load %arg8[%parallel_loop3A_637, %parallel_loop3A_638] {strides = array<i32>} : memref<256x128xf32, #tpu.memory_space<vmem>>, vector<1x16xf32>,
      %parallel_loop3A_640 = vector.shape_cast %parallel_loop3A_639 : vector<1x16xf32> to vector<16xf32>
      %parallel_loop3A_641 = arith.constant 0 : i32
      %parallel_loop3A_642 = arith.constant 0 : i32
      %parallel_loop3A_643 = tpu.memref_slice %arg10[%parallel_loop3A_215, %parallel_loop3A_641, %parallel_loop3A_642] : memref<4x128x128xf32, #tpu.memory_space<vmem>> -> memref<1x128x128xf32, #tpu.memory_space<vmem>>
      %parallel_loop3A_644 = tpu.memref_squeeze %parallel_loop3A_643 : memref<1x128x128xf32, #tpu.memory_space<vmem>> -> memref<128x128xf32, #tpu.memory_space<vmem>>
      %parallel_loop3A_645 = arith.index_cast %parallel_loop3A_619 : i32 to index
      %parallel_loop3A_646 = arith.constant 16 : index
      %parallel_loop3A_647 = tpu.vector_load %parallel_loop3A_644[%parallel_loop3A_645, %parallel_loop3A_646] {strides = array<i32>} : memref<128x128xf32, #tpu.memory_space<vmem>>, vector<1x16xf32>,
      %parallel_loop3A_648 = vector.shape_cast %parallel_loop3A_647 : vector<1x16xf32> to vector<16xf32>
      %parallel_loop3A_649 = vector.shape_cast %parallel_loop3A_640 : vector<16xf32> to vector<1x16xf32>
      tpu.vector_store %parallel_loop3A_644[%parallel_loop3A_645, %parallel_loop3A_646], %parallel_loop3A_649 {add = true, strides = array<i32>} : memref<128x128xf32, #tpu.memory_space<vmem>>, vector<1x16xf32>,
      %parallel_loop3A_650 = arith.constant 0 : i32
      %parallel_loop3A_651 = arith.addi %parallel_loop3A_650, %parallel_loop3A_619 : i32
      %parallel_loop3A_652 = arith.index_cast %parallel_loop3A_651 : i32 to index
      %parallel_loop3A_653 = arith.constant 32 : index
      %parallel_loop3A_654 = tpu.vector_load %arg8[%parallel_loop3A_652, %parallel_loop3A_653] {strides = array<i32>} : memref<256x128xf32, #tpu.memory_space<vmem>>, vector<1x16xf32>,
      %parallel_loop3A_655 = vector.shape_cast %parallel_loop3A_654 : vector<1x16xf32> to vector<16xf32>
      %parallel_loop3A_656 = arith.constant 0 : i32
      %parallel_loop3A_657 = arith.constant 0 : i32
      %parallel_loop3A_658 = tpu.memref_slice %arg10[%parallel_loop3A_215, %parallel_loop3A_656, %parallel_loop3A_657] : memref<4x128x128xf32, #tpu.memory_space<vmem>> -> memref<1x128x128xf32, #tpu.memory_space<vmem>>
      %parallel_loop3A_659 = tpu.memref_squeeze %parallel_loop3A_658 : memref<1x128x128xf32, #tpu.memory_space<vmem>> -> memref<128x128xf32, #tpu.memory_space<vmem>>
      %parallel_loop3A_660 = arith.index_cast %parallel_loop3A_619 : i32 to index
      %parallel_loop3A_661 = arith.constant 32 : index
      %parallel_loop3A_662 = tpu.vector_load %parallel_loop3A_659[%parallel_loop3A_660, %parallel_loop3A_661] {strides = array<i32>} : memref<128x128xf32, #tpu.memory_space<vmem>>, vector<1x16xf32>,
      %parallel_loop3A_663 = vector.shape_cast %parallel_loop3A_662 : vector<1x16xf32> to vector<16xf32>
      %parallel_loop3A_664 = vector.shape_cast %parallel_loop3A_655 : vector<16xf32> to vector<1x16xf32>
      tpu.vector_store %parallel_loop3A_659[%parallel_loop3A_660, %parallel_loop3A_661], %parallel_loop3A_664 {add = true, strides = array<i32>} : memref<128x128xf32, #tpu.memory_space<vmem>>, vector<1x16xf32>,
      %parallel_loop3A_665 = arith.constant 0 : i32
      %parallel_loop3A_666 = arith.addi %parallel_loop3A_665, %parallel_loop3A_619 : i32
      %parallel_loop3A_667 = arith.index_cast %parallel_loop3A_666 : i32 to index
      %parallel_loop3A_668 = arith.constant 48 : index
      %parallel_loop3A_669 = tpu.vector_load %arg8[%parallel_loop3A_667, %parallel_loop3A_668] {strides = array<i32>} : memref<256x128xf32, #tpu.memory_space<vmem>>, vector<1x16xf32>,
      %parallel_loop3A_670 = vector.shape_cast %parallel_loop3A_669 : vector<1x16xf32> to vector<16xf32>
      %parallel_loop3A_671 = arith.constant 0 : i32
      %parallel_loop3A_672 = arith.constant 0 : i32
      %parallel_loop3A_673 = tpu.memref_slice %arg10[%parallel_loop3A_215, %parallel_loop3A_671, %parallel_loop3A_672] : memref<4x128x128xf32, #tpu.memory_space<vmem>> -> memref<1x128x128xf32, #tpu.memory_space<vmem>>
      %parallel_loop3A_674 = tpu.memref_squeeze %parallel_loop3A_673 : memref<1x128x128xf32, #tpu.memory_space<vmem>> -> memref<128x128xf32, #tpu.memory_space<vmem>>
      %parallel_loop3A_675 = arith.index_cast %parallel_loop3A_619 : i32 to index
      %parallel_loop3A_676 = arith.constant 48 : index
      %parallel_loop3A_677 = tpu.vector_load %parallel_loop3A_674[%parallel_loop3A_675, %parallel_loop3A_676] {strides = array<i32>} : memref<128x128xf32, #tpu.memory_space<vmem>>, vector<1x16xf32>,
      %parallel_loop3A_678 = vector.shape_cast %parallel_loop3A_677 : vector<1x16xf32> to vector<16xf32>
      %parallel_loop3A_679 = vector.shape_cast %parallel_loop3A_670 : vector<16xf32> to vector<1x16xf32>
      tpu.vector_store %parallel_loop3A_674[%parallel_loop3A_675, %parallel_loop3A_676], %parallel_loop3A_679 {add = true, strides = array<i32>} : memref<128x128xf32, #tpu.memory_space<vmem>>, vector<1x16xf32>,
      %parallel_loop3A_680 = arith.constant 0 : i32
      %parallel_loop3A_681 = arith.addi %parallel_loop3A_680, %parallel_loop3A_619 : i32
      %parallel_loop3A_682 = arith.index_cast %parallel_loop3A_681 : i32 to index
      %parallel_loop3A_683 = arith.constant 64 : index
      %parallel_loop3A_684 = tpu.vector_load %arg8[%parallel_loop3A_682, %parallel_loop3A_683] {strides = array<i32>} : memref<256x128xf32, #tpu.memory_space<vmem>>, vector<1x16xf32>,
      %parallel_loop3A_685 = vector.shape_cast %parallel_loop3A_684 : vector<1x16xf32> to vector<16xf32>
      %parallel_loop3A_686 = arith.constant 0 : i32
      %parallel_loop3A_687 = arith.constant 0 : i32
      %parallel_loop3A_688 = tpu.memref_slice %arg10[%parallel_loop3A_215, %parallel_loop3A_686, %parallel_loop3A_687] : memref<4x128x128xf32, #tpu.memory_space<vmem>> -> memref<1x128x128xf32, #tpu.memory_space<vmem>>
      %parallel_loop3A_689 = tpu.memref_squeeze %parallel_loop3A_688 : memref<1x128x128xf32, #tpu.memory_space<vmem>> -> memref<128x128xf32, #tpu.memory_space<vmem>>
      %parallel_loop3A_690 = arith.index_cast %parallel_loop3A_619 : i32 to index
      %parallel_loop3A_691 = arith.constant 64 : index
      %parallel_loop3A_692 = tpu.vector_load %parallel_loop3A_689[%parallel_loop3A_690, %parallel_loop3A_691] {strides = array<i32>} : memref<128x128xf32, #tpu.memory_space<vmem>>, vector<1x16xf32>,
      %parallel_loop3A_693 = vector.shape_cast %parallel_loop3A_692 : vector<1x16xf32> to vector<16xf32>
      %parallel_loop3A_694 = vector.shape_cast %parallel_loop3A_685 : vector<16xf32> to vector<1x16xf32>
      tpu.vector_store %parallel_loop3A_689[%parallel_loop3A_690, %parallel_loop3A_691], %parallel_loop3A_694 {add = true, strides = array<i32>} : memref<128x128xf32, #tpu.memory_space<vmem>>, vector<1x16xf32>,
      %parallel_loop3A_695 = arith.constant 0 : i32
      %parallel_loop3A_696 = arith.addi %parallel_loop3A_695, %parallel_loop3A_619 : i32
      %parallel_loop3A_697 = arith.index_cast %parallel_loop3A_696 : i32 to index
      %parallel_loop3A_698 = arith.constant 80 : index
      %parallel_loop3A_699 = tpu.vector_load %arg8[%parallel_loop3A_697, %parallel_loop3A_698] {strides = array<i32>} : memref<256x128xf32, #tpu.memory_space<vmem>>, vector<1x16xf32>,
      %parallel_loop3A_700 = vector.shape_cast %parallel_loop3A_699 : vector<1x16xf32> to vector<16xf32>
      %parallel_loop3A_701 = arith.constant 0 : i32
      %parallel_loop3A_702 = arith.constant 0 : i32
      %parallel_loop3A_703 = tpu.memref_slice %arg10[%parallel_loop3A_215, %parallel_loop3A_701, %parallel_loop3A_702] : memref<4x128x128xf32, #tpu.memory_space<vmem>> -> memref<1x128x128xf32, #tpu.memory_space<vmem>>
      %parallel_loop3A_704 = tpu.memref_squeeze %parallel_loop3A_703 : memref<1x128x128xf32, #tpu.memory_space<vmem>> -> memref<128x128xf32, #tpu.memory_space<vmem>>
      %parallel_loop3A_705 = arith.index_cast %parallel_loop3A_619 : i32 to index
      %parallel_loop3A_706 = arith.constant 80 : index
      %parallel_loop3A_707 = tpu.vector_load %parallel_loop3A_704[%parallel_loop3A_705, %parallel_loop3A_706] {strides = array<i32>} : memref<128x128xf32, #tpu.memory_space<vmem>>, vector<1x16xf32>,
      %parallel_loop3A_708 = vector.shape_cast %parallel_loop3A_707 : vector<1x16xf32> to vector<16xf32>
      %parallel_loop3A_709 = vector.shape_cast %parallel_loop3A_700 : vector<16xf32> to vector<1x16xf32>
      tpu.vector_store %parallel_loop3A_704[%parallel_loop3A_705, %parallel_loop3A_706], %parallel_loop3A_709 {add = true, strides = array<i32>} : memref<128x128xf32, #tpu.memory_space<vmem>>, vector<1x16xf32>,
      %parallel_loop3A_710 = arith.constant 0 : i32
      %parallel_loop3A_711 = arith.addi %parallel_loop3A_710, %parallel_loop3A_619 : i32
      %parallel_loop3A_712 = arith.index_cast %parallel_loop3A_711 : i32 to index
      %parallel_loop3A_713 = arith.constant 96 : index
      %parallel_loop3A_714 = tpu.vector_load %arg8[%parallel_loop3A_712, %parallel_loop3A_713] {strides = array<i32>} : memref<256x128xf32, #tpu.memory_space<vmem>>, vector<1x16xf32>,
      %parallel_loop3A_715 = vector.shape_cast %parallel_loop3A_714 : vector<1x16xf32> to vector<16xf32>
      %parallel_loop3A_716 = arith.constant 0 : i32
      %parallel_loop3A_717 = arith.constant 0 : i32
      %parallel_loop3A_718 = tpu.memref_slice %arg10[%parallel_loop3A_215, %parallel_loop3A_716, %parallel_loop3A_717] : memref<4x128x128xf32, #tpu.memory_space<vmem>> -> memref<1x128x128xf32, #tpu.memory_space<vmem>>
      %parallel_loop3A_719 = tpu.memref_squeeze %parallel_loop3A_718 : memref<1x128x128xf32, #tpu.memory_space<vmem>> -> memref<128x128xf32, #tpu.memory_space<vmem>>
      %parallel_loop3A_720 = arith.index_cast %parallel_loop3A_619 : i32 to index
      %parallel_loop3A_721 = arith.constant 96 : index
      %parallel_loop3A_722 = tpu.vector_load %parallel_loop3A_719[%parallel_loop3A_720, %parallel_loop3A_721] {strides = array<i32>} : memref<128x128xf32, #tpu.memory_space<vmem>>, vector<1x16xf32>,
      %parallel_loop3A_723 = vector.shape_cast %parallel_loop3A_722 : vector<1x16xf32> to vector<16xf32>
      %parallel_loop3A_724 = vector.shape_cast %parallel_loop3A_715 : vector<16xf32> to vector<1x16xf32>
      tpu.vector_store %parallel_loop3A_719[%parallel_loop3A_720, %parallel_loop3A_721], %parallel_loop3A_724 {add = true, strides = array<i32>} : memref<128x128xf32, #tpu.memory_space<vmem>>, vector<1x16xf32>,
      %parallel_loop3A_725 = arith.constant 0 : i32
      %parallel_loop3A_726 = arith.addi %parallel_loop3A_725, %parallel_loop3A_619 : i32
      %parallel_loop3A_727 = arith.index_cast %parallel_loop3A_726 : i32 to index
      %parallel_loop3A_728 = arith.constant 112 : index
      %parallel_loop3A_729 = tpu.vector_load %arg8[%parallel_loop3A_727, %parallel_loop3A_728] {strides = array<i32>} : memref<256x128xf32, #tpu.memory_space<vmem>>, vector<1x16xf32>,
      %parallel_loop3A_730 = vector.shape_cast %parallel_loop3A_729 : vector<1x16xf32> to vector<16xf32>
      %parallel_loop3A_731 = arith.constant 0 : i32
      %parallel_loop3A_732 = arith.constant 0 : i32
      %parallel_loop3A_733 = tpu.memref_slice %arg10[%parallel_loop3A_215, %parallel_loop3A_731, %parallel_loop3A_732] : memref<4x128x128xf32, #tpu.memory_space<vmem>> -> memref<1x128x128xf32, #tpu.memory_space<vmem>>
      %parallel_loop3A_734 = tpu.memref_squeeze %parallel_loop3A_733 : memref<1x128x128xf32, #tpu.memory_space<vmem>> -> memref<128x128xf32, #tpu.memory_space<vmem>>
      %parallel_loop3A_735 = arith.index_cast %parallel_loop3A_619 : i32 to index
      %parallel_loop3A_736 = arith.constant 112 : index
      %parallel_loop3A_737 = tpu.vector_load %parallel_loop3A_734[%parallel_loop3A_735, %parallel_loop3A_736] {strides = array<i32>} : memref<128x128xf32, #tpu.memory_space<vmem>>, vector<1x16xf32>,
      %parallel_loop3A_738 = vector.shape_cast %parallel_loop3A_737 : vector<1x16xf32> to vector<16xf32>
      %parallel_loop3A_739 = vector.shape_cast %parallel_loop3A_730 : vector<16xf32> to vector<1x16xf32>
      tpu.vector_store %parallel_loop3A_734[%parallel_loop3A_735, %parallel_loop3A_736], %parallel_loop3A_739 {add = true, strides = array<i32>} : memref<128x128xf32, #tpu.memory_space<vmem>>, vector<1x16xf32>,
    } {sc.loop_unroll_factor = 1 : i64, sc.parallel_access}
    %add3A_216 = arith.constant 0 : i32
    %add3A_217 = arith.addi %mul3A_2, %add3A_216 : i32
    %dma_start3A_218 = arith.constant 2 : i32
    %dma_start3A_219 = arith.constant 2 : i32
    %dma_start3A_220 = arith.constant 2 : i32
    %dma_start3A_221 = arith.constant 0 : i32
    %dma_start3A_222 = arith.constant 0 : i32
    %dma_start3A_223 = tpu.memref_slice %arg10[%dma_start3A_218, %dma_start3A_221, %dma_start3A_222] : memref<4x128x128xf32, #tpu.memory_space<vmem>> -> memref<1x128x128xf32, #tpu.memory_space<vmem>>
    %dma_start3A_224 = tpu.memref_squeeze %dma_start3A_223 : memref<1x128x128xf32, #tpu.memory_space<vmem>> -> memref<128x128xf32, #tpu.memory_space<vmem>>
    %dma_start3A_225 = arith.constant 0 : i32
    %dma_start3A_226 = tpu.memref_slice %arg5[%dma_start3A_219, %add3A_217, %dma_start3A_225] : memref<4x8192x128xf32, #tpu.memory_space<hbm>> -> memref<1x128x128xf32, #tpu.memory_space<hbm>>
    %dma_start3A_227 = tpu.memref_squeeze %dma_start3A_226 : memref<1x128x128xf32, #tpu.memory_space<hbm>> -> memref<128x128xf32, #tpu.memory_space<hbm>>
    %dma_start3A_228 = tpu.memref_slice %arg12[%dma_start3A_220] : memref<4x!tpu.dma_semaphore, #tpu.memory_space<semaphore_mem>> -> memref<1x!tpu.dma_semaphore, #tpu.memory_space<semaphore_mem>>
    %dma_start3A_229 = tpu.memref_squeeze %dma_start3A_228 : memref<1x!tpu.dma_semaphore, #tpu.memory_space<semaphore_mem>> -> memref<!tpu.dma_semaphore, #tpu.memory_space<semaphore_mem>>
    %dma_start3A_230 = arith.constant 0 : i32
    %dma_start3A_231 = tpu.memref_slice %arg5[%dma_start3A_219, %add3A_217, %dma_start3A_230] : memref<4x8192x128xf32, #tpu.memory_space<hbm>> -> memref<1x128x128xf32, #tpu.memory_space<hbm>>
    %dma_start3A_232 = tpu.memref_squeeze %dma_start3A_231 : memref<1x128x128xf32, #tpu.memory_space<hbm>> -> memref<128x128xf32, #tpu.memory_space<hbm>>
    %dma_start3A_233 = arith.constant 0 : i32
    %dma_start3A_234 = arith.constant 0 : i32
    %dma_start3A_235 = tpu.memref_slice %arg10[%dma_start3A_218, %dma_start3A_233, %dma_start3A_234] : memref<4x128x128xf32, #tpu.memory_space<vmem>> -> memref<1x128x128xf32, #tpu.memory_space<vmem>>
    %dma_start3A_236 = tpu.memref_squeeze %dma_start3A_235 : memref<1x128x128xf32, #tpu.memory_space<vmem>> -> memref<128x128xf32, #tpu.memory_space<vmem>>
    tpu.enqueue_dma source(%dma_start3A_236 : memref<128x128xf32, #tpu.memory_space<vmem>>) target(%dma_start3A_232 : memref<128x128xf32, #tpu.memory_space<hbm>>) target_semaphore(%dma_start3A_229 : memref<!tpu.dma_semaphore, #tpu.memory_space<semaphore_mem>>)
    %dma_wait3A_237 = arith.constant 1 : i32
    %dma_wait3A_238 = arith.constant 1 : i32
    %dma_wait3A_239 = arith.constant 1 : i32
    %dma_wait3A_240 = arith.constant 0 : i32
    %dma_wait3A_241 = arith.constant 0 : i32
    %dma_wait3A_242 = tpu.memref_slice %arg10[%dma_wait3A_237, %dma_wait3A_240, %dma_wait3A_241] : memref<4x128x128xf32, #tpu.memory_space<vmem>> -> memref<1x128x128xf32, #tpu.memory_space<vmem>>
    %dma_wait3A_243 = tpu.memref_squeeze %dma_wait3A_242 : memref<1x128x128xf32, #tpu.memory_space<vmem>> -> memref<128x128xf32, #tpu.memory_space<vmem>>
    %dma_wait3A_244 = arith.constant 0 : i32
    %dma_wait3A_245 = tpu.memref_slice %arg5[%dma_wait3A_238, %add3A_143, %dma_wait3A_244] : memref<4x8192x128xf32, #tpu.memory_space<hbm>> -> memref<1x128x128xf32, #tpu.memory_space<hbm>>
    %dma_wait3A_246 = tpu.memref_squeeze %dma_wait3A_245 : memref<1x128x128xf32, #tpu.memory_space<hbm>> -> memref<128x128xf32, #tpu.memory_space<hbm>>
    %dma_wait3A_247 = tpu.memref_slice %arg12[%dma_wait3A_239] : memref<4x!tpu.dma_semaphore, #tpu.memory_space<semaphore_mem>> -> memref<1x!tpu.dma_semaphore, #tpu.memory_space<semaphore_mem>>
    %dma_wait3A_248 = tpu.memref_squeeze %dma_wait3A_247 : memref<1x!tpu.dma_semaphore, #tpu.memory_space<semaphore_mem>> -> memref<!tpu.dma_semaphore, #tpu.memory_space<semaphore_mem>>
    %dma_wait3A_249 = arith.constant 0 : i32
    %dma_wait3A_250 = tpu.memref_slice %arg5[%dma_wait3A_238, %add3A_143, %dma_wait3A_249] : memref<4x8192x128xf32, #tpu.memory_space<hbm>> -> memref<1x128x128xf32, #tpu.memory_space<hbm>>
    %dma_wait3A_251 = tpu.memref_squeeze %dma_wait3A_250 : memref<1x128x128xf32, #tpu.memory_space<hbm>> -> memref<128x128xf32, #tpu.memory_space<hbm>>
    %dma_wait3A_252 = arith.constant 0 : i32
    %dma_wait3A_253 = arith.constant 0 : i32
    %dma_wait3A_254 = tpu.memref_slice %arg10[%dma_wait3A_237, %dma_wait3A_252, %dma_wait3A_253] : memref<4x128x128xf32, #tpu.memory_space<vmem>> -> memref<1x128x128xf32, #tpu.memory_space<vmem>>
    %dma_wait3A_255 = tpu.memref_squeeze %dma_wait3A_254 : memref<1x128x128xf32, #tpu.memory_space<vmem>> -> memref<128x128xf32, #tpu.memory_space<vmem>>
    tpu.wait_dma2 semaphore(%dma_wait3A_248 : memref<!tpu.dma_semaphore, #tpu.memory_space<semaphore_mem>>) src(%dma_wait3A_255 : memref<128x128xf32, #tpu.memory_space<vmem>>) dst(%dma_wait3A_251 : memref<128x128xf32, #tpu.memory_space<hbm>>)
    %dma_start3A_256 = arith.constant 1 : i32
    %dma_start3A_257 = arith.constant 1 : i32
    %dma_start3A_258 = arith.constant 1 : i32
    %dma_start3A_259 = arith.constant 0 : i32
    %dma_start3A_260 = arith.constant 0 : i32
    %dma_start3A_261 = tpu.memref_slice %arg10[%dma_start3A_257, %dma_start3A_259, %dma_start3A_260] : memref<4x128x128xf32, #tpu.memory_space<vmem>> -> memref<1x128x128xf32, #tpu.memory_space<vmem>>
    %dma_start3A_262 = tpu.memref_squeeze %dma_start3A_261 : memref<1x128x128xf32, #tpu.memory_space<vmem>> -> memref<128x128xf32, #tpu.memory_space<vmem>>
    %dma_start3A_263 = arith.constant 128 : i32
    %dma_start3A_264 = tpu.memref_slice %arg7[%dma_start3A_256, %dma_start3A_263] : memref<4x256xi32, #tpu.memory_space<vmem>> -> memref<1x128xi32, #tpu.memory_space<vmem>>
    %dma_start3A_265 = tpu.memref_squeeze %dma_start3A_264 : memref<1x128xi32, #tpu.memory_space<vmem>> -> memref<128xi32, #tpu.memory_space<vmem>>
    %dma_start3A_266 = arith.constant 0 : i32
    %dma_start3A_267 = arith.constant 0 : i32
    %dma_start3A_268 = tpu.memref_slice %arg3[%dma_start3A_266, %dma_start3A_267] : memref<100000x128xf32, #tpu.memory_space<hbm>> -> memref<100000x128xf32, #tpu.memory_space<hbm>>
    %dma_start3A_269 = tpu.memref_slice %arg11[%dma_start3A_258] : memref<4x!tpu.dma_semaphore, #tpu.memory_space<semaphore_mem>> -> memref<1x!tpu.dma_semaphore, #tpu.memory_space<semaphore_mem>>
    %dma_start3A_270 = tpu.memref_squeeze %dma_start3A_269 : memref<1x!tpu.dma_semaphore, #tpu.memory_space<semaphore_mem>> -> memref<!tpu.dma_semaphore, #tpu.memory_space<semaphore_mem>>
    tpu.enqueue_indirect_dma source(%dma_start3A_268 : memref<100000x128xf32, #tpu.memory_space<hbm>>) target(%dma_start3A_262 : memref<128x128xf32, #tpu.memory_space<vmem>>) offsets(%dma_start3A_265 : memref<128xi32, #tpu.memory_space<vmem>>) semaphore(%dma_start3A_270 : memref<!tpu.dma_semaphore, #tpu.memory_space<semaphore_mem>>)
    %dma_wait3A_271 = arith.constant 3 : i32
    %dma_wait3A_272 = arith.constant 3 : i32
    %dma_wait3A_273 = arith.constant 3 : i32
    %dma_wait3A_274 = arith.constant 0 : i32
    %dma_wait3A_275 = arith.constant 0 : i32
    %dma_wait3A_276 = tpu.memref_slice %arg10[%dma_wait3A_272, %dma_wait3A_274, %dma_wait3A_275] : memref<4x128x128xf32, #tpu.memory_space<vmem>> -> memref<1x128x128xf32, #tpu.memory_space<vmem>>
    %dma_wait3A_277 = tpu.memref_squeeze %dma_wait3A_276 : memref<1x128x128xf32, #tpu.memory_space<vmem>> -> memref<128x128xf32, #tpu.memory_space<vmem>>
    %dma_wait3A_278 = arith.constant 0 : i32
    %dma_wait3A_279 = tpu.memref_slice %arg7[%dma_wait3A_271, %dma_wait3A_278] : memref<4x256xi32, #tpu.memory_space<vmem>> -> memref<1x128xi32, #tpu.memory_space<vmem>>
    %dma_wait3A_280 = tpu.memref_squeeze %dma_wait3A_279 : memref<1x128xi32, #tpu.memory_space<vmem>> -> memref<128xi32, #tpu.memory_space<vmem>>
    %dma_wait3A_281 = arith.constant 0 : i32
    %dma_wait3A_282 = arith.constant 0 : i32
    %dma_wait3A_283 = tpu.memref_slice %arg3[%dma_wait3A_281, %dma_wait3A_282] : memref<100000x128xf32, #tpu.memory_space<hbm>> -> memref<100000x128xf32, #tpu.memory_space<hbm>>
    %dma_wait3A_284 = tpu.memref_slice %arg11[%dma_wait3A_273] : memref<4x!tpu.dma_semaphore, #tpu.memory_space<semaphore_mem>> -> memref<1x!tpu.dma_semaphore, #tpu.memory_space<semaphore_mem>>
    %dma_wait3A_285 = tpu.memref_squeeze %dma_wait3A_284 : memref<1x!tpu.dma_semaphore, #tpu.memory_space<semaphore_mem>> -> memref<!tpu.dma_semaphore, #tpu.memory_space<semaphore_mem>>
    tpu.wait_indirect_dma semaphore(%dma_wait3A_285 : memref<!tpu.dma_semaphore, #tpu.memory_space<semaphore_mem>>) src(%dma_wait3A_283 : memref<100000x128xf32, #tpu.memory_space<hbm>>) dst(%dma_wait3A_277 : memref<128x128xf32, #tpu.memory_space<vmem>>)
    %parallel_loop3A_286 = arith.constant 0 : i32
    %parallel_loop3A_287 = arith.constant 128 : i32
    %parallel_loop3A_288 = arith.constant 1 : i32
    %parallel_loop3A_289 = arith.constant 3 : i32
    scf.for %parallel_loop3A_619 = %parallel_loop3A_286 to %parallel_loop3A_287 step %parallel_loop3A_288  : i32 {
      %parallel_loop3A_620 = arith.constant 0 : i32
      %parallel_loop3A_621 = arith.addi %parallel_loop3A_620, %parallel_loop3A_619 : i32
      %parallel_loop3A_622 = arith.index_cast %parallel_loop3A_621 : i32 to index
      %parallel_loop3A_623 = arith.constant 0 : index
      %parallel_loop3A_624 = tpu.vector_load %arg8[%parallel_loop3A_622, %parallel_loop3A_623] {strides = array<i32>} : memref<256x128xf32, #tpu.memory_space<vmem>>, vector<1x16xf32>,
      %parallel_loop3A_625 = vector.shape_cast %parallel_loop3A_624 : vector<1x16xf32> to vector<16xf32>
      %parallel_loop3A_626 = arith.constant 0 : i32
      %parallel_loop3A_627 = arith.constant 0 : i32
      %parallel_loop3A_628 = tpu.memref_slice %arg10[%parallel_loop3A_289, %parallel_loop3A_626, %parallel_loop3A_627] : memref<4x128x128xf32, #tpu.memory_space<vmem>> -> memref<1x128x128xf32, #tpu.memory_space<vmem>>
      %parallel_loop3A_629 = tpu.memref_squeeze %parallel_loop3A_628 : memref<1x128x128xf32, #tpu.memory_space<vmem>> -> memref<128x128xf32, #tpu.memory_space<vmem>>
      %parallel_loop3A_630 = arith.index_cast %parallel_loop3A_619 : i32 to index
      %parallel_loop3A_631 = arith.constant 0 : index
      %parallel_loop3A_632 = tpu.vector_load %parallel_loop3A_629[%parallel_loop3A_630, %parallel_loop3A_631] {strides = array<i32>} : memref<128x128xf32, #tpu.memory_space<vmem>>, vector<1x16xf32>,
      %parallel_loop3A_633 = vector.shape_cast %parallel_loop3A_632 : vector<1x16xf32> to vector<16xf32>
      %parallel_loop3A_634 = vector.shape_cast %parallel_loop3A_625 : vector<16xf32> to vector<1x16xf32>
      tpu.vector_store %parallel_loop3A_629[%parallel_loop3A_630, %parallel_loop3A_631], %parallel_loop3A_634 {add = true, strides = array<i32>} : memref<128x128xf32, #tpu.memory_space<vmem>>, vector<1x16xf32>,
      %parallel_loop3A_635 = arith.constant 0 : i32
      %parallel_loop3A_636 = arith.addi %parallel_loop3A_635, %parallel_loop3A_619 : i32
      %parallel_loop3A_637 = arith.index_cast %parallel_loop3A_636 : i32 to index
      %parallel_loop3A_638 = arith.constant 16 : index
      %parallel_loop3A_639 = tpu.vector_load %arg8[%parallel_loop3A_637, %parallel_loop3A_638] {strides = array<i32>} : memref<256x128xf32, #tpu.memory_space<vmem>>, vector<1x16xf32>,
      %parallel_loop3A_640 = vector.shape_cast %parallel_loop3A_639 : vector<1x16xf32> to vector<16xf32>
      %parallel_loop3A_641 = arith.constant 0 : i32
      %parallel_loop3A_642 = arith.constant 0 : i32
      %parallel_loop3A_643 = tpu.memref_slice %arg10[%parallel_loop3A_289, %parallel_loop3A_641, %parallel_loop3A_642] : memref<4x128x128xf32, #tpu.memory_space<vmem>> -> memref<1x128x128xf32, #tpu.memory_space<vmem>>
      %parallel_loop3A_644 = tpu.memref_squeeze %parallel_loop3A_643 : memref<1x128x128xf32, #tpu.memory_space<vmem>> -> memref<128x128xf32, #tpu.memory_space<vmem>>
      %parallel_loop3A_645 = arith.index_cast %parallel_loop3A_619 : i32 to index
      %parallel_loop3A_646 = arith.constant 16 : index
      %parallel_loop3A_647 = tpu.vector_load %parallel_loop3A_644[%parallel_loop3A_645, %parallel_loop3A_646] {strides = array<i32>} : memref<128x128xf32, #tpu.memory_space<vmem>>, vector<1x16xf32>,
      %parallel_loop3A_648 = vector.shape_cast %parallel_loop3A_647 : vector<1x16xf32> to vector<16xf32>
      %parallel_loop3A_649 = vector.shape_cast %parallel_loop3A_640 : vector<16xf32> to vector<1x16xf32>
      tpu.vector_store %parallel_loop3A_644[%parallel_loop3A_645, %parallel_loop3A_646], %parallel_loop3A_649 {add = true, strides = array<i32>} : memref<128x128xf32, #tpu.memory_space<vmem>>, vector<1x16xf32>,
      %parallel_loop3A_650 = arith.constant 0 : i32
      %parallel_loop3A_651 = arith.addi %parallel_loop3A_650, %parallel_loop3A_619 : i32
      %parallel_loop3A_652 = arith.index_cast %parallel_loop3A_651 : i32 to index
      %parallel_loop3A_653 = arith.constant 32 : index
      %parallel_loop3A_654 = tpu.vector_load %arg8[%parallel_loop3A_652, %parallel_loop3A_653] {strides = array<i32>} : memref<256x128xf32, #tpu.memory_space<vmem>>, vector<1x16xf32>,
      %parallel_loop3A_655 = vector.shape_cast %parallel_loop3A_654 : vector<1x16xf32> to vector<16xf32>
      %parallel_loop3A_656 = arith.constant 0 : i32
      %parallel_loop3A_657 = arith.constant 0 : i32
      %parallel_loop3A_658 = tpu.memref_slice %arg10[%parallel_loop3A_289, %parallel_loop3A_656, %parallel_loop3A_657] : memref<4x128x128xf32, #tpu.memory_space<vmem>> -> memref<1x128x128xf32, #tpu.memory_space<vmem>>
      %parallel_loop3A_659 = tpu.memref_squeeze %parallel_loop3A_658 : memref<1x128x128xf32, #tpu.memory_space<vmem>> -> memref<128x128xf32, #tpu.memory_space<vmem>>
      %parallel_loop3A_660 = arith.index_cast %parallel_loop3A_619 : i32 to index
      %parallel_loop3A_661 = arith.constant 32 : index
      %parallel_loop3A_662 = tpu.vector_load %parallel_loop3A_659[%parallel_loop3A_660, %parallel_loop3A_661] {strides = array<i32>} : memref<128x128xf32, #tpu.memory_space<vmem>>, vector<1x16xf32>,
      %parallel_loop3A_663 = vector.shape_cast %parallel_loop3A_662 : vector<1x16xf32> to vector<16xf32>
      %parallel_loop3A_664 = vector.shape_cast %parallel_loop3A_655 : vector<16xf32> to vector<1x16xf32>
      tpu.vector_store %parallel_loop3A_659[%parallel_loop3A_660, %parallel_loop3A_661], %parallel_loop3A_664 {add = true, strides = array<i32>} : memref<128x128xf32, #tpu.memory_space<vmem>>, vector<1x16xf32>,
      %parallel_loop3A_665 = arith.constant 0 : i32
      %parallel_loop3A_666 = arith.addi %parallel_loop3A_665, %parallel_loop3A_619 : i32
      %parallel_loop3A_667 = arith.index_cast %parallel_loop3A_666 : i32 to index
      %parallel_loop3A_668 = arith.constant 48 : index
      %parallel_loop3A_669 = tpu.vector_load %arg8[%parallel_loop3A_667, %parallel_loop3A_668] {strides = array<i32>} : memref<256x128xf32, #tpu.memory_space<vmem>>, vector<1x16xf32>,
      %parallel_loop3A_670 = vector.shape_cast %parallel_loop3A_669 : vector<1x16xf32> to vector<16xf32>
      %parallel_loop3A_671 = arith.constant 0 : i32
      %parallel_loop3A_672 = arith.constant 0 : i32
      %parallel_loop3A_673 = tpu.memref_slice %arg10[%parallel_loop3A_289, %parallel_loop3A_671, %parallel_loop3A_672] : memref<4x128x128xf32, #tpu.memory_space<vmem>> -> memref<1x128x128xf32, #tpu.memory_space<vmem>>
      %parallel_loop3A_674 = tpu.memref_squeeze %parallel_loop3A_673 : memref<1x128x128xf32, #tpu.memory_space<vmem>> -> memref<128x128xf32, #tpu.memory_space<vmem>>
      %parallel_loop3A_675 = arith.index_cast %parallel_loop3A_619 : i32 to index
      %parallel_loop3A_676 = arith.constant 48 : index
      %parallel_loop3A_677 = tpu.vector_load %parallel_loop3A_674[%parallel_loop3A_675, %parallel_loop3A_676] {strides = array<i32>} : memref<128x128xf32, #tpu.memory_space<vmem>>, vector<1x16xf32>,
      %parallel_loop3A_678 = vector.shape_cast %parallel_loop3A_677 : vector<1x16xf32> to vector<16xf32>
      %parallel_loop3A_679 = vector.shape_cast %parallel_loop3A_670 : vector<16xf32> to vector<1x16xf32>
      tpu.vector_store %parallel_loop3A_674[%parallel_loop3A_675, %parallel_loop3A_676], %parallel_loop3A_679 {add = true, strides = array<i32>} : memref<128x128xf32, #tpu.memory_space<vmem>>, vector<1x16xf32>,
      %parallel_loop3A_680 = arith.constant 0 : i32
      %parallel_loop3A_681 = arith.addi %parallel_loop3A_680, %parallel_loop3A_619 : i32
      %parallel_loop3A_682 = arith.index_cast %parallel_loop3A_681 : i32 to index
      %parallel_loop3A_683 = arith.constant 64 : index
      %parallel_loop3A_684 = tpu.vector_load %arg8[%parallel_loop3A_682, %parallel_loop3A_683] {strides = array<i32>} : memref<256x128xf32, #tpu.memory_space<vmem>>, vector<1x16xf32>,
      %parallel_loop3A_685 = vector.shape_cast %parallel_loop3A_684 : vector<1x16xf32> to vector<16xf32>
      %parallel_loop3A_686 = arith.constant 0 : i32
      %parallel_loop3A_687 = arith.constant 0 : i32
      %parallel_loop3A_688 = tpu.memref_slice %arg10[%parallel_loop3A_289, %parallel_loop3A_686, %parallel_loop3A_687] : memref<4x128x128xf32, #tpu.memory_space<vmem>> -> memref<1x128x128xf32, #tpu.memory_space<vmem>>
      %parallel_loop3A_689 = tpu.memref_squeeze %parallel_loop3A_688 : memref<1x128x128xf32, #tpu.memory_space<vmem>> -> memref<128x128xf32, #tpu.memory_space<vmem>>
      %parallel_loop3A_690 = arith.index_cast %parallel_loop3A_619 : i32 to index
      %parallel_loop3A_691 = arith.constant 64 : index
      %parallel_loop3A_692 = tpu.vector_load %parallel_loop3A_689[%parallel_loop3A_690, %parallel_loop3A_691] {strides = array<i32>} : memref<128x128xf32, #tpu.memory_space<vmem>>, vector<1x16xf32>,
      %parallel_loop3A_693 = vector.shape_cast %parallel_loop3A_692 : vector<1x16xf32> to vector<16xf32>
      %parallel_loop3A_694 = vector.shape_cast %parallel_loop3A_685 : vector<16xf32> to vector<1x16xf32>
      tpu.vector_store %parallel_loop3A_689[%parallel_loop3A_690, %parallel_loop3A_691], %parallel_loop3A_694 {add = true, strides = array<i32>} : memref<128x128xf32, #tpu.memory_space<vmem>>, vector<1x16xf32>,
      %parallel_loop3A_695 = arith.constant 0 : i32
      %parallel_loop3A_696 = arith.addi %parallel_loop3A_695, %parallel_loop3A_619 : i32
      %parallel_loop3A_697 = arith.index_cast %parallel_loop3A_696 : i32 to index
      %parallel_loop3A_698 = arith.constant 80 : index
      %parallel_loop3A_699 = tpu.vector_load %arg8[%parallel_loop3A_697, %parallel_loop3A_698] {strides = array<i32>} : memref<256x128xf32, #tpu.memory_space<vmem>>, vector<1x16xf32>,
      %parallel_loop3A_700 = vector.shape_cast %parallel_loop3A_699 : vector<1x16xf32> to vector<16xf32>
      %parallel_loop3A_701 = arith.constant 0 : i32
      %parallel_loop3A_702 = arith.constant 0 : i32
      %parallel_loop3A_703 = tpu.memref_slice %arg10[%parallel_loop3A_289, %parallel_loop3A_701, %parallel_loop3A_702] : memref<4x128x128xf32, #tpu.memory_space<vmem>> -> memref<1x128x128xf32, #tpu.memory_space<vmem>>
      %parallel_loop3A_704 = tpu.memref_squeeze %parallel_loop3A_703 : memref<1x128x128xf32, #tpu.memory_space<vmem>> -> memref<128x128xf32, #tpu.memory_space<vmem>>
      %parallel_loop3A_705 = arith.index_cast %parallel_loop3A_619 : i32 to index
      %parallel_loop3A_706 = arith.constant 80 : index
      %parallel_loop3A_707 = tpu.vector_load %parallel_loop3A_704[%parallel_loop3A_705, %parallel_loop3A_706] {strides = array<i32>} : memref<128x128xf32, #tpu.memory_space<vmem>>, vector<1x16xf32>,
      %parallel_loop3A_708 = vector.shape_cast %parallel_loop3A_707 : vector<1x16xf32> to vector<16xf32>
      %parallel_loop3A_709 = vector.shape_cast %parallel_loop3A_700 : vector<16xf32> to vector<1x16xf32>
      tpu.vector_store %parallel_loop3A_704[%parallel_loop3A_705, %parallel_loop3A_706], %parallel_loop3A_709 {add = true, strides = array<i32>} : memref<128x128xf32, #tpu.memory_space<vmem>>, vector<1x16xf32>,
      %parallel_loop3A_710 = arith.constant 0 : i32
      %parallel_loop3A_711 = arith.addi %parallel_loop3A_710, %parallel_loop3A_619 : i32
      %parallel_loop3A_712 = arith.index_cast %parallel_loop3A_711 : i32 to index
      %parallel_loop3A_713 = arith.constant 96 : index
      %parallel_loop3A_714 = tpu.vector_load %arg8[%parallel_loop3A_712, %parallel_loop3A_713] {strides = array<i32>} : memref<256x128xf32, #tpu.memory_space<vmem>>, vector<1x16xf32>,
      %parallel_loop3A_715 = vector.shape_cast %parallel_loop3A_714 : vector<1x16xf32> to vector<16xf32>
      %parallel_loop3A_716 = arith.constant 0 : i32
      %parallel_loop3A_717 = arith.constant 0 : i32
      %parallel_loop3A_718 = tpu.memref_slice %arg10[%parallel_loop3A_289, %parallel_loop3A_716, %parallel_loop3A_717] : memref<4x128x128xf32, #tpu.memory_space<vmem>> -> memref<1x128x128xf32, #tpu.memory_space<vmem>>
      %parallel_loop3A_719 = tpu.memref_squeeze %parallel_loop3A_718 : memref<1x128x128xf32, #tpu.memory_space<vmem>> -> memref<128x128xf32, #tpu.memory_space<vmem>>
      %parallel_loop3A_720 = arith.index_cast %parallel_loop3A_619 : i32 to index
      %parallel_loop3A_721 = arith.constant 96 : index
      %parallel_loop3A_722 = tpu.vector_load %parallel_loop3A_719[%parallel_loop3A_720, %parallel_loop3A_721] {strides = array<i32>} : memref<128x128xf32, #tpu.memory_space<vmem>>, vector<1x16xf32>,
      %parallel_loop3A_723 = vector.shape_cast %parallel_loop3A_722 : vector<1x16xf32> to vector<16xf32>
      %parallel_loop3A_724 = vector.shape_cast %parallel_loop3A_715 : vector<16xf32> to vector<1x16xf32>
      tpu.vector_store %parallel_loop3A_719[%parallel_loop3A_720, %parallel_loop3A_721], %parallel_loop3A_724 {add = true, strides = array<i32>} : memref<128x128xf32, #tpu.memory_space<vmem>>, vector<1x16xf32>,
      %parallel_loop3A_725 = arith.constant 0 : i32
      %parallel_loop3A_726 = arith.addi %parallel_loop3A_725, %parallel_loop3A_619 : i32
      %parallel_loop3A_727 = arith.index_cast %parallel_loop3A_726 : i32 to index
      %parallel_loop3A_728 = arith.constant 112 : index
      %parallel_loop3A_729 = tpu.vector_load %arg8[%parallel_loop3A_727, %parallel_loop3A_728] {strides = array<i32>} : memref<256x128xf32, #tpu.memory_space<vmem>>, vector<1x16xf32>,
      %parallel_loop3A_730 = vector.shape_cast %parallel_loop3A_729 : vector<1x16xf32> to vector<16xf32>
      %parallel_loop3A_731 = arith.constant 0 : i32
      %parallel_loop3A_732 = arith.constant 0 : i32
      %parallel_loop3A_733 = tpu.memref_slice %arg10[%parallel_loop3A_289, %parallel_loop3A_731, %parallel_loop3A_732] : memref<4x128x128xf32, #tpu.memory_space<vmem>> -> memref<1x128x128xf32, #tpu.memory_space<vmem>>
      %parallel_loop3A_734 = tpu.memref_squeeze %parallel_loop3A_733 : memref<1x128x128xf32, #tpu.memory_space<vmem>> -> memref<128x128xf32, #tpu.memory_space<vmem>>
      %parallel_loop3A_735 = arith.index_cast %parallel_loop3A_619 : i32 to index
      %parallel_loop3A_736 = arith.constant 112 : index
      %parallel_loop3A_737 = tpu.vector_load %parallel_loop3A_734[%parallel_loop3A_735, %parallel_loop3A_736] {strides = array<i32>} : memref<128x128xf32, #tpu.memory_space<vmem>>, vector<1x16xf32>,
      %parallel_loop3A_738 = vector.shape_cast %parallel_loop3A_737 : vector<1x16xf32> to vector<16xf32>
      %parallel_loop3A_739 = vector.shape_cast %parallel_loop3A_730 : vector<16xf32> to vector<1x16xf32>
      tpu.vector_store %parallel_loop3A_734[%parallel_loop3A_735, %parallel_loop3A_736], %parallel_loop3A_739 {add = true, strides = array<i32>} : memref<128x128xf32, #tpu.memory_space<vmem>>, vector<1x16xf32>,
    } {sc.loop_unroll_factor = 1 : i64, sc.parallel_access}
    %add3A_290 = arith.constant 0 : i32
    %add3A_291 = arith.addi %mul3A_2, %add3A_290 : i32
    %dma_start3A_292 = arith.constant 3 : i32
    %dma_start3A_293 = arith.constant 3 : i32
    %dma_start3A_294 = arith.constant 3 : i32
    %dma_start3A_295 = arith.constant 0 : i32
    %dma_start3A_296 = arith.constant 0 : i32
    %dma_start3A_297 = tpu.memref_slice %arg10[%dma_start3A_292, %dma_start3A_295, %dma_start3A_296] : memref<4x128x128xf32, #tpu.memory_space<vmem>> -> memref<1x128x128xf32, #tpu.memory_space<vmem>>
    %dma_start3A_298 = tpu.memref_squeeze %dma_start3A_297 : memref<1x128x128xf32, #tpu.memory_space<vmem>> -> memref<128x128xf32, #tpu.memory_space<vmem>>
    %dma_start3A_299 = arith.constant 0 : i32
    %dma_start3A_300 = tpu.memref_slice %arg5[%dma_start3A_293, %add3A_291, %dma_start3A_299] : memref<4x8192x128xf32, #tpu.memory_space<hbm>> -> memref<1x128x128xf32, #tpu.memory_space<hbm>>
    %dma_start3A_301 = tpu.memref_squeeze %dma_start3A_300 : memref<1x128x128xf32, #tpu.memory_space<hbm>> -> memref<128x128xf32, #tpu.memory_space<hbm>>
    %dma_start3A_302 = tpu.memref_slice %arg12[%dma_start3A_294] : memref<4x!tpu.dma_semaphore, #tpu.memory_space<semaphore_mem>> -> memref<1x!tpu.dma_semaphore, #tpu.memory_space<semaphore_mem>>
    %dma_start3A_303 = tpu.memref_squeeze %dma_start3A_302 : memref<1x!tpu.dma_semaphore, #tpu.memory_space<semaphore_mem>> -> memref<!tpu.dma_semaphore, #tpu.memory_space<semaphore_mem>>
    %dma_start3A_304 = arith.constant 0 : i32
    %dma_start3A_305 = tpu.memref_slice %arg5[%dma_start3A_293, %add3A_291, %dma_start3A_304] : memref<4x8192x128xf32, #tpu.memory_space<hbm>> -> memref<1x128x128xf32, #tpu.memory_space<hbm>>
    %dma_start3A_306 = tpu.memref_squeeze %dma_start3A_305 : memref<1x128x128xf32, #tpu.memory_space<hbm>> -> memref<128x128xf32, #tpu.memory_space<hbm>>
    %dma_start3A_307 = arith.constant 0 : i32
    %dma_start3A_308 = arith.constant 0 : i32
    %dma_start3A_309 = tpu.memref_slice %arg10[%dma_start3A_292, %dma_start3A_307, %dma_start3A_308] : memref<4x128x128xf32, #tpu.memory_space<vmem>> -> memref<1x128x128xf32, #tpu.memory_space<vmem>>
    %dma_start3A_310 = tpu.memref_squeeze %dma_start3A_309 : memref<1x128x128xf32, #tpu.memory_space<vmem>> -> memref<128x128xf32, #tpu.memory_space<vmem>>
    tpu.enqueue_dma source(%dma_start3A_310 : memref<128x128xf32, #tpu.memory_space<vmem>>) target(%dma_start3A_306 : memref<128x128xf32, #tpu.memory_space<hbm>>) target_semaphore(%dma_start3A_303 : memref<!tpu.dma_semaphore, #tpu.memory_space<semaphore_mem>>)
    %dma_wait3A_311 = arith.constant 2 : i32
    %dma_wait3A_312 = arith.constant 2 : i32
    %dma_wait3A_313 = arith.constant 2 : i32
    %dma_wait3A_314 = arith.constant 0 : i32
    %dma_wait3A_315 = arith.constant 0 : i32
    %dma_wait3A_316 = tpu.memref_slice %arg10[%dma_wait3A_311, %dma_wait3A_314, %dma_wait3A_315] : memref<4x128x128xf32, #tpu.memory_space<vmem>> -> memref<1x128x128xf32, #tpu.memory_space<vmem>>
    %dma_wait3A_317 = tpu.memref_squeeze %dma_wait3A_316 : memref<1x128x128xf32, #tpu.memory_space<vmem>> -> memref<128x128xf32, #tpu.memory_space<vmem>>
    %dma_wait3A_318 = arith.constant 0 : i32
    %dma_wait3A_319 = tpu.memref_slice %arg5[%dma_wait3A_312, %add3A_217, %dma_wait3A_318] : memref<4x8192x128xf32, #tpu.memory_space<hbm>> -> memref<1x128x128xf32, #tpu.memory_space<hbm>>
    %dma_wait3A_320 = tpu.memref_squeeze %dma_wait3A_319 : memref<1x128x128xf32, #tpu.memory_space<hbm>> -> memref<128x128xf32, #tpu.memory_space<hbm>>
    %dma_wait3A_321 = tpu.memref_slice %arg12[%dma_wait3A_313] : memref<4x!tpu.dma_semaphore, #tpu.memory_space<semaphore_mem>> -> memref<1x!tpu.dma_semaphore, #tpu.memory_space<semaphore_mem>>
    %dma_wait3A_322 = tpu.memref_squeeze %dma_wait3A_321 : memref<1x!tpu.dma_semaphore, #tpu.memory_space<semaphore_mem>> -> memref<!tpu.dma_semaphore, #tpu.memory_space<semaphore_mem>>
    %dma_wait3A_323 = arith.constant 0 : i32
    %dma_wait3A_324 = tpu.memref_slice %arg5[%dma_wait3A_312, %add3A_217, %dma_wait3A_323] : memref<4x8192x128xf32, #tpu.memory_space<hbm>> -> memref<1x128x128xf32, #tpu.memory_space<hbm>>
    %dma_wait3A_325 = tpu.memref_squeeze %dma_wait3A_324 : memref<1x128x128xf32, #tpu.memory_space<hbm>> -> memref<128x128xf32, #tpu.memory_space<hbm>>
    %dma_wait3A_326 = arith.constant 0 : i32
    %dma_wait3A_327 = arith.constant 0 : i32
    %dma_wait3A_328 = tpu.memref_slice %arg10[%dma_wait3A_311, %dma_wait3A_326, %dma_wait3A_327] : memref<4x128x128xf32, #tpu.memory_space<vmem>> -> memref<1x128x128xf32, #tpu.memory_space<vmem>>
    %dma_wait3A_329 = tpu.memref_squeeze %dma_wait3A_328 : memref<1x128x128xf32, #tpu.memory_space<vmem>> -> memref<128x128xf32, #tpu.memory_space<vmem>>
    tpu.wait_dma2 semaphore(%dma_wait3A_322 : memref<!tpu.dma_semaphore, #tpu.memory_space<semaphore_mem>>) src(%dma_wait3A_329 : memref<128x128xf32, #tpu.memory_space<vmem>>) dst(%dma_wait3A_325 : memref<128x128xf32, #tpu.memory_space<hbm>>)
    %dma_start3A_330 = arith.constant 2 : i32
    %dma_start3A_331 = arith.constant 2 : i32
    %dma_start3A_332 = arith.constant 2 : i32
    %dma_start3A_333 = arith.constant 0 : i32
    %dma_start3A_334 = arith.constant 0 : i32
    %dma_start3A_335 = tpu.memref_slice %arg10[%dma_start3A_331, %dma_start3A_333, %dma_start3A_334] : memref<4x128x128xf32, #tpu.memory_space<vmem>> -> memref<1x128x128xf32, #tpu.memory_space<vmem>>
    %dma_start3A_336 = tpu.memref_squeeze %dma_start3A_335 : memref<1x128x128xf32, #tpu.memory_space<vmem>> -> memref<128x128xf32, #tpu.memory_space<vmem>>
    %dma_start3A_337 = arith.constant 128 : i32
    %dma_start3A_338 = tpu.memref_slice %arg7[%dma_start3A_330, %dma_start3A_337] : memref<4x256xi32, #tpu.memory_space<vmem>> -> memref<1x128xi32, #tpu.memory_space<vmem>>
    %dma_start3A_339 = tpu.memref_squeeze %dma_start3A_338 : memref<1x128xi32, #tpu.memory_space<vmem>> -> memref<128xi32, #tpu.memory_space<vmem>>
    %dma_start3A_340 = arith.constant 0 : i32
    %dma_start3A_341 = arith.constant 0 : i32
    %dma_start3A_342 = tpu.memref_slice %arg3[%dma_start3A_340, %dma_start3A_341] : memref<100000x128xf32, #tpu.memory_space<hbm>> -> memref<100000x128xf32, #tpu.memory_space<hbm>>
    %dma_start3A_343 = tpu.memref_slice %arg11[%dma_start3A_332] : memref<4x!tpu.dma_semaphore, #tpu.memory_space<semaphore_mem>> -> memref<1x!tpu.dma_semaphore, #tpu.memory_space<semaphore_mem>>
    %dma_start3A_344 = tpu.memref_squeeze %dma_start3A_343 : memref<1x!tpu.dma_semaphore, #tpu.memory_space<semaphore_mem>> -> memref<!tpu.dma_semaphore, #tpu.memory_space<semaphore_mem>>
    tpu.enqueue_indirect_dma source(%dma_start3A_342 : memref<100000x128xf32, #tpu.memory_space<hbm>>) target(%dma_start3A_336 : memref<128x128xf32, #tpu.memory_space<vmem>>) offsets(%dma_start3A_339 : memref<128xi32, #tpu.memory_space<vmem>>) semaphore(%dma_start3A_344 : memref<!tpu.dma_semaphore, #tpu.memory_space<semaphore_mem>>)
    %dma_wait3A_345 = arith.constant 0 : i32
    %dma_wait3A_346 = arith.constant 0 : i32
    %dma_wait3A_347 = arith.constant 0 : i32
    %dma_wait3A_348 = arith.constant 0 : i32
    %dma_wait3A_349 = arith.constant 0 : i32
    %dma_wait3A_350 = tpu.memref_slice %arg10[%dma_wait3A_346, %dma_wait3A_348, %dma_wait3A_349] : memref<4x128x128xf32, #tpu.memory_space<vmem>> -> memref<1x128x128xf32, #tpu.memory_space<vmem>>
    %dma_wait3A_351 = tpu.memref_squeeze %dma_wait3A_350 : memref<1x128x128xf32, #tpu.memory_space<vmem>> -> memref<128x128xf32, #tpu.memory_space<vmem>>
    %dma_wait3A_352 = arith.constant 128 : i32
    %dma_wait3A_353 = tpu.memref_slice %arg7[%dma_wait3A_345, %dma_wait3A_352] : memref<4x256xi32, #tpu.memory_space<vmem>> -> memref<1x128xi32, #tpu.memory_space<vmem>>
    %dma_wait3A_354 = tpu.memref_squeeze %dma_wait3A_353 : memref<1x128xi32, #tpu.memory_space<vmem>> -> memref<128xi32, #tpu.memory_space<vmem>>
    %dma_wait3A_355 = arith.constant 0 : i32
    %dma_wait3A_356 = arith.constant 0 : i32
    %dma_wait3A_357 = tpu.memref_slice %arg3[%dma_wait3A_355, %dma_wait3A_356] : memref<100000x128xf32, #tpu.memory_space<hbm>> -> memref<100000x128xf32, #tpu.memory_space<hbm>>
    %dma_wait3A_358 = tpu.memref_slice %arg11[%dma_wait3A_347] : memref<4x!tpu.dma_semaphore, #tpu.memory_space<semaphore_mem>> -> memref<1x!tpu.dma_semaphore, #tpu.memory_space<semaphore_mem>>
    %dma_wait3A_359 = tpu.memref_squeeze %dma_wait3A_358 : memref<1x!tpu.dma_semaphore, #tpu.memory_space<semaphore_mem>> -> memref<!tpu.dma_semaphore, #tpu.memory_space<semaphore_mem>>
    tpu.wait_indirect_dma semaphore(%dma_wait3A_359 : memref<!tpu.dma_semaphore, #tpu.memory_space<semaphore_mem>>) src(%dma_wait3A_357 : memref<100000x128xf32, #tpu.memory_space<hbm>>) dst(%dma_wait3A_351 : memref<128x128xf32, #tpu.memory_space<vmem>>)
    %parallel_loop3A_360 = arith.constant 0 : i32
    %parallel_loop3A_361 = arith.constant 128 : i32
    %parallel_loop3A_362 = arith.constant 1 : i32
    %parallel_loop3A_363 = arith.constant 0 : i32
    scf.for %parallel_loop3A_619 = %parallel_loop3A_360 to %parallel_loop3A_361 step %parallel_loop3A_362  : i32 {
      %parallel_loop3A_620 = arith.constant 128 : i32
      %parallel_loop3A_621 = arith.addi %parallel_loop3A_620, %parallel_loop3A_619 : i32
      %parallel_loop3A_622 = arith.index_cast %parallel_loop3A_621 : i32 to index
      %parallel_loop3A_623 = arith.constant 0 : index
      %parallel_loop3A_624 = tpu.vector_load %arg8[%parallel_loop3A_622, %parallel_loop3A_623] {strides = array<i32>} : memref<256x128xf32, #tpu.memory_space<vmem>>, vector<1x16xf32>,
      %parallel_loop3A_625 = vector.shape_cast %parallel_loop3A_624 : vector<1x16xf32> to vector<16xf32>
      %parallel_loop3A_626 = arith.constant 0 : i32
      %parallel_loop3A_627 = arith.constant 0 : i32
      %parallel_loop3A_628 = tpu.memref_slice %arg10[%parallel_loop3A_363, %parallel_loop3A_626, %parallel_loop3A_627] : memref<4x128x128xf32, #tpu.memory_space<vmem>> -> memref<1x128x128xf32, #tpu.memory_space<vmem>>
      %parallel_loop3A_629 = tpu.memref_squeeze %parallel_loop3A_628 : memref<1x128x128xf32, #tpu.memory_space<vmem>> -> memref<128x128xf32, #tpu.memory_space<vmem>>
      %parallel_loop3A_630 = arith.index_cast %parallel_loop3A_619 : i32 to index
      %parallel_loop3A_631 = arith.constant 0 : index
      %parallel_loop3A_632 = tpu.vector_load %parallel_loop3A_629[%parallel_loop3A_630, %parallel_loop3A_631] {strides = array<i32>} : memref<128x128xf32, #tpu.memory_space<vmem>>, vector<1x16xf32>,
      %parallel_loop3A_633 = vector.shape_cast %parallel_loop3A_632 : vector<1x16xf32> to vector<16xf32>
      %parallel_loop3A_634 = vector.shape_cast %parallel_loop3A_625 : vector<16xf32> to vector<1x16xf32>
      tpu.vector_store %parallel_loop3A_629[%parallel_loop3A_630, %parallel_loop3A_631], %parallel_loop3A_634 {add = true, strides = array<i32>} : memref<128x128xf32, #tpu.memory_space<vmem>>, vector<1x16xf32>,
      %parallel_loop3A_635 = arith.constant 128 : i32
      %parallel_loop3A_636 = arith.addi %parallel_loop3A_635, %parallel_loop3A_619 : i32
      %parallel_loop3A_637 = arith.index_cast %parallel_loop3A_636 : i32 to index
      %parallel_loop3A_638 = arith.constant 16 : index
      %parallel_loop3A_639 = tpu.vector_load %arg8[%parallel_loop3A_637, %parallel_loop3A_638] {strides = array<i32>} : memref<256x128xf32, #tpu.memory_space<vmem>>, vector<1x16xf32>,
      %parallel_loop3A_640 = vector.shape_cast %parallel_loop3A_639 : vector<1x16xf32> to vector<16xf32>
      %parallel_loop3A_641 = arith.constant 0 : i32
      %parallel_loop3A_642 = arith.constant 0 : i32
      %parallel_loop3A_643 = tpu.memref_slice %arg10[%parallel_loop3A_363, %parallel_loop3A_641, %parallel_loop3A_642] : memref<4x128x128xf32, #tpu.memory_space<vmem>> -> memref<1x128x128xf32, #tpu.memory_space<vmem>>
      %parallel_loop3A_644 = tpu.memref_squeeze %parallel_loop3A_643 : memref<1x128x128xf32, #tpu.memory_space<vmem>> -> memref<128x128xf32, #tpu.memory_space<vmem>>
      %parallel_loop3A_645 = arith.index_cast %parallel_loop3A_619 : i32 to index
      %parallel_loop3A_646 = arith.constant 16 : index
      %parallel_loop3A_647 = tpu.vector_load %parallel_loop3A_644[%parallel_loop3A_645, %parallel_loop3A_646] {strides = array<i32>} : memref<128x128xf32, #tpu.memory_space<vmem>>, vector<1x16xf32>,
      %parallel_loop3A_648 = vector.shape_cast %parallel_loop3A_647 : vector<1x16xf32> to vector<16xf32>
      %parallel_loop3A_649 = vector.shape_cast %parallel_loop3A_640 : vector<16xf32> to vector<1x16xf32>
      tpu.vector_store %parallel_loop3A_644[%parallel_loop3A_645, %parallel_loop3A_646], %parallel_loop3A_649 {add = true, strides = array<i32>} : memref<128x128xf32, #tpu.memory_space<vmem>>, vector<1x16xf32>,
      %parallel_loop3A_650 = arith.constant 128 : i32
      %parallel_loop3A_651 = arith.addi %parallel_loop3A_650, %parallel_loop3A_619 : i32
      %parallel_loop3A_652 = arith.index_cast %parallel_loop3A_651 : i32 to index
      %parallel_loop3A_653 = arith.constant 32 : index
      %parallel_loop3A_654 = tpu.vector_load %arg8[%parallel_loop3A_652, %parallel_loop3A_653] {strides = array<i32>} : memref<256x128xf32, #tpu.memory_space<vmem>>, vector<1x16xf32>,
      %parallel_loop3A_655 = vector.shape_cast %parallel_loop3A_654 : vector<1x16xf32> to vector<16xf32>
      %parallel_loop3A_656 = arith.constant 0 : i32
      %parallel_loop3A_657 = arith.constant 0 : i32
      %parallel_loop3A_658 = tpu.memref_slice %arg10[%parallel_loop3A_363, %parallel_loop3A_656, %parallel_loop3A_657] : memref<4x128x128xf32, #tpu.memory_space<vmem>> -> memref<1x128x128xf32, #tpu.memory_space<vmem>>
      %parallel_loop3A_659 = tpu.memref_squeeze %parallel_loop3A_658 : memref<1x128x128xf32, #tpu.memory_space<vmem>> -> memref<128x128xf32, #tpu.memory_space<vmem>>
      %parallel_loop3A_660 = arith.index_cast %parallel_loop3A_619 : i32 to index
      %parallel_loop3A_661 = arith.constant 32 : index
      %parallel_loop3A_662 = tpu.vector_load %parallel_loop3A_659[%parallel_loop3A_660, %parallel_loop3A_661] {strides = array<i32>} : memref<128x128xf32, #tpu.memory_space<vmem>>, vector<1x16xf32>,
      %parallel_loop3A_663 = vector.shape_cast %parallel_loop3A_662 : vector<1x16xf32> to vector<16xf32>
      %parallel_loop3A_664 = vector.shape_cast %parallel_loop3A_655 : vector<16xf32> to vector<1x16xf32>
      tpu.vector_store %parallel_loop3A_659[%parallel_loop3A_660, %parallel_loop3A_661], %parallel_loop3A_664 {add = true, strides = array<i32>} : memref<128x128xf32, #tpu.memory_space<vmem>>, vector<1x16xf32>,
      %parallel_loop3A_665 = arith.constant 128 : i32
      %parallel_loop3A_666 = arith.addi %parallel_loop3A_665, %parallel_loop3A_619 : i32
      %parallel_loop3A_667 = arith.index_cast %parallel_loop3A_666 : i32 to index
      %parallel_loop3A_668 = arith.constant 48 : index
      %parallel_loop3A_669 = tpu.vector_load %arg8[%parallel_loop3A_667, %parallel_loop3A_668] {strides = array<i32>} : memref<256x128xf32, #tpu.memory_space<vmem>>, vector<1x16xf32>,
      %parallel_loop3A_670 = vector.shape_cast %parallel_loop3A_669 : vector<1x16xf32> to vector<16xf32>
      %parallel_loop3A_671 = arith.constant 0 : i32
      %parallel_loop3A_672 = arith.constant 0 : i32
      %parallel_loop3A_673 = tpu.memref_slice %arg10[%parallel_loop3A_363, %parallel_loop3A_671, %parallel_loop3A_672] : memref<4x128x128xf32, #tpu.memory_space<vmem>> -> memref<1x128x128xf32, #tpu.memory_space<vmem>>
      %parallel_loop3A_674 = tpu.memref_squeeze %parallel_loop3A_673 : memref<1x128x128xf32, #tpu.memory_space<vmem>> -> memref<128x128xf32, #tpu.memory_space<vmem>>
      %parallel_loop3A_675 = arith.index_cast %parallel_loop3A_619 : i32 to index
      %parallel_loop3A_676 = arith.constant 48 : index
      %parallel_loop3A_677 = tpu.vector_load %parallel_loop3A_674[%parallel_loop3A_675, %parallel_loop3A_676] {strides = array<i32>} : memref<128x128xf32, #tpu.memory_space<vmem>>, vector<1x16xf32>,
      %parallel_loop3A_678 = vector.shape_cast %parallel_loop3A_677 : vector<1x16xf32> to vector<16xf32>
      %parallel_loop3A_679 = vector.shape_cast %parallel_loop3A_670 : vector<16xf32> to vector<1x16xf32>
      tpu.vector_store %parallel_loop3A_674[%parallel_loop3A_675, %parallel_loop3A_676], %parallel_loop3A_679 {add = true, strides = array<i32>} : memref<128x128xf32, #tpu.memory_space<vmem>>, vector<1x16xf32>,
      %parallel_loop3A_680 = arith.constant 128 : i32
      %parallel_loop3A_681 = arith.addi %parallel_loop3A_680, %parallel_loop3A_619 : i32
      %parallel_loop3A_682 = arith.index_cast %parallel_loop3A_681 : i32 to index
      %parallel_loop3A_683 = arith.constant 64 : index
      %parallel_loop3A_684 = tpu.vector_load %arg8[%parallel_loop3A_682, %parallel_loop3A_683] {strides = array<i32>} : memref<256x128xf32, #tpu.memory_space<vmem>>, vector<1x16xf32>,
      %parallel_loop3A_685 = vector.shape_cast %parallel_loop3A_684 : vector<1x16xf32> to vector<16xf32>
      %parallel_loop3A_686 = arith.constant 0 : i32
      %parallel_loop3A_687 = arith.constant 0 : i32
      %parallel_loop3A_688 = tpu.memref_slice %arg10[%parallel_loop3A_363, %parallel_loop3A_686, %parallel_loop3A_687] : memref<4x128x128xf32, #tpu.memory_space<vmem>> -> memref<1x128x128xf32, #tpu.memory_space<vmem>>
      %parallel_loop3A_689 = tpu.memref_squeeze %parallel_loop3A_688 : memref<1x128x128xf32, #tpu.memory_space<vmem>> -> memref<128x128xf32, #tpu.memory_space<vmem>>
      %parallel_loop3A_690 = arith.index_cast %parallel_loop3A_619 : i32 to index
      %parallel_loop3A_691 = arith.constant 64 : index
      %parallel_loop3A_692 = tpu.vector_load %parallel_loop3A_689[%parallel_loop3A_690, %parallel_loop3A_691] {strides = array<i32>} : memref<128x128xf32, #tpu.memory_space<vmem>>, vector<1x16xf32>,
      %parallel_loop3A_693 = vector.shape_cast %parallel_loop3A_692 : vector<1x16xf32> to vector<16xf32>
      %parallel_loop3A_694 = vector.shape_cast %parallel_loop3A_685 : vector<16xf32> to vector<1x16xf32>
      tpu.vector_store %parallel_loop3A_689[%parallel_loop3A_690, %parallel_loop3A_691], %parallel_loop3A_694 {add = true, strides = array<i32>} : memref<128x128xf32, #tpu.memory_space<vmem>>, vector<1x16xf32>,
      %parallel_loop3A_695 = arith.constant 128 : i32
      %parallel_loop3A_696 = arith.addi %parallel_loop3A_695, %parallel_loop3A_619 : i32
      %parallel_loop3A_697 = arith.index_cast %parallel_loop3A_696 : i32 to index
      %parallel_loop3A_698 = arith.constant 80 : index
      %parallel_loop3A_699 = tpu.vector_load %arg8[%parallel_loop3A_697, %parallel_loop3A_698] {strides = array<i32>} : memref<256x128xf32, #tpu.memory_space<vmem>>, vector<1x16xf32>,
      %parallel_loop3A_700 = vector.shape_cast %parallel_loop3A_699 : vector<1x16xf32> to vector<16xf32>
      %parallel_loop3A_701 = arith.constant 0 : i32
      %parallel_loop3A_702 = arith.constant 0 : i32
      %parallel_loop3A_703 = tpu.memref_slice %arg10[%parallel_loop3A_363, %parallel_loop3A_701, %parallel_loop3A_702] : memref<4x128x128xf32, #tpu.memory_space<vmem>> -> memref<1x128x128xf32, #tpu.memory_space<vmem>>
      %parallel_loop3A_704 = tpu.memref_squeeze %parallel_loop3A_703 : memref<1x128x128xf32, #tpu.memory_space<vmem>> -> memref<128x128xf32, #tpu.memory_space<vmem>>
      %parallel_loop3A_705 = arith.index_cast %parallel_loop3A_619 : i32 to index
      %parallel_loop3A_706 = arith.constant 80 : index
      %parallel_loop3A_707 = tpu.vector_load %parallel_loop3A_704[%parallel_loop3A_705, %parallel_loop3A_706] {strides = array<i32>} : memref<128x128xf32, #tpu.memory_space<vmem>>, vector<1x16xf32>,
      %parallel_loop3A_708 = vector.shape_cast %parallel_loop3A_707 : vector<1x16xf32> to vector<16xf32>
      %parallel_loop3A_709 = vector.shape_cast %parallel_loop3A_700 : vector<16xf32> to vector<1x16xf32>
      tpu.vector_store %parallel_loop3A_704[%parallel_loop3A_705, %parallel_loop3A_706], %parallel_loop3A_709 {add = true, strides = array<i32>} : memref<128x128xf32, #tpu.memory_space<vmem>>, vector<1x16xf32>,
      %parallel_loop3A_710 = arith.constant 128 : i32
      %parallel_loop3A_711 = arith.addi %parallel_loop3A_710, %parallel_loop3A_619 : i32
      %parallel_loop3A_712 = arith.index_cast %parallel_loop3A_711 : i32 to index
      %parallel_loop3A_713 = arith.constant 96 : index
      %parallel_loop3A_714 = tpu.vector_load %arg8[%parallel_loop3A_712, %parallel_loop3A_713] {strides = array<i32>} : memref<256x128xf32, #tpu.memory_space<vmem>>, vector<1x16xf32>,
      %parallel_loop3A_715 = vector.shape_cast %parallel_loop3A_714 : vector<1x16xf32> to vector<16xf32>
      %parallel_loop3A_716 = arith.constant 0 : i32
      %parallel_loop3A_717 = arith.constant 0 : i32
      %parallel_loop3A_718 = tpu.memref_slice %arg10[%parallel_loop3A_363, %parallel_loop3A_716, %parallel_loop3A_717] : memref<4x128x128xf32, #tpu.memory_space<vmem>> -> memref<1x128x128xf32, #tpu.memory_space<vmem>>
      %parallel_loop3A_719 = tpu.memref_squeeze %parallel_loop3A_718 : memref<1x128x128xf32, #tpu.memory_space<vmem>> -> memref<128x128xf32, #tpu.memory_space<vmem>>
      %parallel_loop3A_720 = arith.index_cast %parallel_loop3A_619 : i32 to index
      %parallel_loop3A_721 = arith.constant 96 : index
      %parallel_loop3A_722 = tpu.vector_load %parallel_loop3A_719[%parallel_loop3A_720, %parallel_loop3A_721] {strides = array<i32>} : memref<128x128xf32, #tpu.memory_space<vmem>>, vector<1x16xf32>,
      %parallel_loop3A_723 = vector.shape_cast %parallel_loop3A_722 : vector<1x16xf32> to vector<16xf32>
      %parallel_loop3A_724 = vector.shape_cast %parallel_loop3A_715 : vector<16xf32> to vector<1x16xf32>
      tpu.vector_store %parallel_loop3A_719[%parallel_loop3A_720, %parallel_loop3A_721], %parallel_loop3A_724 {add = true, strides = array<i32>} : memref<128x128xf32, #tpu.memory_space<vmem>>, vector<1x16xf32>,
      %parallel_loop3A_725 = arith.constant 128 : i32
      %parallel_loop3A_726 = arith.addi %parallel_loop3A_725, %parallel_loop3A_619 : i32
      %parallel_loop3A_727 = arith.index_cast %parallel_loop3A_726 : i32 to index
      %parallel_loop3A_728 = arith.constant 112 : index
      %parallel_loop3A_729 = tpu.vector_load %arg8[%parallel_loop3A_727, %parallel_loop3A_728] {strides = array<i32>} : memref<256x128xf32, #tpu.memory_space<vmem>>, vector<1x16xf32>,
      %parallel_loop3A_730 = vector.shape_cast %parallel_loop3A_729 : vector<1x16xf32> to vector<16xf32>
      %parallel_loop3A_731 = arith.constant 0 : i32
      %parallel_loop3A_732 = arith.constant 0 : i32
      %parallel_loop3A_733 = tpu.memref_slice %arg10[%parallel_loop3A_363, %parallel_loop3A_731, %parallel_loop3A_732] : memref<4x128x128xf32, #tpu.memory_space<vmem>> -> memref<1x128x128xf32, #tpu.memory_space<vmem>>
      %parallel_loop3A_734 = tpu.memref_squeeze %parallel_loop3A_733 : memref<1x128x128xf32, #tpu.memory_space<vmem>> -> memref<128x128xf32, #tpu.memory_space<vmem>>
      %parallel_loop3A_735 = arith.index_cast %parallel_loop3A_619 : i32 to index
      %parallel_loop3A_736 = arith.constant 112 : index
      %parallel_loop3A_737 = tpu.vector_load %parallel_loop3A_734[%parallel_loop3A_735, %parallel_loop3A_736] {strides = array<i32>} : memref<128x128xf32, #tpu.memory_space<vmem>>, vector<1x16xf32>,
      %parallel_loop3A_738 = vector.shape_cast %parallel_loop3A_737 : vector<1x16xf32> to vector<16xf32>
      %parallel_loop3A_739 = vector.shape_cast %parallel_loop3A_730 : vector<16xf32> to vector<1x16xf32>
      tpu.vector_store %parallel_loop3A_734[%parallel_loop3A_735, %parallel_loop3A_736], %parallel_loop3A_739 {add = true, strides = array<i32>} : memref<128x128xf32, #tpu.memory_space<vmem>>, vector<1x16xf32>,
    } {sc.loop_unroll_factor = 1 : i64, sc.parallel_access}
    %add3A_364 = arith.constant 128 : i32
    %add3A_365 = arith.addi %mul3A_2, %add3A_364 : i32
    %dma_start3A_366 = arith.constant 0 : i32
    %dma_start3A_367 = arith.constant 0 : i32
    %dma_start3A_368 = arith.constant 0 : i32
    %dma_start3A_369 = arith.constant 0 : i32
    %dma_start3A_370 = arith.constant 0 : i32
    %dma_start3A_371 = tpu.memref_slice %arg10[%dma_start3A_366, %dma_start3A_369, %dma_start3A_370] : memref<4x128x128xf32, #tpu.memory_space<vmem>> -> memref<1x128x128xf32, #tpu.memory_space<vmem>>
    %dma_start3A_372 = tpu.memref_squeeze %dma_start3A_371 : memref<1x128x128xf32, #tpu.memory_space<vmem>> -> memref<128x128xf32, #tpu.memory_space<vmem>>
    %dma_start3A_373 = arith.constant 0 : i32
    %dma_start3A_374 = tpu.memref_slice %arg5[%dma_start3A_367, %add3A_365, %dma_start3A_373] : memref<4x8192x128xf32, #tpu.memory_space<hbm>> -> memref<1x128x128xf32, #tpu.memory_space<hbm>>
    %dma_start3A_375 = tpu.memref_squeeze %dma_start3A_374 : memref<1x128x128xf32, #tpu.memory_space<hbm>> -> memref<128x128xf32, #tpu.memory_space<hbm>>
    %dma_start3A_376 = tpu.memref_slice %arg12[%dma_start3A_368] : memref<4x!tpu.dma_semaphore, #tpu.memory_space<semaphore_mem>> -> memref<1x!tpu.dma_semaphore, #tpu.memory_space<semaphore_mem>>
    %dma_start3A_377 = tpu.memref_squeeze %dma_start3A_376 : memref<1x!tpu.dma_semaphore, #tpu.memory_space<semaphore_mem>> -> memref<!tpu.dma_semaphore, #tpu.memory_space<semaphore_mem>>
    %dma_start3A_378 = arith.constant 0 : i32
    %dma_start3A_379 = tpu.memref_slice %arg5[%dma_start3A_367, %add3A_365, %dma_start3A_378] : memref<4x8192x128xf32, #tpu.memory_space<hbm>> -> memref<1x128x128xf32, #tpu.memory_space<hbm>>
    %dma_start3A_380 = tpu.memref_squeeze %dma_start3A_379 : memref<1x128x128xf32, #tpu.memory_space<hbm>> -> memref<128x128xf32, #tpu.memory_space<hbm>>
    %dma_start3A_381 = arith.constant 0 : i32
    %dma_start3A_382 = arith.constant 0 : i32
    %dma_start3A_383 = tpu.memref_slice %arg10[%dma_start3A_366, %dma_start3A_381, %dma_start3A_382] : memref<4x128x128xf32, #tpu.memory_space<vmem>> -> memref<1x128x128xf32, #tpu.memory_space<vmem>>
    %dma_start3A_384 = tpu.memref_squeeze %dma_start3A_383 : memref<1x128x128xf32, #tpu.memory_space<vmem>> -> memref<128x128xf32, #tpu.memory_space<vmem>>
    tpu.enqueue_dma source(%dma_start3A_384 : memref<128x128xf32, #tpu.memory_space<vmem>>) target(%dma_start3A_380 : memref<128x128xf32, #tpu.memory_space<hbm>>) target_semaphore(%dma_start3A_377 : memref<!tpu.dma_semaphore, #tpu.memory_space<semaphore_mem>>)
    %dma_wait3A_385 = arith.constant 3 : i32
    %dma_wait3A_386 = arith.constant 3 : i32
    %dma_wait3A_387 = arith.constant 3 : i32
    %dma_wait3A_388 = arith.constant 0 : i32
    %dma_wait3A_389 = arith.constant 0 : i32
    %dma_wait3A_390 = tpu.memref_slice %arg10[%dma_wait3A_385, %dma_wait3A_388, %dma_wait3A_389] : memref<4x128x128xf32, #tpu.memory_space<vmem>> -> memref<1x128x128xf32, #tpu.memory_space<vmem>>
    %dma_wait3A_391 = tpu.memref_squeeze %dma_wait3A_390 : memref<1x128x128xf32, #tpu.memory_space<vmem>> -> memref<128x128xf32, #tpu.memory_space<vmem>>
    %dma_wait3A_392 = arith.constant 0 : i32
    %dma_wait3A_393 = tpu.memref_slice %arg5[%dma_wait3A_386, %add3A_291, %dma_wait3A_392] : memref<4x8192x128xf32, #tpu.memory_space<hbm>> -> memref<1x128x128xf32, #tpu.memory_space<hbm>>
    %dma_wait3A_394 = tpu.memref_squeeze %dma_wait3A_393 : memref<1x128x128xf32, #tpu.memory_space<hbm>> -> memref<128x128xf32, #tpu.memory_space<hbm>>
    %dma_wait3A_395 = tpu.memref_slice %arg12[%dma_wait3A_387] : memref<4x!tpu.dma_semaphore, #tpu.memory_space<semaphore_mem>> -> memref<1x!tpu.dma_semaphore, #tpu.memory_space<semaphore_mem>>
    %dma_wait3A_396 = tpu.memref_squeeze %dma_wait3A_395 : memref<1x!tpu.dma_semaphore, #tpu.memory_space<semaphore_mem>> -> memref<!tpu.dma_semaphore, #tpu.memory_space<semaphore_mem>>
    %dma_wait3A_397 = arith.constant 0 : i32
    %dma_wait3A_398 = tpu.memref_slice %arg5[%dma_wait3A_386, %add3A_291, %dma_wait3A_397] : memref<4x8192x128xf32, #tpu.memory_space<hbm>> -> memref<1x128x128xf32, #tpu.memory_space<hbm>>
    %dma_wait3A_399 = tpu.memref_squeeze %dma_wait3A_398 : memref<1x128x128xf32, #tpu.memory_space<hbm>> -> memref<128x128xf32, #tpu.memory_space<hbm>>
    %dma_wait3A_400 = arith.constant 0 : i32
    %dma_wait3A_401 = arith.constant 0 : i32
    %dma_wait3A_402 = tpu.memref_slice %arg10[%dma_wait3A_385, %dma_wait3A_400, %dma_wait3A_401] : memref<4x128x128xf32, #tpu.memory_space<vmem>> -> memref<1x128x128xf32, #tpu.memory_space<vmem>>
    %dma_wait3A_403 = tpu.memref_squeeze %dma_wait3A_402 : memref<1x128x128xf32, #tpu.memory_space<vmem>> -> memref<128x128xf32, #tpu.memory_space<vmem>>
    tpu.wait_dma2 semaphore(%dma_wait3A_396 : memref<!tpu.dma_semaphore, #tpu.memory_space<semaphore_mem>>) src(%dma_wait3A_403 : memref<128x128xf32, #tpu.memory_space<vmem>>) dst(%dma_wait3A_399 : memref<128x128xf32, #tpu.memory_space<hbm>>)
    %dma_start3A_404 = arith.constant 3 : i32
    %dma_start3A_405 = arith.constant 3 : i32
    %dma_start3A_406 = arith.constant 3 : i32
    %dma_start3A_407 = arith.constant 0 : i32
    %dma_start3A_408 = arith.constant 0 : i32
    %dma_start3A_409 = tpu.memref_slice %arg10[%dma_start3A_405, %dma_start3A_407, %dma_start3A_408] : memref<4x128x128xf32, #tpu.memory_space<vmem>> -> memref<1x128x128xf32, #tpu.memory_space<vmem>>
    %dma_start3A_410 = tpu.memref_squeeze %dma_start3A_409 : memref<1x128x128xf32, #tpu.memory_space<vmem>> -> memref<128x128xf32, #tpu.memory_space<vmem>>
    %dma_start3A_411 = arith.constant 128 : i32
    %dma_start3A_412 = tpu.memref_slice %arg7[%dma_start3A_404, %dma_start3A_411] : memref<4x256xi32, #tpu.memory_space<vmem>> -> memref<1x128xi32, #tpu.memory_space<vmem>>
    %dma_start3A_413 = tpu.memref_squeeze %dma_start3A_412 : memref<1x128xi32, #tpu.memory_space<vmem>> -> memref<128xi32, #tpu.memory_space<vmem>>
    %dma_start3A_414 = arith.constant 0 : i32
    %dma_start3A_415 = arith.constant 0 : i32
    %dma_start3A_416 = tpu.memref_slice %arg3[%dma_start3A_414, %dma_start3A_415] : memref<100000x128xf32, #tpu.memory_space<hbm>> -> memref<100000x128xf32, #tpu.memory_space<hbm>>
    %dma_start3A_417 = tpu.memref_slice %arg11[%dma_start3A_406] : memref<4x!tpu.dma_semaphore, #tpu.memory_space<semaphore_mem>> -> memref<1x!tpu.dma_semaphore, #tpu.memory_space<semaphore_mem>>
    %dma_start3A_418 = tpu.memref_squeeze %dma_start3A_417 : memref<1x!tpu.dma_semaphore, #tpu.memory_space<semaphore_mem>> -> memref<!tpu.dma_semaphore, #tpu.memory_space<semaphore_mem>>
    tpu.enqueue_indirect_dma source(%dma_start3A_416 : memref<100000x128xf32, #tpu.memory_space<hbm>>) target(%dma_start3A_410 : memref<128x128xf32, #tpu.memory_space<vmem>>) offsets(%dma_start3A_413 : memref<128xi32, #tpu.memory_space<vmem>>) semaphore(%dma_start3A_418 : memref<!tpu.dma_semaphore, #tpu.memory_space<semaphore_mem>>)
    %dma_wait3A_419 = arith.constant 1 : i32
    %dma_wait3A_420 = arith.constant 1 : i32
    %dma_wait3A_421 = arith.constant 1 : i32
    %dma_wait3A_422 = arith.constant 0 : i32
    %dma_wait3A_423 = arith.constant 0 : i32
    %dma_wait3A_424 = tpu.memref_slice %arg10[%dma_wait3A_420, %dma_wait3A_422, %dma_wait3A_423] : memref<4x128x128xf32, #tpu.memory_space<vmem>> -> memref<1x128x128xf32, #tpu.memory_space<vmem>>
    %dma_wait3A_425 = tpu.memref_squeeze %dma_wait3A_424 : memref<1x128x128xf32, #tpu.memory_space<vmem>> -> memref<128x128xf32, #tpu.memory_space<vmem>>
    %dma_wait3A_426 = arith.constant 128 : i32
    %dma_wait3A_427 = tpu.memref_slice %arg7[%dma_wait3A_419, %dma_wait3A_426] : memref<4x256xi32, #tpu.memory_space<vmem>> -> memref<1x128xi32, #tpu.memory_space<vmem>>
    %dma_wait3A_428 = tpu.memref_squeeze %dma_wait3A_427 : memref<1x128xi32, #tpu.memory_space<vmem>> -> memref<128xi32, #tpu.memory_space<vmem>>
    %dma_wait3A_429 = arith.constant 0 : i32
    %dma_wait3A_430 = arith.constant 0 : i32
    %dma_wait3A_431 = tpu.memref_slice %arg3[%dma_wait3A_429, %dma_wait3A_430] : memref<100000x128xf32, #tpu.memory_space<hbm>> -> memref<100000x128xf32, #tpu.memory_space<hbm>>
    %dma_wait3A_432 = tpu.memref_slice %arg11[%dma_wait3A_421] : memref<4x!tpu.dma_semaphore, #tpu.memory_space<semaphore_mem>> -> memref<1x!tpu.dma_semaphore, #tpu.memory_space<semaphore_mem>>
    %dma_wait3A_433 = tpu.memref_squeeze %dma_wait3A_432 : memref<1x!tpu.dma_semaphore, #tpu.memory_space<semaphore_mem>> -> memref<!tpu.dma_semaphore, #tpu.memory_space<semaphore_mem>>
    tpu.wait_indirect_dma semaphore(%dma_wait3A_433 : memref<!tpu.dma_semaphore, #tpu.memory_space<semaphore_mem>>) src(%dma_wait3A_431 : memref<100000x128xf32, #tpu.memory_space<hbm>>) dst(%dma_wait3A_425 : memref<128x128xf32, #tpu.memory_space<vmem>>)
    %parallel_loop3A_434 = arith.constant 0 : i32
    %parallel_loop3A_435 = arith.constant 128 : i32
    %parallel_loop3A_436 = arith.constant 1 : i32
    %parallel_loop3A_437 = arith.constant 1 : i32
    scf.for %parallel_loop3A_619 = %parallel_loop3A_434 to %parallel_loop3A_435 step %parallel_loop3A_436  : i32 {
      %parallel_loop3A_620 = arith.constant 128 : i32
      %parallel_loop3A_621 = arith.addi %parallel_loop3A_620, %parallel_loop3A_619 : i32
      %parallel_loop3A_622 = arith.index_cast %parallel_loop3A_621 : i32 to index
      %parallel_loop3A_623 = arith.constant 0 : index
      %parallel_loop3A_624 = tpu.vector_load %arg8[%parallel_loop3A_622, %parallel_loop3A_623] {strides = array<i32>} : memref<256x128xf32, #tpu.memory_space<vmem>>, vector<1x16xf32>,
      %parallel_loop3A_625 = vector.shape_cast %parallel_loop3A_624 : vector<1x16xf32> to vector<16xf32>
      %parallel_loop3A_626 = arith.constant 0 : i32
      %parallel_loop3A_627 = arith.constant 0 : i32
      %parallel_loop3A_628 = tpu.memref_slice %arg10[%parallel_loop3A_437, %parallel_loop3A_626, %parallel_loop3A_627] : memref<4x128x128xf32, #tpu.memory_space<vmem>> -> memref<1x128x128xf32, #tpu.memory_space<vmem>>
      %parallel_loop3A_629 = tpu.memref_squeeze %parallel_loop3A_628 : memref<1x128x128xf32, #tpu.memory_space<vmem>> -> memref<128x128xf32, #tpu.memory_space<vmem>>
      %parallel_loop3A_630 = arith.index_cast %parallel_loop3A_619 : i32 to index
      %parallel_loop3A_631 = arith.constant 0 : index
      %parallel_loop3A_632 = tpu.vector_load %parallel_loop3A_629[%parallel_loop3A_630, %parallel_loop3A_631] {strides = array<i32>} : memref<128x128xf32, #tpu.memory_space<vmem>>, vector<1x16xf32>,
      %parallel_loop3A_633 = vector.shape_cast %parallel_loop3A_632 : vector<1x16xf32> to vector<16xf32>
      %parallel_loop3A_634 = vector.shape_cast %parallel_loop3A_625 : vector<16xf32> to vector<1x16xf32>
      tpu.vector_store %parallel_loop3A_629[%parallel_loop3A_630, %parallel_loop3A_631], %parallel_loop3A_634 {add = true, strides = array<i32>} : memref<128x128xf32, #tpu.memory_space<vmem>>, vector<1x16xf32>,
      %parallel_loop3A_635 = arith.constant 128 : i32
      %parallel_loop3A_636 = arith.addi %parallel_loop3A_635, %parallel_loop3A_619 : i32
      %parallel_loop3A_637 = arith.index_cast %parallel_loop3A_636 : i32 to index
      %parallel_loop3A_638 = arith.constant 16 : index
      %parallel_loop3A_639 = tpu.vector_load %arg8[%parallel_loop3A_637, %parallel_loop3A_638] {strides = array<i32>} : memref<256x128xf32, #tpu.memory_space<vmem>>, vector<1x16xf32>,
      %parallel_loop3A_640 = vector.shape_cast %parallel_loop3A_639 : vector<1x16xf32> to vector<16xf32>
      %parallel_loop3A_641 = arith.constant 0 : i32
      %parallel_loop3A_642 = arith.constant 0 : i32
      %parallel_loop3A_643 = tpu.memref_slice %arg10[%parallel_loop3A_437, %parallel_loop3A_641, %parallel_loop3A_642] : memref<4x128x128xf32, #tpu.memory_space<vmem>> -> memref<1x128x128xf32, #tpu.memory_space<vmem>>
      %parallel_loop3A_644 = tpu.memref_squeeze %parallel_loop3A_643 : memref<1x128x128xf32, #tpu.memory_space<vmem>> -> memref<128x128xf32, #tpu.memory_space<vmem>>
      %parallel_loop3A_645 = arith.index_cast %parallel_loop3A_619 : i32 to index
      %parallel_loop3A_646 = arith.constant 16 : index
      %parallel_loop3A_647 = tpu.vector_load %parallel_loop3A_644[%parallel_loop3A_645, %parallel_loop3A_646] {strides = array<i32>} : memref<128x128xf32, #tpu.memory_space<vmem>>, vector<1x16xf32>,
      %parallel_loop3A_648 = vector.shape_cast %parallel_loop3A_647 : vector<1x16xf32> to vector<16xf32>
      %parallel_loop3A_649 = vector.shape_cast %parallel_loop3A_640 : vector<16xf32> to vector<1x16xf32>
      tpu.vector_store %parallel_loop3A_644[%parallel_loop3A_645, %parallel_loop3A_646], %parallel_loop3A_649 {add = true, strides = array<i32>} : memref<128x128xf32, #tpu.memory_space<vmem>>, vector<1x16xf32>,
      %parallel_loop3A_650 = arith.constant 128 : i32
      %parallel_loop3A_651 = arith.addi %parallel_loop3A_650, %parallel_loop3A_619 : i32
      %parallel_loop3A_652 = arith.index_cast %parallel_loop3A_651 : i32 to index
      %parallel_loop3A_653 = arith.constant 32 : index
      %parallel_loop3A_654 = tpu.vector_load %arg8[%parallel_loop3A_652, %parallel_loop3A_653] {strides = array<i32>} : memref<256x128xf32, #tpu.memory_space<vmem>>, vector<1x16xf32>,
      %parallel_loop3A_655 = vector.shape_cast %parallel_loop3A_654 : vector<1x16xf32> to vector<16xf32>
      %parallel_loop3A_656 = arith.constant 0 : i32
      %parallel_loop3A_657 = arith.constant 0 : i32
      %parallel_loop3A_658 = tpu.memref_slice %arg10[%parallel_loop3A_437, %parallel_loop3A_656, %parallel_loop3A_657] : memref<4x128x128xf32, #tpu.memory_space<vmem>> -> memref<1x128x128xf32, #tpu.memory_space<vmem>>
      %parallel_loop3A_659 = tpu.memref_squeeze %parallel_loop3A_658 : memref<1x128x128xf32, #tpu.memory_space<vmem>> -> memref<128x128xf32, #tpu.memory_space<vmem>>
      %parallel_loop3A_660 = arith.index_cast %parallel_loop3A_619 : i32 to index
      %parallel_loop3A_661 = arith.constant 32 : index
      %parallel_loop3A_662 = tpu.vector_load %parallel_loop3A_659[%parallel_loop3A_660, %parallel_loop3A_661] {strides = array<i32>} : memref<128x128xf32, #tpu.memory_space<vmem>>, vector<1x16xf32>,
      %parallel_loop3A_663 = vector.shape_cast %parallel_loop3A_662 : vector<1x16xf32> to vector<16xf32>
      %parallel_loop3A_664 = vector.shape_cast %parallel_loop3A_655 : vector<16xf32> to vector<1x16xf32>
      tpu.vector_store %parallel_loop3A_659[%parallel_loop3A_660, %parallel_loop3A_661], %parallel_loop3A_664 {add = true, strides = array<i32>} : memref<128x128xf32, #tpu.memory_space<vmem>>, vector<1x16xf32>,
      %parallel_loop3A_665 = arith.constant 128 : i32
      %parallel_loop3A_666 = arith.addi %parallel_loop3A_665, %parallel_loop3A_619 : i32
      %parallel_loop3A_667 = arith.index_cast %parallel_loop3A_666 : i32 to index
      %parallel_loop3A_668 = arith.constant 48 : index
      %parallel_loop3A_669 = tpu.vector_load %arg8[%parallel_loop3A_667, %parallel_loop3A_668] {strides = array<i32>} : memref<256x128xf32, #tpu.memory_space<vmem>>, vector<1x16xf32>,
      %parallel_loop3A_670 = vector.shape_cast %parallel_loop3A_669 : vector<1x16xf32> to vector<16xf32>
      %parallel_loop3A_671 = arith.constant 0 : i32
      %parallel_loop3A_672 = arith.constant 0 : i32
      %parallel_loop3A_673 = tpu.memref_slice %arg10[%parallel_loop3A_437, %parallel_loop3A_671, %parallel_loop3A_672] : memref<4x128x128xf32, #tpu.memory_space<vmem>> -> memref<1x128x128xf32, #tpu.memory_space<vmem>>
      %parallel_loop3A_674 = tpu.memref_squeeze %parallel_loop3A_673 : memref<1x128x128xf32, #tpu.memory_space<vmem>> -> memref<128x128xf32, #tpu.memory_space<vmem>>
      %parallel_loop3A_675 = arith.index_cast %parallel_loop3A_619 : i32 to index
      %parallel_loop3A_676 = arith.constant 48 : index
      %parallel_loop3A_677 = tpu.vector_load %parallel_loop3A_674[%parallel_loop3A_675, %parallel_loop3A_676] {strides = array<i32>} : memref<128x128xf32, #tpu.memory_space<vmem>>, vector<1x16xf32>,
      %parallel_loop3A_678 = vector.shape_cast %parallel_loop3A_677 : vector<1x16xf32> to vector<16xf32>
      %parallel_loop3A_679 = vector.shape_cast %parallel_loop3A_670 : vector<16xf32> to vector<1x16xf32>
      tpu.vector_store %parallel_loop3A_674[%parallel_loop3A_675, %parallel_loop3A_676], %parallel_loop3A_679 {add = true, strides = array<i32>} : memref<128x128xf32, #tpu.memory_space<vmem>>, vector<1x16xf32>,
      %parallel_loop3A_680 = arith.constant 128 : i32
      %parallel_loop3A_681 = arith.addi %parallel_loop3A_680, %parallel_loop3A_619 : i32
      %parallel_loop3A_682 = arith.index_cast %parallel_loop3A_681 : i32 to index
      %parallel_loop3A_683 = arith.constant 64 : index
      %parallel_loop3A_684 = tpu.vector_load %arg8[%parallel_loop3A_682, %parallel_loop3A_683] {strides = array<i32>} : memref<256x128xf32, #tpu.memory_space<vmem>>, vector<1x16xf32>,
      %parallel_loop3A_685 = vector.shape_cast %parallel_loop3A_684 : vector<1x16xf32> to vector<16xf32>
      %parallel_loop3A_686 = arith.constant 0 : i32
      %parallel_loop3A_687 = arith.constant 0 : i32
      %parallel_loop3A_688 = tpu.memref_slice %arg10[%parallel_loop3A_437, %parallel_loop3A_686, %parallel_loop3A_687] : memref<4x128x128xf32, #tpu.memory_space<vmem>> -> memref<1x128x128xf32, #tpu.memory_space<vmem>>
      %parallel_loop3A_689 = tpu.memref_squeeze %parallel_loop3A_688 : memref<1x128x128xf32, #tpu.memory_space<vmem>> -> memref<128x128xf32, #tpu.memory_space<vmem>>
      %parallel_loop3A_690 = arith.index_cast %parallel_loop3A_619 : i32 to index
      %parallel_loop3A_691 = arith.constant 64 : index
      %parallel_loop3A_692 = tpu.vector_load %parallel_loop3A_689[%parallel_loop3A_690, %parallel_loop3A_691] {strides = array<i32>} : memref<128x128xf32, #tpu.memory_space<vmem>>, vector<1x16xf32>,
      %parallel_loop3A_693 = vector.shape_cast %parallel_loop3A_692 : vector<1x16xf32> to vector<16xf32>
      %parallel_loop3A_694 = vector.shape_cast %parallel_loop3A_685 : vector<16xf32> to vector<1x16xf32>
      tpu.vector_store %parallel_loop3A_689[%parallel_loop3A_690, %parallel_loop3A_691], %parallel_loop3A_694 {add = true, strides = array<i32>} : memref<128x128xf32, #tpu.memory_space<vmem>>, vector<1x16xf32>,
      %parallel_loop3A_695 = arith.constant 128 : i32
      %parallel_loop3A_696 = arith.addi %parallel_loop3A_695, %parallel_loop3A_619 : i32
      %parallel_loop3A_697 = arith.index_cast %parallel_loop3A_696 : i32 to index
      %parallel_loop3A_698 = arith.constant 80 : index
      %parallel_loop3A_699 = tpu.vector_load %arg8[%parallel_loop3A_697, %parallel_loop3A_698] {strides = array<i32>} : memref<256x128xf32, #tpu.memory_space<vmem>>, vector<1x16xf32>,
      %parallel_loop3A_700 = vector.shape_cast %parallel_loop3A_699 : vector<1x16xf32> to vector<16xf32>
      %parallel_loop3A_701 = arith.constant 0 : i32
      %parallel_loop3A_702 = arith.constant 0 : i32
      %parallel_loop3A_703 = tpu.memref_slice %arg10[%parallel_loop3A_437, %parallel_loop3A_701, %parallel_loop3A_702] : memref<4x128x128xf32, #tpu.memory_space<vmem>> -> memref<1x128x128xf32, #tpu.memory_space<vmem>>
      %parallel_loop3A_704 = tpu.memref_squeeze %parallel_loop3A_703 : memref<1x128x128xf32, #tpu.memory_space<vmem>> -> memref<128x128xf32, #tpu.memory_space<vmem>>
      %parallel_loop3A_705 = arith.index_cast %parallel_loop3A_619 : i32 to index
      %parallel_loop3A_706 = arith.constant 80 : index
      %parallel_loop3A_707 = tpu.vector_load %parallel_loop3A_704[%parallel_loop3A_705, %parallel_loop3A_706] {strides = array<i32>} : memref<128x128xf32, #tpu.memory_space<vmem>>, vector<1x16xf32>,
      %parallel_loop3A_708 = vector.shape_cast %parallel_loop3A_707 : vector<1x16xf32> to vector<16xf32>
      %parallel_loop3A_709 = vector.shape_cast %parallel_loop3A_700 : vector<16xf32> to vector<1x16xf32>
      tpu.vector_store %parallel_loop3A_704[%parallel_loop3A_705, %parallel_loop3A_706], %parallel_loop3A_709 {add = true, strides = array<i32>} : memref<128x128xf32, #tpu.memory_space<vmem>>, vector<1x16xf32>,
      %parallel_loop3A_710 = arith.constant 128 : i32
      %parallel_loop3A_711 = arith.addi %parallel_loop3A_710, %parallel_loop3A_619 : i32
      %parallel_loop3A_712 = arith.index_cast %parallel_loop3A_711 : i32 to index
      %parallel_loop3A_713 = arith.constant 96 : index
      %parallel_loop3A_714 = tpu.vector_load %arg8[%parallel_loop3A_712, %parallel_loop3A_713] {strides = array<i32>} : memref<256x128xf32, #tpu.memory_space<vmem>>, vector<1x16xf32>,
      %parallel_loop3A_715 = vector.shape_cast %parallel_loop3A_714 : vector<1x16xf32> to vector<16xf32>
      %parallel_loop3A_716 = arith.constant 0 : i32
      %parallel_loop3A_717 = arith.constant 0 : i32
      %parallel_loop3A_718 = tpu.memref_slice %arg10[%parallel_loop3A_437, %parallel_loop3A_716, %parallel_loop3A_717] : memref<4x128x128xf32, #tpu.memory_space<vmem>> -> memref<1x128x128xf32, #tpu.memory_space<vmem>>
      %parallel_loop3A_719 = tpu.memref_squeeze %parallel_loop3A_718 : memref<1x128x128xf32, #tpu.memory_space<vmem>> -> memref<128x128xf32, #tpu.memory_space<vmem>>
      %parallel_loop3A_720 = arith.index_cast %parallel_loop3A_619 : i32 to index
      %parallel_loop3A_721 = arith.constant 96 : index
      %parallel_loop3A_722 = tpu.vector_load %parallel_loop3A_719[%parallel_loop3A_720, %parallel_loop3A_721] {strides = array<i32>} : memref<128x128xf32, #tpu.memory_space<vmem>>, vector<1x16xf32>,
      %parallel_loop3A_723 = vector.shape_cast %parallel_loop3A_722 : vector<1x16xf32> to vector<16xf32>
      %parallel_loop3A_724 = vector.shape_cast %parallel_loop3A_715 : vector<16xf32> to vector<1x16xf32>
      tpu.vector_store %parallel_loop3A_719[%parallel_loop3A_720, %parallel_loop3A_721], %parallel_loop3A_724 {add = true, strides = array<i32>} : memref<128x128xf32, #tpu.memory_space<vmem>>, vector<1x16xf32>,
      %parallel_loop3A_725 = arith.constant 128 : i32
      %parallel_loop3A_726 = arith.addi %parallel_loop3A_725, %parallel_loop3A_619 : i32
      %parallel_loop3A_727 = arith.index_cast %parallel_loop3A_726 : i32 to index
      %parallel_loop3A_728 = arith.constant 112 : index
      %parallel_loop3A_729 = tpu.vector_load %arg8[%parallel_loop3A_727, %parallel_loop3A_728] {strides = array<i32>} : memref<256x128xf32, #tpu.memory_space<vmem>>, vector<1x16xf32>,
      %parallel_loop3A_730 = vector.shape_cast %parallel_loop3A_729 : vector<1x16xf32> to vector<16xf32>
      %parallel_loop3A_731 = arith.constant 0 : i32
      %parallel_loop3A_732 = arith.constant 0 : i32
      %parallel_loop3A_733 = tpu.memref_slice %arg10[%parallel_loop3A_437, %parallel_loop3A_731, %parallel_loop3A_732] : memref<4x128x128xf32, #tpu.memory_space<vmem>> -> memref<1x128x128xf32, #tpu.memory_space<vmem>>
      %parallel_loop3A_734 = tpu.memref_squeeze %parallel_loop3A_733 : memref<1x128x128xf32, #tpu.memory_space<vmem>> -> memref<128x128xf32, #tpu.memory_space<vmem>>
      %parallel_loop3A_735 = arith.index_cast %parallel_loop3A_619 : i32 to index
      %parallel_loop3A_736 = arith.constant 112 : index
      %parallel_loop3A_737 = tpu.vector_load %parallel_loop3A_734[%parallel_loop3A_735, %parallel_loop3A_736] {strides = array<i32>} : memref<128x128xf32, #tpu.memory_space<vmem>>, vector<1x16xf32>,
      %parallel_loop3A_738 = vector.shape_cast %parallel_loop3A_737 : vector<1x16xf32> to vector<16xf32>
      %parallel_loop3A_739 = vector.shape_cast %parallel_loop3A_730 : vector<16xf32> to vector<1x16xf32>
      tpu.vector_store %parallel_loop3A_734[%parallel_loop3A_735, %parallel_loop3A_736], %parallel_loop3A_739 {add = true, strides = array<i32>} : memref<128x128xf32, #tpu.memory_space<vmem>>, vector<1x16xf32>,
    } {sc.loop_unroll_factor = 1 : i64, sc.parallel_access}
    %add3A_438 = arith.constant 128 : i32
    %add3A_439 = arith.addi %mul3A_2, %add3A_438 : i32
    %dma_start3A_440 = arith.constant 1 : i32
    %dma_start3A_441 = arith.constant 1 : i32
    %dma_start3A_442 = arith.constant 1 : i32
    %dma_start3A_443 = arith.constant 0 : i32
    %dma_start3A_444 = arith.constant 0 : i32
    %dma_start3A_445 = tpu.memref_slice %arg10[%dma_start3A_440, %dma_start3A_443, %dma_start3A_444] : memref<4x128x128xf32, #tpu.memory_space<vmem>> -> memref<1x128x128xf32, #tpu.memory_space<vmem>>
    %dma_start3A_446 = tpu.memref_squeeze %dma_start3A_445 : memref<1x128x128xf32, #tpu.memory_space<vmem>> -> memref<128x128xf32, #tpu.memory_space<vmem>>
    %dma_start3A_447 = arith.constant 0 : i32
    %dma_start3A_448 = tpu.memref_slice %arg5[%dma_start3A_441, %add3A_439, %dma_start3A_447] : memref<4x8192x128xf32, #tpu.memory_space<hbm>> -> memref<1x128x128xf32, #tpu.memory_space<hbm>>
    %dma_start3A_449 = tpu.memref_squeeze %dma_start3A_448 : memref<1x128x128xf32, #tpu.memory_space<hbm>> -> memref<128x128xf32, #tpu.memory_space<hbm>>
    %dma_start3A_450 = tpu.memref_slice %arg12[%dma_start3A_442] : memref<4x!tpu.dma_semaphore, #tpu.memory_space<semaphore_mem>> -> memref<1x!tpu.dma_semaphore, #tpu.memory_space<semaphore_mem>>
    %dma_start3A_451 = tpu.memref_squeeze %dma_start3A_450 : memref<1x!tpu.dma_semaphore, #tpu.memory_space<semaphore_mem>> -> memref<!tpu.dma_semaphore, #tpu.memory_space<semaphore_mem>>
    %dma_start3A_452 = arith.constant 0 : i32
    %dma_start3A_453 = tpu.memref_slice %arg5[%dma_start3A_441, %add3A_439, %dma_start3A_452] : memref<4x8192x128xf32, #tpu.memory_space<hbm>> -> memref<1x128x128xf32, #tpu.memory_space<hbm>>
    %dma_start3A_454 = tpu.memref_squeeze %dma_start3A_453 : memref<1x128x128xf32, #tpu.memory_space<hbm>> -> memref<128x128xf32, #tpu.memory_space<hbm>>
    %dma_start3A_455 = arith.constant 0 : i32
    %dma_start3A_456 = arith.constant 0 : i32
    %dma_start3A_457 = tpu.memref_slice %arg10[%dma_start3A_440, %dma_start3A_455, %dma_start3A_456] : memref<4x128x128xf32, #tpu.memory_space<vmem>> -> memref<1x128x128xf32, #tpu.memory_space<vmem>>
    %dma_start3A_458 = tpu.memref_squeeze %dma_start3A_457 : memref<1x128x128xf32, #tpu.memory_space<vmem>> -> memref<128x128xf32, #tpu.memory_space<vmem>>
    tpu.enqueue_dma source(%dma_start3A_458 : memref<128x128xf32, #tpu.memory_space<vmem>>) target(%dma_start3A_454 : memref<128x128xf32, #tpu.memory_space<hbm>>) target_semaphore(%dma_start3A_451 : memref<!tpu.dma_semaphore, #tpu.memory_space<semaphore_mem>>)
    %dma_wait3A_459 = arith.constant 2 : i32
    %dma_wait3A_460 = arith.constant 2 : i32
    %dma_wait3A_461 = arith.constant 2 : i32
    %dma_wait3A_462 = arith.constant 0 : i32
    %dma_wait3A_463 = arith.constant 0 : i32
    %dma_wait3A_464 = tpu.memref_slice %arg10[%dma_wait3A_460, %dma_wait3A_462, %dma_wait3A_463] : memref<4x128x128xf32, #tpu.memory_space<vmem>> -> memref<1x128x128xf32, #tpu.memory_space<vmem>>
    %dma_wait3A_465 = tpu.memref_squeeze %dma_wait3A_464 : memref<1x128x128xf32, #tpu.memory_space<vmem>> -> memref<128x128xf32, #tpu.memory_space<vmem>>
    %dma_wait3A_466 = arith.constant 128 : i32
    %dma_wait3A_467 = tpu.memref_slice %arg7[%dma_wait3A_459, %dma_wait3A_466] : memref<4x256xi32, #tpu.memory_space<vmem>> -> memref<1x128xi32, #tpu.memory_space<vmem>>
    %dma_wait3A_468 = tpu.memref_squeeze %dma_wait3A_467 : memref<1x128xi32, #tpu.memory_space<vmem>> -> memref<128xi32, #tpu.memory_space<vmem>>
    %dma_wait3A_469 = arith.constant 0 : i32
    %dma_wait3A_470 = arith.constant 0 : i32
    %dma_wait3A_471 = tpu.memref_slice %arg3[%dma_wait3A_469, %dma_wait3A_470] : memref<100000x128xf32, #tpu.memory_space<hbm>> -> memref<100000x128xf32, #tpu.memory_space<hbm>>
    %dma_wait3A_472 = tpu.memref_slice %arg11[%dma_wait3A_461] : memref<4x!tpu.dma_semaphore, #tpu.memory_space<semaphore_mem>> -> memref<1x!tpu.dma_semaphore, #tpu.memory_space<semaphore_mem>>
    %dma_wait3A_473 = tpu.memref_squeeze %dma_wait3A_472 : memref<1x!tpu.dma_semaphore, #tpu.memory_space<semaphore_mem>> -> memref<!tpu.dma_semaphore, #tpu.memory_space<semaphore_mem>>
    tpu.wait_indirect_dma semaphore(%dma_wait3A_473 : memref<!tpu.dma_semaphore, #tpu.memory_space<semaphore_mem>>) src(%dma_wait3A_471 : memref<100000x128xf32, #tpu.memory_space<hbm>>) dst(%dma_wait3A_465 : memref<128x128xf32, #tpu.memory_space<vmem>>)
    %parallel_loop3A_474 = arith.constant 0 : i32
    %parallel_loop3A_475 = arith.constant 128 : i32
    %parallel_loop3A_476 = arith.constant 1 : i32
    %parallel_loop3A_477 = arith.constant 2 : i32
    scf.for %parallel_loop3A_619 = %parallel_loop3A_474 to %parallel_loop3A_475 step %parallel_loop3A_476  : i32 {
      %parallel_loop3A_620 = arith.constant 128 : i32
      %parallel_loop3A_621 = arith.addi %parallel_loop3A_620, %parallel_loop3A_619 : i32
      %parallel_loop3A_622 = arith.index_cast %parallel_loop3A_621 : i32 to index
      %parallel_loop3A_623 = arith.constant 0 : index
      %parallel_loop3A_624 = tpu.vector_load %arg8[%parallel_loop3A_622, %parallel_loop3A_623] {strides = array<i32>} : memref<256x128xf32, #tpu.memory_space<vmem>>, vector<1x16xf32>,
      %parallel_loop3A_625 = vector.shape_cast %parallel_loop3A_624 : vector<1x16xf32> to vector<16xf32>
      %parallel_loop3A_626 = arith.constant 0 : i32
      %parallel_loop3A_627 = arith.constant 0 : i32
      %parallel_loop3A_628 = tpu.memref_slice %arg10[%parallel_loop3A_477, %parallel_loop3A_626, %parallel_loop3A_627] : memref<4x128x128xf32, #tpu.memory_space<vmem>> -> memref<1x128x128xf32, #tpu.memory_space<vmem>>
      %parallel_loop3A_629 = tpu.memref_squeeze %parallel_loop3A_628 : memref<1x128x128xf32, #tpu.memory_space<vmem>> -> memref<128x128xf32, #tpu.memory_space<vmem>>
      %parallel_loop3A_630 = arith.index_cast %parallel_loop3A_619 : i32 to index
      %parallel_loop3A_631 = arith.constant 0 : index
      %parallel_loop3A_632 = tpu.vector_load %parallel_loop3A_629[%parallel_loop3A_630, %parallel_loop3A_631] {strides = array<i32>} : memref<128x128xf32, #tpu.memory_space<vmem>>, vector<1x16xf32>,
      %parallel_loop3A_633 = vector.shape_cast %parallel_loop3A_632 : vector<1x16xf32> to vector<16xf32>
      %parallel_loop3A_634 = vector.shape_cast %parallel_loop3A_625 : vector<16xf32> to vector<1x16xf32>
      tpu.vector_store %parallel_loop3A_629[%parallel_loop3A_630, %parallel_loop3A_631], %parallel_loop3A_634 {add = true, strides = array<i32>} : memref<128x128xf32, #tpu.memory_space<vmem>>, vector<1x16xf32>,
      %parallel_loop3A_635 = arith.constant 128 : i32
      %parallel_loop3A_636 = arith.addi %parallel_loop3A_635, %parallel_loop3A_619 : i32
      %parallel_loop3A_637 = arith.index_cast %parallel_loop3A_636 : i32 to index
      %parallel_loop3A_638 = arith.constant 16 : index
      %parallel_loop3A_639 = tpu.vector_load %arg8[%parallel_loop3A_637, %parallel_loop3A_638] {strides = array<i32>} : memref<256x128xf32, #tpu.memory_space<vmem>>, vector<1x16xf32>,
      %parallel_loop3A_640 = vector.shape_cast %parallel_loop3A_639 : vector<1x16xf32> to vector<16xf32>
      %parallel_loop3A_641 = arith.constant 0 : i32
      %parallel_loop3A_642 = arith.constant 0 : i32
      %parallel_loop3A_643 = tpu.memref_slice %arg10[%parallel_loop3A_477, %parallel_loop3A_641, %parallel_loop3A_642] : memref<4x128x128xf32, #tpu.memory_space<vmem>> -> memref<1x128x128xf32, #tpu.memory_space<vmem>>
      %parallel_loop3A_644 = tpu.memref_squeeze %parallel_loop3A_643 : memref<1x128x128xf32, #tpu.memory_space<vmem>> -> memref<128x128xf32, #tpu.memory_space<vmem>>
      %parallel_loop3A_645 = arith.index_cast %parallel_loop3A_619 : i32 to index
      %parallel_loop3A_646 = arith.constant 16 : index
      %parallel_loop3A_647 = tpu.vector_load %parallel_loop3A_644[%parallel_loop3A_645, %parallel_loop3A_646] {strides = array<i32>} : memref<128x128xf32, #tpu.memory_space<vmem>>, vector<1x16xf32>,
      %parallel_loop3A_648 = vector.shape_cast %parallel_loop3A_647 : vector<1x16xf32> to vector<16xf32>
      %parallel_loop3A_649 = vector.shape_cast %parallel_loop3A_640 : vector<16xf32> to vector<1x16xf32>
      tpu.vector_store %parallel_loop3A_644[%parallel_loop3A_645, %parallel_loop3A_646], %parallel_loop3A_649 {add = true, strides = array<i32>} : memref<128x128xf32, #tpu.memory_space<vmem>>, vector<1x16xf32>,
      %parallel_loop3A_650 = arith.constant 128 : i32
      %parallel_loop3A_651 = arith.addi %parallel_loop3A_650, %parallel_loop3A_619 : i32
      %parallel_loop3A_652 = arith.index_cast %parallel_loop3A_651 : i32 to index
      %parallel_loop3A_653 = arith.constant 32 : index
      %parallel_loop3A_654 = tpu.vector_load %arg8[%parallel_loop3A_652, %parallel_loop3A_653] {strides = array<i32>} : memref<256x128xf32, #tpu.memory_space<vmem>>, vector<1x16xf32>,
      %parallel_loop3A_655 = vector.shape_cast %parallel_loop3A_654 : vector<1x16xf32> to vector<16xf32>
      %parallel_loop3A_656 = arith.constant 0 : i32
      %parallel_loop3A_657 = arith.constant 0 : i32
      %parallel_loop3A_658 = tpu.memref_slice %arg10[%parallel_loop3A_477, %parallel_loop3A_656, %parallel_loop3A_657] : memref<4x128x128xf32, #tpu.memory_space<vmem>> -> memref<1x128x128xf32, #tpu.memory_space<vmem>>
      %parallel_loop3A_659 = tpu.memref_squeeze %parallel_loop3A_658 : memref<1x128x128xf32, #tpu.memory_space<vmem>> -> memref<128x128xf32, #tpu.memory_space<vmem>>
      %parallel_loop3A_660 = arith.index_cast %parallel_loop3A_619 : i32 to index
      %parallel_loop3A_661 = arith.constant 32 : index
      %parallel_loop3A_662 = tpu.vector_load %parallel_loop3A_659[%parallel_loop3A_660, %parallel_loop3A_661] {strides = array<i32>} : memref<128x128xf32, #tpu.memory_space<vmem>>, vector<1x16xf32>,
      %parallel_loop3A_663 = vector.shape_cast %parallel_loop3A_662 : vector<1x16xf32> to vector<16xf32>
      %parallel_loop3A_664 = vector.shape_cast %parallel_loop3A_655 : vector<16xf32> to vector<1x16xf32>
      tpu.vector_store %parallel_loop3A_659[%parallel_loop3A_660, %parallel_loop3A_661], %parallel_loop3A_664 {add = true, strides = array<i32>} : memref<128x128xf32, #tpu.memory_space<vmem>>, vector<1x16xf32>,
      %parallel_loop3A_665 = arith.constant 128 : i32
      %parallel_loop3A_666 = arith.addi %parallel_loop3A_665, %parallel_loop3A_619 : i32
      %parallel_loop3A_667 = arith.index_cast %parallel_loop3A_666 : i32 to index
      %parallel_loop3A_668 = arith.constant 48 : index
      %parallel_loop3A_669 = tpu.vector_load %arg8[%parallel_loop3A_667, %parallel_loop3A_668] {strides = array<i32>} : memref<256x128xf32, #tpu.memory_space<vmem>>, vector<1x16xf32>,
      %parallel_loop3A_670 = vector.shape_cast %parallel_loop3A_669 : vector<1x16xf32> to vector<16xf32>
      %parallel_loop3A_671 = arith.constant 0 : i32
      %parallel_loop3A_672 = arith.constant 0 : i32
      %parallel_loop3A_673 = tpu.memref_slice %arg10[%parallel_loop3A_477, %parallel_loop3A_671, %parallel_loop3A_672] : memref<4x128x128xf32, #tpu.memory_space<vmem>> -> memref<1x128x128xf32, #tpu.memory_space<vmem>>
      %parallel_loop3A_674 = tpu.memref_squeeze %parallel_loop3A_673 : memref<1x128x128xf32, #tpu.memory_space<vmem>> -> memref<128x128xf32, #tpu.memory_space<vmem>>
      %parallel_loop3A_675 = arith.index_cast %parallel_loop3A_619 : i32 to index
      %parallel_loop3A_676 = arith.constant 48 : index
      %parallel_loop3A_677 = tpu.vector_load %parallel_loop3A_674[%parallel_loop3A_675, %parallel_loop3A_676] {strides = array<i32>} : memref<128x128xf32, #tpu.memory_space<vmem>>, vector<1x16xf32>,
      %parallel_loop3A_678 = vector.shape_cast %parallel_loop3A_677 : vector<1x16xf32> to vector<16xf32>
      %parallel_loop3A_679 = vector.shape_cast %parallel_loop3A_670 : vector<16xf32> to vector<1x16xf32>
      tpu.vector_store %parallel_loop3A_674[%parallel_loop3A_675, %parallel_loop3A_676], %parallel_loop3A_679 {add = true, strides = array<i32>} : memref<128x128xf32, #tpu.memory_space<vmem>>, vector<1x16xf32>,
      %parallel_loop3A_680 = arith.constant 128 : i32
      %parallel_loop3A_681 = arith.addi %parallel_loop3A_680, %parallel_loop3A_619 : i32
      %parallel_loop3A_682 = arith.index_cast %parallel_loop3A_681 : i32 to index
      %parallel_loop3A_683 = arith.constant 64 : index
      %parallel_loop3A_684 = tpu.vector_load %arg8[%parallel_loop3A_682, %parallel_loop3A_683] {strides = array<i32>} : memref<256x128xf32, #tpu.memory_space<vmem>>, vector<1x16xf32>,
      %parallel_loop3A_685 = vector.shape_cast %parallel_loop3A_684 : vector<1x16xf32> to vector<16xf32>
      %parallel_loop3A_686 = arith.constant 0 : i32
      %parallel_loop3A_687 = arith.constant 0 : i32
      %parallel_loop3A_688 = tpu.memref_slice %arg10[%parallel_loop3A_477, %parallel_loop3A_686, %parallel_loop3A_687] : memref<4x128x128xf32, #tpu.memory_space<vmem>> -> memref<1x128x128xf32, #tpu.memory_space<vmem>>
      %parallel_loop3A_689 = tpu.memref_squeeze %parallel_loop3A_688 : memref<1x128x128xf32, #tpu.memory_space<vmem>> -> memref<128x128xf32, #tpu.memory_space<vmem>>
      %parallel_loop3A_690 = arith.index_cast %parallel_loop3A_619 : i32 to index
      %parallel_loop3A_691 = arith.constant 64 : index
      %parallel_loop3A_692 = tpu.vector_load %parallel_loop3A_689[%parallel_loop3A_690, %parallel_loop3A_691] {strides = array<i32>} : memref<128x128xf32, #tpu.memory_space<vmem>>, vector<1x16xf32>,
      %parallel_loop3A_693 = vector.shape_cast %parallel_loop3A_692 : vector<1x16xf32> to vector<16xf32>
      %parallel_loop3A_694 = vector.shape_cast %parallel_loop3A_685 : vector<16xf32> to vector<1x16xf32>
      tpu.vector_store %parallel_loop3A_689[%parallel_loop3A_690, %parallel_loop3A_691], %parallel_loop3A_694 {add = true, strides = array<i32>} : memref<128x128xf32, #tpu.memory_space<vmem>>, vector<1x16xf32>,
      %parallel_loop3A_695 = arith.constant 128 : i32
      %parallel_loop3A_696 = arith.addi %parallel_loop3A_695, %parallel_loop3A_619 : i32
      %parallel_loop3A_697 = arith.index_cast %parallel_loop3A_696 : i32 to index
      %parallel_loop3A_698 = arith.constant 80 : index
      %parallel_loop3A_699 = tpu.vector_load %arg8[%parallel_loop3A_697, %parallel_loop3A_698] {strides = array<i32>} : memref<256x128xf32, #tpu.memory_space<vmem>>, vector<1x16xf32>,
      %parallel_loop3A_700 = vector.shape_cast %parallel_loop3A_699 : vector<1x16xf32> to vector<16xf32>
      %parallel_loop3A_701 = arith.constant 0 : i32
      %parallel_loop3A_702 = arith.constant 0 : i32
      %parallel_loop3A_703 = tpu.memref_slice %arg10[%parallel_loop3A_477, %parallel_loop3A_701, %parallel_loop3A_702] : memref<4x128x128xf32, #tpu.memory_space<vmem>> -> memref<1x128x128xf32, #tpu.memory_space<vmem>>
      %parallel_loop3A_704 = tpu.memref_squeeze %parallel_loop3A_703 : memref<1x128x128xf32, #tpu.memory_space<vmem>> -> memref<128x128xf32, #tpu.memory_space<vmem>>
      %parallel_loop3A_705 = arith.index_cast %parallel_loop3A_619 : i32 to index
      %parallel_loop3A_706 = arith.constant 80 : index
      %parallel_loop3A_707 = tpu.vector_load %parallel_loop3A_704[%parallel_loop3A_705, %parallel_loop3A_706] {strides = array<i32>} : memref<128x128xf32, #tpu.memory_space<vmem>>, vector<1x16xf32>,
      %parallel_loop3A_708 = vector.shape_cast %parallel_loop3A_707 : vector<1x16xf32> to vector<16xf32>
      %parallel_loop3A_709 = vector.shape_cast %parallel_loop3A_700 : vector<16xf32> to vector<1x16xf32>
      tpu.vector_store %parallel_loop3A_704[%parallel_loop3A_705, %parallel_loop3A_706], %parallel_loop3A_709 {add = true, strides = array<i32>} : memref<128x128xf32, #tpu.memory_space<vmem>>, vector<1x16xf32>,
      %parallel_loop3A_710 = arith.constant 128 : i32
      %parallel_loop3A_711 = arith.addi %parallel_loop3A_710, %parallel_loop3A_619 : i32
      %parallel_loop3A_712 = arith.index_cast %parallel_loop3A_711 : i32 to index
      %parallel_loop3A_713 = arith.constant 96 : index
      %parallel_loop3A_714 = tpu.vector_load %arg8[%parallel_loop3A_712, %parallel_loop3A_713] {strides = array<i32>} : memref<256x128xf32, #tpu.memory_space<vmem>>, vector<1x16xf32>,
      %parallel_loop3A_715 = vector.shape_cast %parallel_loop3A_714 : vector<1x16xf32> to vector<16xf32>
      %parallel_loop3A_716 = arith.constant 0 : i32
      %parallel_loop3A_717 = arith.constant 0 : i32
      %parallel_loop3A_718 = tpu.memref_slice %arg10[%parallel_loop3A_477, %parallel_loop3A_716, %parallel_loop3A_717] : memref<4x128x128xf32, #tpu.memory_space<vmem>> -> memref<1x128x128xf32, #tpu.memory_space<vmem>>
      %parallel_loop3A_719 = tpu.memref_squeeze %parallel_loop3A_718 : memref<1x128x128xf32, #tpu.memory_space<vmem>> -> memref<128x128xf32, #tpu.memory_space<vmem>>
      %parallel_loop3A_720 = arith.index_cast %parallel_loop3A_619 : i32 to index
      %parallel_loop3A_721 = arith.constant 96 : index
      %parallel_loop3A_722 = tpu.vector_load %parallel_loop3A_719[%parallel_loop3A_720, %parallel_loop3A_721] {strides = array<i32>} : memref<128x128xf32, #tpu.memory_space<vmem>>, vector<1x16xf32>,
      %parallel_loop3A_723 = vector.shape_cast %parallel_loop3A_722 : vector<1x16xf32> to vector<16xf32>
      %parallel_loop3A_724 = vector.shape_cast %parallel_loop3A_715 : vector<16xf32> to vector<1x16xf32>
      tpu.vector_store %parallel_loop3A_719[%parallel_loop3A_720, %parallel_loop3A_721], %parallel_loop3A_724 {add = true, strides = array<i32>} : memref<128x128xf32, #tpu.memory_space<vmem>>, vector<1x16xf32>,
      %parallel_loop3A_725 = arith.constant 128 : i32
      %parallel_loop3A_726 = arith.addi %parallel_loop3A_725, %parallel_loop3A_619 : i32
      %parallel_loop3A_727 = arith.index_cast %parallel_loop3A_726 : i32 to index
      %parallel_loop3A_728 = arith.constant 112 : index
      %parallel_loop3A_729 = tpu.vector_load %arg8[%parallel_loop3A_727, %parallel_loop3A_728] {strides = array<i32>} : memref<256x128xf32, #tpu.memory_space<vmem>>, vector<1x16xf32>,
      %parallel_loop3A_730 = vector.shape_cast %parallel_loop3A_729 : vector<1x16xf32> to vector<16xf32>
      %parallel_loop3A_731 = arith.constant 0 : i32
      %parallel_loop3A_732 = arith.constant 0 : i32
      %parallel_loop3A_733 = tpu.memref_slice %arg10[%parallel_loop3A_477, %parallel_loop3A_731, %parallel_loop3A_732] : memref<4x128x128xf32, #tpu.memory_space<vmem>> -> memref<1x128x128xf32, #tpu.memory_space<vmem>>
      %parallel_loop3A_734 = tpu.memref_squeeze %parallel_loop3A_733 : memref<1x128x128xf32, #tpu.memory_space<vmem>> -> memref<128x128xf32, #tpu.memory_space<vmem>>
      %parallel_loop3A_735 = arith.index_cast %parallel_loop3A_619 : i32 to index
      %parallel_loop3A_736 = arith.constant 112 : index
      %parallel_loop3A_737 = tpu.vector_load %parallel_loop3A_734[%parallel_loop3A_735, %parallel_loop3A_736] {strides = array<i32>} : memref<128x128xf32, #tpu.memory_space<vmem>>, vector<1x16xf32>,
      %parallel_loop3A_738 = vector.shape_cast %parallel_loop3A_737 : vector<1x16xf32> to vector<16xf32>
      %parallel_loop3A_739 = vector.shape_cast %parallel_loop3A_730 : vector<16xf32> to vector<1x16xf32>
      tpu.vector_store %parallel_loop3A_734[%parallel_loop3A_735, %parallel_loop3A_736], %parallel_loop3A_739 {add = true, strides = array<i32>} : memref<128x128xf32, #tpu.memory_space<vmem>>, vector<1x16xf32>,
    } {sc.loop_unroll_factor = 1 : i64, sc.parallel_access}
    %add3A_478 = arith.constant 128 : i32
    %add3A_479 = arith.addi %mul3A_2, %add3A_478 : i32
    %dma_start3A_480 = arith.constant 2 : i32
    %dma_start3A_481 = arith.constant 2 : i32
    %dma_start3A_482 = arith.constant 2 : i32
    %dma_start3A_483 = arith.constant 0 : i32
    %dma_start3A_484 = arith.constant 0 : i32
    %dma_start3A_485 = tpu.memref_slice %arg10[%dma_start3A_480, %dma_start3A_483, %dma_start3A_484] : memref<4x128x128xf32, #tpu.memory_space<vmem>> -> memref<1x128x128xf32, #tpu.memory_space<vmem>>
    %dma_start3A_486 = tpu.memref_squeeze %dma_start3A_485 : memref<1x128x128xf32, #tpu.memory_space<vmem>> -> memref<128x128xf32, #tpu.memory_space<vmem>>
    %dma_start3A_487 = arith.constant 0 : i32
    %dma_start3A_488 = tpu.memref_slice %arg5[%dma_start3A_481, %add3A_479, %dma_start3A_487] : memref<4x8192x128xf32, #tpu.memory_space<hbm>> -> memref<1x128x128xf32, #tpu.memory_space<hbm>>
    %dma_start3A_489 = tpu.memref_squeeze %dma_start3A_488 : memref<1x128x128xf32, #tpu.memory_space<hbm>> -> memref<128x128xf32, #tpu.memory_space<hbm>>
    %dma_start3A_490 = tpu.memref_slice %arg12[%dma_start3A_482] : memref<4x!tpu.dma_semaphore, #tpu.memory_space<semaphore_mem>> -> memref<1x!tpu.dma_semaphore, #tpu.memory_space<semaphore_mem>>
    %dma_start3A_491 = tpu.memref_squeeze %dma_start3A_490 : memref<1x!tpu.dma_semaphore, #tpu.memory_space<semaphore_mem>> -> memref<!tpu.dma_semaphore, #tpu.memory_space<semaphore_mem>>
    %dma_start3A_492 = arith.constant 0 : i32
    %dma_start3A_493 = tpu.memref_slice %arg5[%dma_start3A_481, %add3A_479, %dma_start3A_492] : memref<4x8192x128xf32, #tpu.memory_space<hbm>> -> memref<1x128x128xf32, #tpu.memory_space<hbm>>
    %dma_start3A_494 = tpu.memref_squeeze %dma_start3A_493 : memref<1x128x128xf32, #tpu.memory_space<hbm>> -> memref<128x128xf32, #tpu.memory_space<hbm>>
    %dma_start3A_495 = arith.constant 0 : i32
    %dma_start3A_496 = arith.constant 0 : i32
    %dma_start3A_497 = tpu.memref_slice %arg10[%dma_start3A_480, %dma_start3A_495, %dma_start3A_496] : memref<4x128x128xf32, #tpu.memory_space<vmem>> -> memref<1x128x128xf32, #tpu.memory_space<vmem>>
    %dma_start3A_498 = tpu.memref_squeeze %dma_start3A_497 : memref<1x128x128xf32, #tpu.memory_space<vmem>> -> memref<128x128xf32, #tpu.memory_space<vmem>>
    tpu.enqueue_dma source(%dma_start3A_498 : memref<128x128xf32, #tpu.memory_space<vmem>>) target(%dma_start3A_494 : memref<128x128xf32, #tpu.memory_space<hbm>>) target_semaphore(%dma_start3A_491 : memref<!tpu.dma_semaphore, #tpu.memory_space<semaphore_mem>>)
    %dma_wait3A_499 = arith.constant 3 : i32
    %dma_wait3A_500 = arith.constant 3 : i32
    %dma_wait3A_501 = arith.constant 3 : i32
    %dma_wait3A_502 = arith.constant 0 : i32
    %dma_wait3A_503 = arith.constant 0 : i32
    %dma_wait3A_504 = tpu.memref_slice %arg10[%dma_wait3A_500, %dma_wait3A_502, %dma_wait3A_503] : memref<4x128x128xf32, #tpu.memory_space<vmem>> -> memref<1x128x128xf32, #tpu.memory_space<vmem>>
    %dma_wait3A_505 = tpu.memref_squeeze %dma_wait3A_504 : memref<1x128x128xf32, #tpu.memory_space<vmem>> -> memref<128x128xf32, #tpu.memory_space<vmem>>
    %dma_wait3A_506 = arith.constant 128 : i32
    %dma_wait3A_507 = tpu.memref_slice %arg7[%dma_wait3A_499, %dma_wait3A_506] : memref<4x256xi32, #tpu.memory_space<vmem>> -> memref<1x128xi32, #tpu.memory_space<vmem>>
    %dma_wait3A_508 = tpu.memref_squeeze %dma_wait3A_507 : memref<1x128xi32, #tpu.memory_space<vmem>> -> memref<128xi32, #tpu.memory_space<vmem>>
    %dma_wait3A_509 = arith.constant 0 : i32
    %dma_wait3A_510 = arith.constant 0 : i32
    %dma_wait3A_511 = tpu.memref_slice %arg3[%dma_wait3A_509, %dma_wait3A_510] : memref<100000x128xf32, #tpu.memory_space<hbm>> -> memref<100000x128xf32, #tpu.memory_space<hbm>>
    %dma_wait3A_512 = tpu.memref_slice %arg11[%dma_wait3A_501] : memref<4x!tpu.dma_semaphore, #tpu.memory_space<semaphore_mem>> -> memref<1x!tpu.dma_semaphore, #tpu.memory_space<semaphore_mem>>
    %dma_wait3A_513 = tpu.memref_squeeze %dma_wait3A_512 : memref<1x!tpu.dma_semaphore, #tpu.memory_space<semaphore_mem>> -> memref<!tpu.dma_semaphore, #tpu.memory_space<semaphore_mem>>
    tpu.wait_indirect_dma semaphore(%dma_wait3A_513 : memref<!tpu.dma_semaphore, #tpu.memory_space<semaphore_mem>>) src(%dma_wait3A_511 : memref<100000x128xf32, #tpu.memory_space<hbm>>) dst(%dma_wait3A_505 : memref<128x128xf32, #tpu.memory_space<vmem>>)
    %parallel_loop3A_514 = arith.constant 0 : i32
    %parallel_loop3A_515 = arith.constant 128 : i32
    %parallel_loop3A_516 = arith.constant 1 : i32
    %parallel_loop3A_517 = arith.constant 3 : i32
    scf.for %parallel_loop3A_619 = %parallel_loop3A_514 to %parallel_loop3A_515 step %parallel_loop3A_516  : i32 {
      %parallel_loop3A_620 = arith.constant 128 : i32
      %parallel_loop3A_621 = arith.addi %parallel_loop3A_620, %parallel_loop3A_619 : i32
      %parallel_loop3A_622 = arith.index_cast %parallel_loop3A_621 : i32 to index
      %parallel_loop3A_623 = arith.constant 0 : index
      %parallel_loop3A_624 = tpu.vector_load %arg8[%parallel_loop3A_622, %parallel_loop3A_623] {strides = array<i32>} : memref<256x128xf32, #tpu.memory_space<vmem>>, vector<1x16xf32>,
      %parallel_loop3A_625 = vector.shape_cast %parallel_loop3A_624 : vector<1x16xf32> to vector<16xf32>
      %parallel_loop3A_626 = arith.constant 0 : i32
      %parallel_loop3A_627 = arith.constant 0 : i32
      %parallel_loop3A_628 = tpu.memref_slice %arg10[%parallel_loop3A_517, %parallel_loop3A_626, %parallel_loop3A_627] : memref<4x128x128xf32, #tpu.memory_space<vmem>> -> memref<1x128x128xf32, #tpu.memory_space<vmem>>
      %parallel_loop3A_629 = tpu.memref_squeeze %parallel_loop3A_628 : memref<1x128x128xf32, #tpu.memory_space<vmem>> -> memref<128x128xf32, #tpu.memory_space<vmem>>
      %parallel_loop3A_630 = arith.index_cast %parallel_loop3A_619 : i32 to index
      %parallel_loop3A_631 = arith.constant 0 : index
      %parallel_loop3A_632 = tpu.vector_load %parallel_loop3A_629[%parallel_loop3A_630, %parallel_loop3A_631] {strides = array<i32>} : memref<128x128xf32, #tpu.memory_space<vmem>>, vector<1x16xf32>,
      %parallel_loop3A_633 = vector.shape_cast %parallel_loop3A_632 : vector<1x16xf32> to vector<16xf32>
      %parallel_loop3A_634 = vector.shape_cast %parallel_loop3A_625 : vector<16xf32> to vector<1x16xf32>
      tpu.vector_store %parallel_loop3A_629[%parallel_loop3A_630, %parallel_loop3A_631], %parallel_loop3A_634 {add = true, strides = array<i32>} : memref<128x128xf32, #tpu.memory_space<vmem>>, vector<1x16xf32>,
      %parallel_loop3A_635 = arith.constant 128 : i32
      %parallel_loop3A_636 = arith.addi %parallel_loop3A_635, %parallel_loop3A_619 : i32
      %parallel_loop3A_637 = arith.index_cast %parallel_loop3A_636 : i32 to index
      %parallel_loop3A_638 = arith.constant 16 : index
      %parallel_loop3A_639 = tpu.vector_load %arg8[%parallel_loop3A_637, %parallel_loop3A_638] {strides = array<i32>} : memref<256x128xf32, #tpu.memory_space<vmem>>, vector<1x16xf32>,
      %parallel_loop3A_640 = vector.shape_cast %parallel_loop3A_639 : vector<1x16xf32> to vector<16xf32>
      %parallel_loop3A_641 = arith.constant 0 : i32
      %parallel_loop3A_642 = arith.constant 0 : i32
      %parallel_loop3A_643 = tpu.memref_slice %arg10[%parallel_loop3A_517, %parallel_loop3A_641, %parallel_loop3A_642] : memref<4x128x128xf32, #tpu.memory_space<vmem>> -> memref<1x128x128xf32, #tpu.memory_space<vmem>>
      %parallel_loop3A_644 = tpu.memref_squeeze %parallel_loop3A_643 : memref<1x128x128xf32, #tpu.memory_space<vmem>> -> memref<128x128xf32, #tpu.memory_space<vmem>>
      %parallel_loop3A_645 = arith.index_cast %parallel_loop3A_619 : i32 to index
      %parallel_loop3A_646 = arith.constant 16 : index
      %parallel_loop3A_647 = tpu.vector_load %parallel_loop3A_644[%parallel_loop3A_645, %parallel_loop3A_646] {strides = array<i32>} : memref<128x128xf32, #tpu.memory_space<vmem>>, vector<1x16xf32>,
      %parallel_loop3A_648 = vector.shape_cast %parallel_loop3A_647 : vector<1x16xf32> to vector<16xf32>
      %parallel_loop3A_649 = vector.shape_cast %parallel_loop3A_640 : vector<16xf32> to vector<1x16xf32>
      tpu.vector_store %parallel_loop3A_644[%parallel_loop3A_645, %parallel_loop3A_646], %parallel_loop3A_649 {add = true, strides = array<i32>} : memref<128x128xf32, #tpu.memory_space<vmem>>, vector<1x16xf32>,
      %parallel_loop3A_650 = arith.constant 128 : i32
      %parallel_loop3A_651 = arith.addi %parallel_loop3A_650, %parallel_loop3A_619 : i32
      %parallel_loop3A_652 = arith.index_cast %parallel_loop3A_651 : i32 to index
      %parallel_loop3A_653 = arith.constant 32 : index
      %parallel_loop3A_654 = tpu.vector_load %arg8[%parallel_loop3A_652, %parallel_loop3A_653] {strides = array<i32>} : memref<256x128xf32, #tpu.memory_space<vmem>>, vector<1x16xf32>,
      %parallel_loop3A_655 = vector.shape_cast %parallel_loop3A_654 : vector<1x16xf32> to vector<16xf32>
      %parallel_loop3A_656 = arith.constant 0 : i32
      %parallel_loop3A_657 = arith.constant 0 : i32
      %parallel_loop3A_658 = tpu.memref_slice %arg10[%parallel_loop3A_517, %parallel_loop3A_656, %parallel_loop3A_657] : memref<4x128x128xf32, #tpu.memory_space<vmem>> -> memref<1x128x128xf32, #tpu.memory_space<vmem>>
      %parallel_loop3A_659 = tpu.memref_squeeze %parallel_loop3A_658 : memref<1x128x128xf32, #tpu.memory_space<vmem>> -> memref<128x128xf32, #tpu.memory_space<vmem>>
      %parallel_loop3A_660 = arith.index_cast %parallel_loop3A_619 : i32 to index
      %parallel_loop3A_661 = arith.constant 32 : index
      %parallel_loop3A_662 = tpu.vector_load %parallel_loop3A_659[%parallel_loop3A_660, %parallel_loop3A_661] {strides = array<i32>} : memref<128x128xf32, #tpu.memory_space<vmem>>, vector<1x16xf32>,
      %parallel_loop3A_663 = vector.shape_cast %parallel_loop3A_662 : vector<1x16xf32> to vector<16xf32>
      %parallel_loop3A_664 = vector.shape_cast %parallel_loop3A_655 : vector<16xf32> to vector<1x16xf32>
      tpu.vector_store %parallel_loop3A_659[%parallel_loop3A_660, %parallel_loop3A_661], %parallel_loop3A_664 {add = true, strides = array<i32>} : memref<128x128xf32, #tpu.memory_space<vmem>>, vector<1x16xf32>,
      %parallel_loop3A_665 = arith.constant 128 : i32
      %parallel_loop3A_666 = arith.addi %parallel_loop3A_665, %parallel_loop3A_619 : i32
      %parallel_loop3A_667 = arith.index_cast %parallel_loop3A_666 : i32 to index
      %parallel_loop3A_668 = arith.constant 48 : index
      %parallel_loop3A_669 = tpu.vector_load %arg8[%parallel_loop3A_667, %parallel_loop3A_668] {strides = array<i32>} : memref<256x128xf32, #tpu.memory_space<vmem>>, vector<1x16xf32>,
      %parallel_loop3A_670 = vector.shape_cast %parallel_loop3A_669 : vector<1x16xf32> to vector<16xf32>
      %parallel_loop3A_671 = arith.constant 0 : i32
      %parallel_loop3A_672 = arith.constant 0 : i32
      %parallel_loop3A_673 = tpu.memref_slice %arg10[%parallel_loop3A_517, %parallel_loop3A_671, %parallel_loop3A_672] : memref<4x128x128xf32, #tpu.memory_space<vmem>> -> memref<1x128x128xf32, #tpu.memory_space<vmem>>
      %parallel_loop3A_674 = tpu.memref_squeeze %parallel_loop3A_673 : memref<1x128x128xf32, #tpu.memory_space<vmem>> -> memref<128x128xf32, #tpu.memory_space<vmem>>
      %parallel_loop3A_675 = arith.index_cast %parallel_loop3A_619 : i32 to index
      %parallel_loop3A_676 = arith.constant 48 : index
      %parallel_loop3A_677 = tpu.vector_load %parallel_loop3A_674[%parallel_loop3A_675, %parallel_loop3A_676] {strides = array<i32>} : memref<128x128xf32, #tpu.memory_space<vmem>>, vector<1x16xf32>,
      %parallel_loop3A_678 = vector.shape_cast %parallel_loop3A_677 : vector<1x16xf32> to vector<16xf32>
      %parallel_loop3A_679 = vector.shape_cast %parallel_loop3A_670 : vector<16xf32> to vector<1x16xf32>
      tpu.vector_store %parallel_loop3A_674[%parallel_loop3A_675, %parallel_loop3A_676], %parallel_loop3A_679 {add = true, strides = array<i32>} : memref<128x128xf32, #tpu.memory_space<vmem>>, vector<1x16xf32>,
      %parallel_loop3A_680 = arith.constant 128 : i32
      %parallel_loop3A_681 = arith.addi %parallel_loop3A_680, %parallel_loop3A_619 : i32
      %parallel_loop3A_682 = arith.index_cast %parallel_loop3A_681 : i32 to index
      %parallel_loop3A_683 = arith.constant 64 : index
      %parallel_loop3A_684 = tpu.vector_load %arg8[%parallel_loop3A_682, %parallel_loop3A_683] {strides = array<i32>} : memref<256x128xf32, #tpu.memory_space<vmem>>, vector<1x16xf32>,
      %parallel_loop3A_685 = vector.shape_cast %parallel_loop3A_684 : vector<1x16xf32> to vector<16xf32>
      %parallel_loop3A_686 = arith.constant 0 : i32
      %parallel_loop3A_687 = arith.constant 0 : i32
      %parallel_loop3A_688 = tpu.memref_slice %arg10[%parallel_loop3A_517, %parallel_loop3A_686, %parallel_loop3A_687] : memref<4x128x128xf32, #tpu.memory_space<vmem>> -> memref<1x128x128xf32, #tpu.memory_space<vmem>>
      %parallel_loop3A_689 = tpu.memref_squeeze %parallel_loop3A_688 : memref<1x128x128xf32, #tpu.memory_space<vmem>> -> memref<128x128xf32, #tpu.memory_space<vmem>>
      %parallel_loop3A_690 = arith.index_cast %parallel_loop3A_619 : i32 to index
      %parallel_loop3A_691 = arith.constant 64 : index
      %parallel_loop3A_692 = tpu.vector_load %parallel_loop3A_689[%parallel_loop3A_690, %parallel_loop3A_691] {strides = array<i32>} : memref<128x128xf32, #tpu.memory_space<vmem>>, vector<1x16xf32>,
      %parallel_loop3A_693 = vector.shape_cast %parallel_loop3A_692 : vector<1x16xf32> to vector<16xf32>
      %parallel_loop3A_694 = vector.shape_cast %parallel_loop3A_685 : vector<16xf32> to vector<1x16xf32>
      tpu.vector_store %parallel_loop3A_689[%parallel_loop3A_690, %parallel_loop3A_691], %parallel_loop3A_694 {add = true, strides = array<i32>} : memref<128x128xf32, #tpu.memory_space<vmem>>, vector<1x16xf32>,
      %parallel_loop3A_695 = arith.constant 128 : i32
      %parallel_loop3A_696 = arith.addi %parallel_loop3A_695, %parallel_loop3A_619 : i32
      %parallel_loop3A_697 = arith.index_cast %parallel_loop3A_696 : i32 to index
      %parallel_loop3A_698 = arith.constant 80 : index
      %parallel_loop3A_699 = tpu.vector_load %arg8[%parallel_loop3A_697, %parallel_loop3A_698] {strides = array<i32>} : memref<256x128xf32, #tpu.memory_space<vmem>>, vector<1x16xf32>,
      %parallel_loop3A_700 = vector.shape_cast %parallel_loop3A_699 : vector<1x16xf32> to vector<16xf32>
      %parallel_loop3A_701 = arith.constant 0 : i32
      %parallel_loop3A_702 = arith.constant 0 : i32
      %parallel_loop3A_703 = tpu.memref_slice %arg10[%parallel_loop3A_517, %parallel_loop3A_701, %parallel_loop3A_702] : memref<4x128x128xf32, #tpu.memory_space<vmem>> -> memref<1x128x128xf32, #tpu.memory_space<vmem>>
      %parallel_loop3A_704 = tpu.memref_squeeze %parallel_loop3A_703 : memref<1x128x128xf32, #tpu.memory_space<vmem>> -> memref<128x128xf32, #tpu.memory_space<vmem>>
      %parallel_loop3A_705 = arith.index_cast %parallel_loop3A_619 : i32 to index
      %parallel_loop3A_706 = arith.constant 80 : index
      %parallel_loop3A_707 = tpu.vector_load %parallel_loop3A_704[%parallel_loop3A_705, %parallel_loop3A_706] {strides = array<i32>} : memref<128x128xf32, #tpu.memory_space<vmem>>, vector<1x16xf32>,
      %parallel_loop3A_708 = vector.shape_cast %parallel_loop3A_707 : vector<1x16xf32> to vector<16xf32>
      %parallel_loop3A_709 = vector.shape_cast %parallel_loop3A_700 : vector<16xf32> to vector<1x16xf32>
      tpu.vector_store %parallel_loop3A_704[%parallel_loop3A_705, %parallel_loop3A_706], %parallel_loop3A_709 {add = true, strides = array<i32>} : memref<128x128xf32, #tpu.memory_space<vmem>>, vector<1x16xf32>,
      %parallel_loop3A_710 = arith.constant 128 : i32
      %parallel_loop3A_711 = arith.addi %parallel_loop3A_710, %parallel_loop3A_619 : i32
      %parallel_loop3A_712 = arith.index_cast %parallel_loop3A_711 : i32 to index
      %parallel_loop3A_713 = arith.constant 96 : index
      %parallel_loop3A_714 = tpu.vector_load %arg8[%parallel_loop3A_712, %parallel_loop3A_713] {strides = array<i32>} : memref<256x128xf32, #tpu.memory_space<vmem>>, vector<1x16xf32>,
      %parallel_loop3A_715 = vector.shape_cast %parallel_loop3A_714 : vector<1x16xf32> to vector<16xf32>
      %parallel_loop3A_716 = arith.constant 0 : i32
      %parallel_loop3A_717 = arith.constant 0 : i32
      %parallel_loop3A_718 = tpu.memref_slice %arg10[%parallel_loop3A_517, %parallel_loop3A_716, %parallel_loop3A_717] : memref<4x128x128xf32, #tpu.memory_space<vmem>> -> memref<1x128x128xf32, #tpu.memory_space<vmem>>
      %parallel_loop3A_719 = tpu.memref_squeeze %parallel_loop3A_718 : memref<1x128x128xf32, #tpu.memory_space<vmem>> -> memref<128x128xf32, #tpu.memory_space<vmem>>
      %parallel_loop3A_720 = arith.index_cast %parallel_loop3A_619 : i32 to index
      %parallel_loop3A_721 = arith.constant 96 : index
      %parallel_loop3A_722 = tpu.vector_load %parallel_loop3A_719[%parallel_loop3A_720, %parallel_loop3A_721] {strides = array<i32>} : memref<128x128xf32, #tpu.memory_space<vmem>>, vector<1x16xf32>,
      %parallel_loop3A_723 = vector.shape_cast %parallel_loop3A_722 : vector<1x16xf32> to vector<16xf32>
      %parallel_loop3A_724 = vector.shape_cast %parallel_loop3A_715 : vector<16xf32> to vector<1x16xf32>
      tpu.vector_store %parallel_loop3A_719[%parallel_loop3A_720, %parallel_loop3A_721], %parallel_loop3A_724 {add = true, strides = array<i32>} : memref<128x128xf32, #tpu.memory_space<vmem>>, vector<1x16xf32>,
      %parallel_loop3A_725 = arith.constant 128 : i32
      %parallel_loop3A_726 = arith.addi %parallel_loop3A_725, %parallel_loop3A_619 : i32
      %parallel_loop3A_727 = arith.index_cast %parallel_loop3A_726 : i32 to index
      %parallel_loop3A_728 = arith.constant 112 : index
      %parallel_loop3A_729 = tpu.vector_load %arg8[%parallel_loop3A_727, %parallel_loop3A_728] {strides = array<i32>} : memref<256x128xf32, #tpu.memory_space<vmem>>, vector<1x16xf32>,
      %parallel_loop3A_730 = vector.shape_cast %parallel_loop3A_729 : vector<1x16xf32> to vector<16xf32>
      %parallel_loop3A_731 = arith.constant 0 : i32
      %parallel_loop3A_732 = arith.constant 0 : i32
      %parallel_loop3A_733 = tpu.memref_slice %arg10[%parallel_loop3A_517, %parallel_loop3A_731, %parallel_loop3A_732] : memref<4x128x128xf32, #tpu.memory_space<vmem>> -> memref<1x128x128xf32, #tpu.memory_space<vmem>>
      %parallel_loop3A_734 = tpu.memref_squeeze %parallel_loop3A_733 : memref<1x128x128xf32, #tpu.memory_space<vmem>> -> memref<128x128xf32, #tpu.memory_space<vmem>>
      %parallel_loop3A_735 = arith.index_cast %parallel_loop3A_619 : i32 to index
      %parallel_loop3A_736 = arith.constant 112 : index
      %parallel_loop3A_737 = tpu.vector_load %parallel_loop3A_734[%parallel_loop3A_735, %parallel_loop3A_736] {strides = array<i32>} : memref<128x128xf32, #tpu.memory_space<vmem>>, vector<1x16xf32>,
      %parallel_loop3A_738 = vector.shape_cast %parallel_loop3A_737 : vector<1x16xf32> to vector<16xf32>
      %parallel_loop3A_739 = vector.shape_cast %parallel_loop3A_730 : vector<16xf32> to vector<1x16xf32>
      tpu.vector_store %parallel_loop3A_734[%parallel_loop3A_735, %parallel_loop3A_736], %parallel_loop3A_739 {add = true, strides = array<i32>} : memref<128x128xf32, #tpu.memory_space<vmem>>, vector<1x16xf32>,
    } {sc.loop_unroll_factor = 1 : i64, sc.parallel_access}
    %add3A_518 = arith.constant 128 : i32
    %add3A_519 = arith.addi %mul3A_2, %add3A_518 : i32
    %dma_start3A_520 = arith.constant 3 : i32
    %dma_start3A_521 = arith.constant 3 : i32
    %dma_start3A_522 = arith.constant 3 : i32
    %dma_start3A_523 = arith.constant 0 : i32
    %dma_start3A_524 = arith.constant 0 : i32
    %dma_start3A_525 = tpu.memref_slice %arg10[%dma_start3A_520, %dma_start3A_523, %dma_start3A_524] : memref<4x128x128xf32, #tpu.memory_space<vmem>> -> memref<1x128x128xf32, #tpu.memory_space<vmem>>
    %dma_start3A_526 = tpu.memref_squeeze %dma_start3A_525 : memref<1x128x128xf32, #tpu.memory_space<vmem>> -> memref<128x128xf32, #tpu.memory_space<vmem>>
    %dma_start3A_527 = arith.constant 0 : i32
    %dma_start3A_528 = tpu.memref_slice %arg5[%dma_start3A_521, %add3A_519, %dma_start3A_527] : memref<4x8192x128xf32, #tpu.memory_space<hbm>> -> memref<1x128x128xf32, #tpu.memory_space<hbm>>
    %dma_start3A_529 = tpu.memref_squeeze %dma_start3A_528 : memref<1x128x128xf32, #tpu.memory_space<hbm>> -> memref<128x128xf32, #tpu.memory_space<hbm>>
    %dma_start3A_530 = tpu.memref_slice %arg12[%dma_start3A_522] : memref<4x!tpu.dma_semaphore, #tpu.memory_space<semaphore_mem>> -> memref<1x!tpu.dma_semaphore, #tpu.memory_space<semaphore_mem>>
    %dma_start3A_531 = tpu.memref_squeeze %dma_start3A_530 : memref<1x!tpu.dma_semaphore, #tpu.memory_space<semaphore_mem>> -> memref<!tpu.dma_semaphore, #tpu.memory_space<semaphore_mem>>
    %dma_start3A_532 = arith.constant 0 : i32
    %dma_start3A_533 = tpu.memref_slice %arg5[%dma_start3A_521, %add3A_519, %dma_start3A_532] : memref<4x8192x128xf32, #tpu.memory_space<hbm>> -> memref<1x128x128xf32, #tpu.memory_space<hbm>>
    %dma_start3A_534 = tpu.memref_squeeze %dma_start3A_533 : memref<1x128x128xf32, #tpu.memory_space<hbm>> -> memref<128x128xf32, #tpu.memory_space<hbm>>
    %dma_start3A_535 = arith.constant 0 : i32
    %dma_start3A_536 = arith.constant 0 : i32
    %dma_start3A_537 = tpu.memref_slice %arg10[%dma_start3A_520, %dma_start3A_535, %dma_start3A_536] : memref<4x128x128xf32, #tpu.memory_space<vmem>> -> memref<1x128x128xf32, #tpu.memory_space<vmem>>
    %dma_start3A_538 = tpu.memref_squeeze %dma_start3A_537 : memref<1x128x128xf32, #tpu.memory_space<vmem>> -> memref<128x128xf32, #tpu.memory_space<vmem>>
    tpu.enqueue_dma source(%dma_start3A_538 : memref<128x128xf32, #tpu.memory_space<vmem>>) target(%dma_start3A_534 : memref<128x128xf32, #tpu.memory_space<hbm>>) target_semaphore(%dma_start3A_531 : memref<!tpu.dma_semaphore, #tpu.memory_space<semaphore_mem>>)
    %dma_wait3A_539 = arith.constant 0 : i32
    %dma_wait3A_540 = arith.constant 0 : i32
    %dma_wait3A_541 = arith.constant 0 : i32
    %dma_wait3A_542 = arith.constant 0 : i32
    %dma_wait3A_543 = arith.constant 0 : i32
    %dma_wait3A_544 = tpu.memref_slice %arg10[%dma_wait3A_539, %dma_wait3A_542, %dma_wait3A_543] : memref<4x128x128xf32, #tpu.memory_space<vmem>> -> memref<1x128x128xf32, #tpu.memory_space<vmem>>
    %dma_wait3A_545 = tpu.memref_squeeze %dma_wait3A_544 : memref<1x128x128xf32, #tpu.memory_space<vmem>> -> memref<128x128xf32, #tpu.memory_space<vmem>>
    %dma_wait3A_546 = arith.constant 0 : i32
    %dma_wait3A_547 = tpu.memref_slice %arg5[%dma_wait3A_540, %add3A_365, %dma_wait3A_546] : memref<4x8192x128xf32, #tpu.memory_space<hbm>> -> memref<1x128x128xf32, #tpu.memory_space<hbm>>
    %dma_wait3A_548 = tpu.memref_squeeze %dma_wait3A_547 : memref<1x128x128xf32, #tpu.memory_space<hbm>> -> memref<128x128xf32, #tpu.memory_space<hbm>>
    %dma_wait3A_549 = tpu.memref_slice %arg12[%dma_wait3A_541] : memref<4x!tpu.dma_semaphore, #tpu.memory_space<semaphore_mem>> -> memref<1x!tpu.dma_semaphore, #tpu.memory_space<semaphore_mem>>
    %dma_wait3A_550 = tpu.memref_squeeze %dma_wait3A_549 : memref<1x!tpu.dma_semaphore, #tpu.memory_space<semaphore_mem>> -> memref<!tpu.dma_semaphore, #tpu.memory_space<semaphore_mem>>
    %dma_wait3A_551 = arith.constant 0 : i32
    %dma_wait3A_552 = tpu.memref_slice %arg5[%dma_wait3A_540, %add3A_365, %dma_wait3A_551] : memref<4x8192x128xf32, #tpu.memory_space<hbm>> -> memref<1x128x128xf32, #tpu.memory_space<hbm>>
    %dma_wait3A_553 = tpu.memref_squeeze %dma_wait3A_552 : memref<1x128x128xf32, #tpu.memory_space<hbm>> -> memref<128x128xf32, #tpu.memory_space<hbm>>
    %dma_wait3A_554 = arith.constant 0 : i32
    %dma_wait3A_555 = arith.constant 0 : i32
    %dma_wait3A_556 = tpu.memref_slice %arg10[%dma_wait3A_539, %dma_wait3A_554, %dma_wait3A_555] : memref<4x128x128xf32, #tpu.memory_space<vmem>> -> memref<1x128x128xf32, #tpu.memory_space<vmem>>
    %dma_wait3A_557 = tpu.memref_squeeze %dma_wait3A_556 : memref<1x128x128xf32, #tpu.memory_space<vmem>> -> memref<128x128xf32, #tpu.memory_space<vmem>>
    tpu.wait_dma2 semaphore(%dma_wait3A_550 : memref<!tpu.dma_semaphore, #tpu.memory_space<semaphore_mem>>) src(%dma_wait3A_557 : memref<128x128xf32, #tpu.memory_space<vmem>>) dst(%dma_wait3A_553 : memref<128x128xf32, #tpu.memory_space<hbm>>)
    %dma_wait3A_558 = arith.constant 1 : i32
    %dma_wait3A_559 = arith.constant 1 : i32
    %dma_wait3A_560 = arith.constant 1 : i32
    %dma_wait3A_561 = arith.constant 0 : i32
    %dma_wait3A_562 = arith.constant 0 : i32
    %dma_wait3A_563 = tpu.memref_slice %arg10[%dma_wait3A_558, %dma_wait3A_561, %dma_wait3A_562] : memref<4x128x128xf32, #tpu.memory_space<vmem>> -> memref<1x128x128xf32, #tpu.memory_space<vmem>>
    %dma_wait3A_564 = tpu.memref_squeeze %dma_wait3A_563 : memref<1x128x128xf32, #tpu.memory_space<vmem>> -> memref<128x128xf32, #tpu.memory_space<vmem>>
    %dma_wait3A_565 = arith.constant 0 : i32
    %dma_wait3A_566 = tpu.memref_slice %arg5[%dma_wait3A_559, %add3A_439, %dma_wait3A_565] : memref<4x8192x128xf32, #tpu.memory_space<hbm>> -> memref<1x128x128xf32, #tpu.memory_space<hbm>>
    %dma_wait3A_567 = tpu.memref_squeeze %dma_wait3A_566 : memref<1x128x128xf32, #tpu.memory_space<hbm>> -> memref<128x128xf32, #tpu.memory_space<hbm>>
    %dma_wait3A_568 = tpu.memref_slice %arg12[%dma_wait3A_560] : memref<4x!tpu.dma_semaphore, #tpu.memory_space<semaphore_mem>> -> memref<1x!tpu.dma_semaphore, #tpu.memory_space<semaphore_mem>>
    %dma_wait3A_569 = tpu.memref_squeeze %dma_wait3A_568 : memref<1x!tpu.dma_semaphore, #tpu.memory_space<semaphore_mem>> -> memref<!tpu.dma_semaphore, #tpu.memory_space<semaphore_mem>>
    %dma_wait3A_570 = arith.constant 0 : i32
    %dma_wait3A_571 = tpu.memref_slice %arg5[%dma_wait3A_559, %add3A_439, %dma_wait3A_570] : memref<4x8192x128xf32, #tpu.memory_space<hbm>> -> memref<1x128x128xf32, #tpu.memory_space<hbm>>
    %dma_wait3A_572 = tpu.memref_squeeze %dma_wait3A_571 : memref<1x128x128xf32, #tpu.memory_space<hbm>> -> memref<128x128xf32, #tpu.memory_space<hbm>>
    %dma_wait3A_573 = arith.constant 0 : i32
    %dma_wait3A_574 = arith.constant 0 : i32
    %dma_wait3A_575 = tpu.memref_slice %arg10[%dma_wait3A_558, %dma_wait3A_573, %dma_wait3A_574] : memref<4x128x128xf32, #tpu.memory_space<vmem>> -> memref<1x128x128xf32, #tpu.memory_space<vmem>>
    %dma_wait3A_576 = tpu.memref_squeeze %dma_wait3A_575 : memref<1x128x128xf32, #tpu.memory_space<vmem>> -> memref<128x128xf32, #tpu.memory_space<vmem>>
    tpu.wait_dma2 semaphore(%dma_wait3A_569 : memref<!tpu.dma_semaphore, #tpu.memory_space<semaphore_mem>>) src(%dma_wait3A_576 : memref<128x128xf32, #tpu.memory_space<vmem>>) dst(%dma_wait3A_572 : memref<128x128xf32, #tpu.memory_space<hbm>>)
    %dma_wait3A_577 = arith.constant 2 : i32
    %dma_wait3A_578 = arith.constant 2 : i32
    %dma_wait3A_579 = arith.constant 2 : i32
    %dma_wait3A_580 = arith.constant 0 : i32
    %dma_wait3A_581 = arith.constant 0 : i32
    %dma_wait3A_582 = tpu.memref_slice %arg10[%dma_wait3A_577, %dma_wait3A_580, %dma_wait3A_581] : memref<4x128x128xf32, #tpu.memory_space<vmem>> -> memref<1x128x128xf32, #tpu.memory_space<vmem>>
    %dma_wait3A_583 = tpu.memref_squeeze %dma_wait3A_582 : memref<1x128x128xf32, #tpu.memory_space<vmem>> -> memref<128x128xf32, #tpu.memory_space<vmem>>
    %dma_wait3A_584 = arith.constant 0 : i32
    %dma_wait3A_585 = tpu.memref_slice %arg5[%dma_wait3A_578, %add3A_479, %dma_wait3A_584] : memref<4x8192x128xf32, #tpu.memory_space<hbm>> -> memref<1x128x128xf32, #tpu.memory_space<hbm>>
    %dma_wait3A_586 = tpu.memref_squeeze %dma_wait3A_585 : memref<1x128x128xf32, #tpu.memory_space<hbm>> -> memref<128x128xf32, #tpu.memory_space<hbm>>
    %dma_wait3A_587 = tpu.memref_slice %arg12[%dma_wait3A_579] : memref<4x!tpu.dma_semaphore, #tpu.memory_space<semaphore_mem>> -> memref<1x!tpu.dma_semaphore, #tpu.memory_space<semaphore_mem>>
    %dma_wait3A_588 = tpu.memref_squeeze %dma_wait3A_587 : memref<1x!tpu.dma_semaphore, #tpu.memory_space<semaphore_mem>> -> memref<!tpu.dma_semaphore, #tpu.memory_space<semaphore_mem>>
    %dma_wait3A_589 = arith.constant 0 : i32
    %dma_wait3A_590 = tpu.memref_slice %arg5[%dma_wait3A_578, %add3A_479, %dma_wait3A_589] : memref<4x8192x128xf32, #tpu.memory_space<hbm>> -> memref<1x128x128xf32, #tpu.memory_space<hbm>>
    %dma_wait3A_591 = tpu.memref_squeeze %dma_wait3A_590 : memref<1x128x128xf32, #tpu.memory_space<hbm>> -> memref<128x128xf32, #tpu.memory_space<hbm>>
    %dma_wait3A_592 = arith.constant 0 : i32
    %dma_wait3A_593 = arith.constant 0 : i32
    %dma_wait3A_594 = tpu.memref_slice %arg10[%dma_wait3A_577, %dma_wait3A_592, %dma_wait3A_593] : memref<4x128x128xf32, #tpu.memory_space<vmem>> -> memref<1x128x128xf32, #tpu.memory_space<vmem>>
    %dma_wait3A_595 = tpu.memref_squeeze %dma_wait3A_594 : memref<1x128x128xf32, #tpu.memory_space<vmem>> -> memref<128x128xf32, #tpu.memory_space<vmem>>
    tpu.wait_dma2 semaphore(%dma_wait3A_588 : memref<!tpu.dma_semaphore, #tpu.memory_space<semaphore_mem>>) src(%dma_wait3A_595 : memref<128x128xf32, #tpu.memory_space<vmem>>) dst(%dma_wait3A_591 : memref<128x128xf32, #tpu.memory_space<hbm>>)
    %dma_wait3A_596 = arith.constant 3 : i32
    %dma_wait3A_597 = arith.constant 3 : i32
    %dma_wait3A_598 = arith.constant 3 : i32
    %dma_wait3A_599 = arith.constant 0 : i32
    %dma_wait3A_600 = arith.constant 0 : i32
    %dma_wait3A_601 = tpu.memref_slice %arg10[%dma_wait3A_596, %dma_wait3A_599, %dma_wait3A_600] : memref<4x128x128xf32, #tpu.memory_space<vmem>> -> memref<1x128x128xf32, #tpu.memory_space<vmem>>
    %dma_wait3A_602 = tpu.memref_squeeze %dma_wait3A_601 : memref<1x128x128xf32, #tpu.memory_space<vmem>> -> memref<128x128xf32, #tpu.memory_space<vmem>>
    %dma_wait3A_603 = arith.constant 0 : i32
    %dma_wait3A_604 = tpu.memref_slice %arg5[%dma_wait3A_597, %add3A_519, %dma_wait3A_603] : memref<4x8192x128xf32, #tpu.memory_space<hbm>> -> memref<1x128x128xf32, #tpu.memory_space<hbm>>
    %dma_wait3A_605 = tpu.memref_squeeze %dma_wait3A_604 : memref<1x128x128xf32, #tpu.memory_space<hbm>> -> memref<128x128xf32, #tpu.memory_space<hbm>>
    %dma_wait3A_606 = tpu.memref_slice %arg12[%dma_wait3A_598] : memref<4x!tpu.dma_semaphore, #tpu.memory_space<semaphore_mem>> -> memref<1x!tpu.dma_semaphore, #tpu.memory_space<semaphore_mem>>
    %dma_wait3A_607 = tpu.memref_squeeze %dma_wait3A_606 : memref<1x!tpu.dma_semaphore, #tpu.memory_space<semaphore_mem>> -> memref<!tpu.dma_semaphore, #tpu.memory_space<semaphore_mem>>
    %dma_wait3A_608 = arith.constant 0 : i32
    %dma_wait3A_609 = tpu.memref_slice %arg5[%dma_wait3A_597, %add3A_519, %dma_wait3A_608] : memref<4x8192x128xf32, #tpu.memory_space<hbm>> -> memref<1x128x128xf32, #tpu.memory_space<hbm>>
    %dma_wait3A_610 = tpu.memref_squeeze %dma_wait3A_609 : memref<1x128x128xf32, #tpu.memory_space<hbm>> -> memref<128x128xf32, #tpu.memory_space<hbm>>
    %dma_wait3A_611 = arith.constant 0 : i32
    %dma_wait3A_612 = arith.constant 0 : i32
    %dma_wait3A_613 = tpu.memref_slice %arg10[%dma_wait3A_596, %dma_wait3A_611, %dma_wait3A_612] : memref<4x128x128xf32, #tpu.memory_space<vmem>> -> memref<1x128x128xf32, #tpu.memory_space<vmem>>
    %dma_wait3A_614 = tpu.memref_squeeze %dma_wait3A_613 : memref<1x128x128xf32, #tpu.memory_space<vmem>> -> memref<128x128xf32, #tpu.memory_space<vmem>>
    tpu.wait_dma2 semaphore(%dma_wait3A_607 : memref<!tpu.dma_semaphore, #tpu.memory_space<semaphore_mem>>) src(%dma_wait3A_614 : memref<128x128xf32, #tpu.memory_space<vmem>>) dst(%dma_wait3A_610 : memref<128x128xf32, #tpu.memory_space<hbm>>)
    %dma_wait3A_615 = arith.constant 0 : i32
    %dma_wait3A_616 = tpu.memref_slice %arg6[%dma_wait3A_615, %mul3A_2] : memref<4x8192xi32, #tpu.memory_space<hbm>> -> memref<4x256xi32, #tpu.memory_space<hbm>>
    %dma_wait3A_617 = arith.constant 0 : i32
    %dma_wait3A_618 = tpu.memref_slice %arg6[%dma_wait3A_617, %mul3A_2] : memref<4x8192xi32, #tpu.memory_space<hbm>> -> memref<4x256xi32, #tpu.memory_space<hbm>>
    tpu.wait_dma2 semaphore(%arg14 : memref<!tpu.dma_semaphore, #tpu.memory_space<semaphore_mem>>) src(%arg9 : memref<4x256xi32, #tpu.memory_space<vmem>>) dst(%dma_wait3A_618 : memref<4x256xi32, #tpu.memory_space<hbm>>)
    return
  }
}

</mosaic_0001>

<sc_bundles>
// kernel: kernel.3.cloned.1.call-start
scs
__scs_entry_jumppad:
0x0: {  	(pc) =	sbr.rel $0x88, $3  }
0x1: {  	(tag) =	ssettag $0x0;
	lr =	simm.s32 $0x1  }
0x2: {  	[smem:$0x3F9E] =	sst lr;
	_ =	strace $0xD0000000  }
0x3: {  	_ = 	snop  }
0x4: {  	_ = 	snop  }
0x5: {  	_ = 	snop  }
0x6: {  	_ = 	snop  }
0x7: {  	_ = 	snop  }
__scs_overlays_trampoline_lowered:
0x8: {  	[smem:$0x3FAD] =	sst s0  }
0x9: {  	[smem:$0x3FAE] =	sst s1  }
0xa: {  	[smem:$0x3FAF] =	sst s2  }
0xb: {  	[smem:$0x3FB0] =	sst s3  }
0xc: {  	[smem:$0x3FB1] =	sst s4  }
0xd: {  	[smem:$0x3FB2] =	sst s5  }
0xe: {  	[smem:$0x3FB3] =	sst s6  }
0xf: {  	[smem:$0x3FB4] =	sst s7  }
0x10: {  	[smem:$0x3FB5] =	sst s8  }
0x11: {  	[smem:$0x3FB6] =	sst s9;
	s0 =	simm.s32 @!p0 $0x0  }
0x12: {  	s1 =	sld [smem:$0x3F9C];
	s0 =	simm.s32 @p0 $0x1  }
0x13: {  	[smem:$0x3FB7] =	sst s0;
	s0 =	simm.s32 @!p1 $0x0  }
0x14: {  	s2 =	sld [smem:$0x3F9B];
	s0 =	simm.s32 @p1 $0x1  }
0x15: {  	[smem:$0x3FB8] =	sst s0;
	s0 =	simm.s32 @!p2 $0x0  }
0x16: {  	s3 =	sld [smem:$0x3FDB];
	s0 =	simm.s32 @p2 $0x1  }
0x17: {  	s4 =	simm.s32 $0x1BF5;
	[smem:$0x3FBA] =	sst s0  }
0x18: {  	s0 =	sld [smem:$0x3F9D];
	_ =	swait.ge [sflag:s4], $0x0  }
0x19: {  	s7 =	sld [smem:$0x3F9E]  }
0x1a: {  	s8 =	sadd.s32 $0xFFFFE003, lr  }
0x1b: {  	s9 =	sadd.s32 $0xFFFFFEF7, lr;
	s5 =	simm.s32 $0xFFFFFFFF;
	p2 =	slt.u32 s8, $0xFFFFF086  }
0x1c: {  	p1 =	slt.u32 s9, $0xF7A;
	s5 =	simm.s32 @!p2 $0x0  }
0x1d: {  	s5 =	simm.s32 @p1 $0x1;
	p0 =	seq.s32 s7, s2  }
0x1e: {  	s7 =	smul.u32 @!p0 $0xF7A, s2;
	p2 =	seq.s32 @!p0 s5, $0x0  }
0x1f: {  	s9 =	smul.u32 $0xF7A, s1;
	s8 =	simm.s32 @!p0 $0x1BF5;
	p2 =	por !p2, p0  }
0x20: {  	[sflag:s8] =	ssyncset.s32 @!p0 $0xFFFFF086;
	s6 =	sadd.s32 @!p0 s3, s7;
	s7 =	simm.s32 @!p0 $0x108  }
0x21: {  	s3 =	sadd.s32 s3, s9;
	s6 =	sadd.s32 @!p0 $0x88, s6;
	s7 =	simm.s32 @p2 $0x1082  }
0x22: {  	[simem:s7], [sflag:s8] =	dma.local @!p0 [hbm:s6], $0xF7A  }
0x23: {  	s9 =	sor.u32 $0xD0000000, s2;
	s6 =	simm.s32 $0x108;
	_ =	swait.ge @!p0 [sflag:s8], $0x0  }
0x24: {  	s3 =	sadd.s32 $0x88, s3;
	s6 =	simm.s32 @!p1 $0x1082;
	[sflag:s4] =	ssyncset.s32 $0xFFFFF086  }
0x25: {  	[simem:s6], [sflag:s4] =	dma.local [hbm:s3], $0xF7A  }
0x26: {  	[smem:$0x3F9E] =	sst s1;
	(tag) =	ssettag s2;
	_ =	strace s9  }
0x27: {  	s1 =	sld [smem:$0x3FAE]  }
0x28: {  	s2 =	sld [smem:$0x3FAF]  }
0x29: {  	s4 =	sld [smem:$0x3FB1]  }
0x2a: {  	p0 =	seq.s32 s5, $0x0;
	s5 =	sld [smem:$0x3FB2]  }
0x2b: {  	s6 =	sld [smem:$0x3FB3]  }
0x2c: {  	s7 =	sld [smem:$0x3FB4]  }
0x2d: {  	s3 =	simm.s32 $0x108;
	s8 =	sld [smem:$0x3FB5]  }
0x2e: {  	s3 =	simm.s32 @!p0 $0x1082;
	s9 =	sld [smem:$0x3FB6]  }
0x2f: {  	lr =	sadd.s32 s0, s3;
	s0 =	sld [smem:$0x3FAD]  }
0x30: {  	s3 =	sld [smem:$0x3FB0]  }
0x31: {  	[smem:$0x3FB9] =	sst s10  }
0x32: {  	s10 =	sld [smem:$0x3FB7];
	_ =	sdelay $0x3  }
0x33: {  	p0 =	seq.s32 s10, $0x1;
	s10 =	sld [smem:$0x3FB9];
	_ =	sdelay $0x3  }
0x34: {  	[smem:$0x3FB9] =	sst s10  }
0x35: {  	s10 =	sld [smem:$0x3FB8];
	_ =	sdelay $0x3  }
0x36: {  	p1 =	seq.s32 s10, $0x1;
	s10 =	sld [smem:$0x3FB9];
	_ =	sdelay $0x3  }
0x37: {  	[smem:$0x3FB9] =	sst s10  }
0x38: {  	s10 =	sld [smem:$0x3FBA]  }
0x39: {  	_ = 	snop;
	(pc) =	sbr.ind lr, $3  }
0x3a: {  	_ = 	snop  }
0x3b: {  	_ = 	snop  }
0x3c: {  	p2 =	seq.s32 s10, $0x1;
	s10 =	sld [smem:$0x3FB9]  }
0x3d: {  	_ =	shalt  }
0x3e: {  	_ =	shalt  }
0x3f: {  	_ =	shalt  }
0x40: {  	_ =	shalt  }
0x41: {  	_ =	shalt  }
0x42: {  	_ =	shalt  }
0x43: {  	_ =	shalt  }
0x44: {  	_ =	shalt  }
0x45: {  	_ =	shalt  }
0x46: {  	_ =	shalt  }
0x47: {  	_ =	shalt  }
0x48: {  	_ =	shalt  }
0x49: {  	_ =	shalt  }
0x4a: {  	_ =	shalt  }
0x4b: {  	_ =	shalt  }
0x4c: {  	_ =	shalt  }
0x4d: {  	_ =	shalt  }
0x4e: {  	_ =	shalt  }
0x4f: {  	_ =	shalt  }
0x50: {  	_ =	shalt  }
0x51: {  	_ =	shalt  }
0x52: {  	_ =	shalt  }
0x53: {  	_ =	shalt  }
0x54: {  	_ =	shalt  }
0x55: {  	_ =	shalt  }
0x56: {  	_ =	shalt  }
0x57: {  	_ =	shalt  }
0x58: {  	_ =	shalt  }
0x59: {  	_ =	shalt  }
0x5a: {  	_ =	shalt  }
0x5b: {  	_ =	shalt  }
0x5c: {  	_ =	shalt  }
0x5d: {  	_ =	shalt  }
0x5e: {  	_ =	shalt  }
0x5f: {  	_ =	shalt  }
0x60: {  	_ =	shalt  }
0x61: {  	_ =	shalt  }
0x62: {  	_ =	shalt  }
0x63: {  	_ =	shalt  }
0x64: {  	_ =	shalt  }
0x65: {  	_ =	shalt  }
0x66: {  	_ =	shalt  }
0x67: {  	_ =	shalt  }
0x68: {  	_ =	shalt  }
0x69: {  	_ =	shalt  }
0x6a: {  	_ =	shalt  }
0x6b: {  	_ =	shalt  }
0x6c: {  	_ =	shalt  }
0x6d: {  	_ =	shalt  }
0x6e: {  	_ =	shalt  }
0x6f: {  	_ =	shalt  }
0x70: {  	_ =	shalt  }
0x71: {  	_ =	shalt  }
0x72: {  	_ =	shalt  }
0x73: {  	_ =	shalt  }
0x74: {  	_ =	shalt  }
0x75: {  	_ =	shalt  }
0x76: {  	_ =	shalt  }
0x77: {  	_ =	shalt  }
0x78: {  	_ =	shalt  }
0x79: {  	_ =	shalt  }
0x7a: {  	_ =	shalt  }
0x7b: {  	_ =	shalt  }
0x7c: {  	_ =	shalt  }
0x7d: {  	_ =	shalt  }
0x7e: {  	_ =	shalt  }
0x7f: {  	_ =	shalt  }
0x80: {  	_ =	shalt  }
0x81: {  	_ =	shalt  }
0x82: {  	_ =	shalt  }
0x83: {  	_ =	shalt  }
0x84: {  	_ =	shalt  }
0x85: {  	_ =	shalt  }
0x86: {  	_ =	shalt  }
0x87: {  	_ =	shalt  }
.Lfunc_end0:
.L_simem_size_0:
called_computation_lowered:
.L_overlay_start_0:
0x88: {  	s2 =	sld [smem:$0x3FD9]  }
0x89: {  	s3 =	sld [smem:$0x3FFE];
	_ =	sdelay $0x1  }
0x8a: {  	s1 =	srdreg.scid  }
0x8b: {  	s0 =	sand.u32 $0x1, s1  }
0x8c: {  	s15 =	sshll.u32 s0, $0xA;
	s2 =	sadd.s32 s3, s2  }
0x8d: {  	s2 =	sadd.s32 s2, s15  }
0x8e: {  	[smem:$0x3FC5] =	sst s2  }
0x8f: {  	_ = 	snop  }
0x90: {  	s2 =	sld [smem:$0x3FD0]  }
0x91: {  	s16 =	sld [smem:$0x3FC9]  }
0x92: {  	s4 =	sld [smem:$0x3FC8]  }
0x93: {  	s6 =	simm.s32 $0xA;
	s7 =	simm.s32 $0x10;
	s5 =	sld [smem:$0x3FC7]  }
0x94: {  	[smem:s7], [sflag:s6] =	dma.local [hbm:s2], $0x1  }
0x95: {  	_ =	swait.eq [sflag:s6], $0x1  }
0x96: {  	[sflag:s6] =	ssyncset.done $0x0  }
0x97: {  	s17 =	sld [smem:$0x10];
	[sflag:s6] =	ssyncadd.s32 $0xFFFFFFFF  }
0x98: {  	s18 =	sld [smem:$0x11];
	(tm) =	ssettm $0x1  }
0x99: {  	s19 =	sld [smem:$0x3FFB];
	_ =	sdelay $0x3  }
0x9a: {  	_ =	strace s19  }
0x9b: {  	s7 =	sld [smem:$0x3FFC];
	_ =	sdelay $0x3  }
0x9c: {  	_ =	strace s7  }
0x9d: {  	s7 =	sld [smem:$0x3FFD];
	_ =	sdelay $0x3  }
0x9e: {  	_ =	strace s7  }
0x9f: {  	_ =	strace $0x8FFFFFFF  }
0xa0: {  	s20 =	sld [smem:$0x3FDB];
	_ =	sdelay $0x1  }
0xa1: {  	s8 =	simm.s32 $_scs_section_size  }
0xa2: {  	s9 =	simm.s32 $_size__tile_overlayer_lowered;
	s10 =	simm.s32 $_tile_overlayer_lowered  }
0xa3: {  	s23 =	simm.s32 $0x1BFF;
	s22 =	sshll.u32 s10, $0x1;
	s7 =	sadd.s32 s8, s20  }
0xa4: {  	s11 =	simm.s32 $0x0;
	s21 =	sshll.u32 s9, $0x1;
	s9 =	sadd.s32 s22, s7  }
0xa5: {  	[timem:s11], [sflag:s23] =	dma.local [hbm:s9], s21  }
0xa6: {  	_ =	swait.ge [sflag:s23], s21  }
0xa7: {  	s8 =	ssub.s32 $0x0, s21;
	[sflag:s23] =	ssyncset.done $0x0  }
0xa8: {  	[sflag:s23] =	ssyncadd.s32 s8;
	_ =	sdelay $0x1  }
0xa9: {  	s24 =	simm.s32 $0x1B8B  }
0xaa: {  	_ =	swait.ge [sflag:s24], $0x1  }
0xab: {  	[sflag:s24] =	ssyncset.done $0x0  }
0xac: {  	s25 =	simm.s32 $0x1B8E;
	[sflag:s24] =	ssyncadd.s32 $0xFFFFFFFF  }
0xad: {  	s26 =	simm.s32 $execute0_lowered;
	[smem:$0x3FD2] =	sst s25  }
0xae: {  	s8 =	sshll.u32 s26, $0x1;
	_ =	strace $0x80000046;
	[dreg:$0x1] =	wrdreg $0xFFFFFFFF  }
0xaf: {  	s28 =	simm.s32 $_size_execute0_lowered;
	s7 =	sadd.s32 s7, s8;
	[dreg:$0x0] =	wrdreg $0x0  }
0xb0: {  	s8 =	sshll.u32 s28, $0x1;
	[dreg:$0x2] =	wrdreg s7  }
0xb1: {  	[dreg:$0x3] =	wrdreg s8  }
0xb2: {  	[dreg:$0x4] =	wrdreg $0xC0  }
0xb3: {  	_ =	task [dreg:s11], $0x5FFFF  }
0xb4: {  	[dreg:$0x1] =	wrdreg $0xFFFFFFFF  }
0xb5: {  	[dreg:$0x0] =	wrdreg $0x60  }
0xb6: {  	[dreg:$0x2] =	wrdreg s16  }
0xb7: {  	[dreg:$0x3] =	wrdreg s4  }
0xb8: {  	[dreg:$0x4] =	wrdreg s5  }
0xb9: {  	[dreg:$0x5] =	wrdreg s17  }
0xba: {  	[dreg:$0x6] =	wrdreg s18  }
0xbb: {  	[dreg:$0x7] =	wrdreg $0x9  }
0xbc: {  	_ =	task.clear_ibuf [dreg:s11], $0x8FFFF;
	_ =	strace $0x90000046  }
0xbd: {  	s29 =	simm.s32 $0x9;
	_ =	strace $0x80000048  }
0xbe: {  	_ =	swait.ge [sflag:s29], $0x1  }
0xbf: {  	[sflag:s29] =	ssyncadd.s32 $0xFFFFFFFF  }
0xc0: {  	_ =	strace $0x90000048  }
0xc1: {  	_ =	sfence  }
0xc2: {  	s30 =	sld [smem:$0x0];
	_ =	sdelay $0x2  }
0xc3: {  	s31 =	sshll.u32 s1, $0xD;
	s1 =	sshrl.u32 s1, $0x2  }
0xc4: {  	s3 =	sand.u32 $0x4000, s31;
	s1 =	sadd.s32 s1, s30  }
0xc5: {  	s0 =	sor.u32 s3, s0;
	s1 =	sshll.u32 s1, $0x11  }
0xc6: {  	s0 =	sor.u32 s1, s0  }
0xc7: {  	s0 =	sadd.s32 $0x8F2B, s0  }
0xc8: {  	[sflag:s0] =	ssyncadd.remote.s32 $0x1  }
0xc9: {  	_ =	sfence.sel $0xFFFF  }
0xca: {  	[dreg:$0x0] =	wrdreg $0xFFFFFFFF;
	(pc) =	sbr.abs _section_cstart, $3  }
0xcb: {  	[dreg:$0x1] =	wrdreg $0xFFFFFFFF  }
0xcc: {  	_ =	task.clear_ibuf [dreg:s11], $0x2FFFF;
	_ =	strace $0x9FFFFFFF  }
0xcd: {  	(tm) =	ssettm $0x7FFFFFFF  }
tec
execute0_lowered:
.L_overlay_start_1:
0x0: {  	(tag) =	ssettag $0x1  }
0x1: {  	s0 =	rddreg [dreg:$0x0]  }
0x2: {  	s1 =	rddreg [dreg:$0x1]  }
0x3: {  	s2 =	rddreg [dreg:$0x2]  }
0x4: {  	s5 =	rddreg [dreg:$0x3]  }
0x5: {  	s6 =	rddreg [dreg:$0x4];
	s3 =	simm.s32 $0x0;
	s4 =	srdreg.scid  }
0x6: {  	s8 =	stileid.u32;
	s18 =	simm.s32 $0x9;
	s19 =	simm.s32 $0x80  }
0x7: {  	s29 =	simm.s32 $0x14800;
	s30 =	simm.s32 $0x2;
	s31 =	simm.s32 $0x5  }
0x8: {  	s17 =	simm.s32 $0x6;
	[smem:$0x7FF] =	sst s3;
	s4 =	sand.u32 $0x1, s4  }
0x9: {  	s8 =	sshll.u32 s8, $0x9;
	s7 =	ssub.s32 $0x2, s4;
	s4 =	sshll.u32 s4, $0x8  }
0xa: {  	s28 =	simm.s32 $0x7;
	_ =	strace $0x80000047;
	s4 =	sor.u32 s4, s8  }
0xb: {  	s9 =	sshrl.u32 s7, $0x1;
	s21 =	sshrl.u32 s4, $0x1;
	s22 =	sshll.u32 s4, $0x4  }
0xc: {  	s20 =	ssub.s32 s7, s9;
	s0 =	sadd.s32 s0, s21;
	s23 =	sadd.s32 s2, s22  }
0xd: {  	s7 =	sadd.s32 s5, s22;
	s24 =	sadd.s32 s6, s21;
	s16 =	smax.u32 s20, $0x1  }
0xe: {  	s20 =	simm.s32 $0x8800;
	s21 =	simm.s32 $0xC800;
	[dreg:$0x6] =	wrdreg s0  }
0xf: {  	s2 =	simm.s32 $0x3;
	s22 =	simm.s32 $0x8;
	[dreg:$0x7] =	wrdreg s23  }
0x10: {  	[dreg:$0x8] =	wrdreg s24;
	s25 =	sadd.s32 $0x20000, s7;
	s26 =	sadd.s32 $0x40000, s7  }
0x11: {  	s11 =	sadd.s32 $0x60000, s7;
	s12 =	sadd.s32 $0x800, s7;
	s13 =	sadd.s32 $0x20800, s7  }
0x12: {  	s14 =	sadd.s32 $0x40800, s7;
	s15 =	sadd.s32 $0x60800, s7;
	s23 =	simm.s32 $0x10800  }
0x13: {  	s24 =	simm.s32 $0x4;
	s0 =	simm.s32 $0x0;
	[dreg:$0x9] =	wrdreg s25  }
0x14: {  	v0 =	vlaneseq.u32;
	[dreg:$0xa] =	wrdreg s26;
	s25 =	simm.s32 $0xA;
	s26 =	simm.s32 $0x1  }
.LBB2_1:
0x15: {  	s5 =	rddreg [dreg:$0x6]  }
0x16: {  	[tilespmem:s3], [sflag:$0x9] =	stream.linear.gather [hbm4b:s5+s3], $0x400, $0x38;
	[tilespmem:$0x18800] =	vst v63  }
0x17: {  	s10 =	rddreg [dreg:$0x7];
	s6 =	simm.s32 $0x400  }
0x18: {  	[tilespmem:s6], [sflag:$0xA] =	stream.linear.gather [hbm4b:s10+s3], $0x8000, $0x38;
	[tilespmem:$0x18800] =	vst v63  }
0x19: {  	_ =	swait.ge [sflag:s18], $0x400  }
0x1a: {  	[sflag:s18] =	ssyncset.done $0x0  }
0x1b: {  	[sflag:s18] =	ssyncadd.s32 $0xFFFFFC00  }
0x1c: {  	[tilespmem:s20], [sflag:$0x1] =	stream.indirect.gather [hbm4b:s1+s19], $0x80, s3, s19, $0xb8;
	[tilespmem:$0x18800] =	vst v63  }
0x1d: {  	_ = 	snop  }
0x1e: {  	[tilespmem:s21], [sflag:$0x2] =	stream.indirect.gather [hbm4b:s1+s19], $0x80, s19, s19, $0xb8;
	[tilespmem:$0x18800] =	vst v63  }
0x1f: {  	s8 =	simm.s32 $0x100  }
0x20: {  	[tilespmem:s23], [sflag:$0x3] =	stream.indirect.gather [hbm4b:s1+s19], $0x80, s8, s19, $0xb8;
	[tilespmem:$0x18800] =	vst v63  }
0x21: {  	s9 =	sadd.s32 $0x0, s4;
	s10 =	sand.u32 $0x70, s3;
	s8 =	sand.u32 $0x200, s3  }
0x22: {  	v1 =	vor.u32 s9, v0;
	s8 =	sor.u32 s10, s8  }
0x23: {  	[tilespmem:s8+$0x8580] =	vst v1  }
0x24: {  	[tilespmem:s8+$0x8400] =	vst v1  }
0x25: {  	s5 =	simm.s32 $0x10;
	s6 =	simm.s32 $0x0;
	[tilespmem:s8+$0x8480] =	vst v1  }
.LBB2_2:
0x26: {  	s9 =	sadd.s32 s5, s4  }
0x27: {  	s10 =	sand.u32 $0x70, s5;
	[tilespmem:s8+$0x8500] =	vst v1;
	s6 =	sadd.s32 $0x40, s6;
	p0 =	sne.s32 s5, $0xF0  }
.Ltmp0:
0x28: {  	s5 =	sadd.s32 $0x10, s5;
	s8 =	sand.u32 $0x200, s6;
	(pc) =	sbr.rel @p0 .LBB2_2-.Ltmp0, $4  }
0x29: {  	v1 =	vor.u32 s9, v0;
	s8 =	sor.u32 s10, s8  }
0x2a: {  	[tilespmem:s8+$0x8580] =	vst v1  }
0x2b: {  	[tilespmem:s8+$0x8400] =	vst v1  }
0x2c: {  	[tilespmem:s8+$0x8480] =	vst v1  }
0x2d: {  	[tilespmem:s8+$0x8500] =	vst v1  }
0x2e: {  	s5 =	simm.s32 $0x0;
	s10 =	simm.s32 $0x8400;
	s6 =	rddreg [dreg:$0x8]  }
0x2f: {  	[hbm4b:s6+s5] =	stream.linear.scatter [tilespmem:s10], [sflag:$0xA], $0x400, $0x38;
	[tilespmem:$0x18800] =	vst v63  }
0x30: {  	_ =	swait.ge [sflag:s25], $0x8000  }
0x31: {  	[sflag:s25] =	ssyncset.done $0x0  }
0x32: {  	[sflag:s25] =	ssyncadd.s32 $0xFFFF8000  }
0x33: {  	_ =	swait.ge [sflag:s26], $0x4000  }
0x34: {  	[sflag:s26] =	ssyncset.done $0x0  }
0x35: {  	s5 =	simm.s32 $0x0;
	s6 =	simm.s32 $0x200;
	[sflag:s26] =	ssyncadd.s32 $0xFFFFC000  }
.LBB2_4:
0x36: {  	p0 =	sne.s32 s6, $0xFE00;
	v1 =	vld [tilespmem:s5+$0x470]  }
0x37: {  	v2 =	vld [tilespmem:s5+$0x400]  }
0x38: {  	v3 =	vld [tilespmem:s5+$0x410]  }
0x39: {  	v4 =	vld [tilespmem:s5+$0x420]  }
0x3a: {  	v5 =	vld [tilespmem:s5+$0x430]  }
0x3b: {  	[tilespmem:s5+$0x8870] =	vst.add.f32.msk $0xffff, v1  }
0x3c: {  	v1 =	vld [tilespmem:s5+$0x440]  }
0x3d: {  	v6 =	vld [tilespmem:s5+$0x450]  }
0x3e: {  	v7 =	vld [tilespmem:s5+$0x460]  }
0x3f: {  	[tilespmem:s5+$0x8800] =	vst.add.f32.msk $0xffff, v2  }
0x40: {  	[tilespmem:s5+$0x8810] =	vst.add.f32.msk $0xffff, v3  }
.Ltmp1:
0x41: {  	[tilespmem:s5+$0x8820] =	vst.add.f32.msk $0xffff, v4;
	(pc) =	sbr.rel @p0 .LBB2_4-.Ltmp1, $4  }
0x42: {  	[tilespmem:s5+$0x8830] =	vst.add.f32.msk $0xffff, v5  }
0x43: {  	[tilespmem:s5+$0x8840] =	vst.add.f32.msk $0xffff, v1  }
0x44: {  	[tilespmem:s5+$0x8850] =	vst.add.f32.msk $0xffff, v6  }
0x45: {  	[tilespmem:s5+$0x8860] =	vst.add.f32.msk $0xffff, v7;
	s5 =	sshra.s32 s6, $0x2;
	s6 =	sadd.s32 $0x200, s6  }
0x46: {  	v1 =	vld [tilespmem:s5+$0x470]  }
0x47: {  	v2 =	vld [tilespmem:s5+$0x400]  }
0x48: {  	v3 =	vld [tilespmem:s5+$0x410]  }
0x49: {  	v4 =	vld [tilespmem:s5+$0x420]  }
0x4a: {  	v5 =	vld [tilespmem:s5+$0x430]  }
0x4b: {  	v6 =	vld [tilespmem:s5+$0x450]  }
0x4c: {  	v7 =	vld [tilespmem:s5+$0x460]  }
0x4d: {  	[tilespmem:s5+$0x8870] =	vst.add.f32.msk $0xffff, v1  }
0x4e: {  	v1 =	vld [tilespmem:s5+$0x440]  }
0x4f: {  	[tilespmem:s5+$0x8800] =	vst.add.f32.msk $0xffff, v2  }
0x50: {  	[tilespmem:s5+$0x8810] =	vst.add.f32.msk $0xffff, v3  }
0x51: {  	[tilespmem:s5+$0x8820] =	vst.add.f32.msk $0xffff, v4  }
0x52: {  	[tilespmem:s5+$0x8830] =	vst.add.f32.msk $0xffff, v5  }
0x53: {  	[tilespmem:s5+$0x8850] =	vst.add.f32.msk $0xffff, v6  }
0x54: {  	[tilespmem:s5+$0x8860] =	vst.add.f32.msk $0xffff, v7  }
0x55: {  	s9 =	simm.s32 $0x0;
	[tilespmem:s5+$0x8840] =	vst.add.f32.msk $0xffff, v1  }
0x56: {  	[hbm4b:s7+s9] =	stream.linear.scatter [tilespmem:s20], [sflag:$0x5], $0x4000, $0x38;
	[tilespmem:$0x18800] =	vst v63  }
0x57: {  	s10 =	simm.s32 $0x180  }
0x58: {  	[tilespmem:s29], [sflag:$0x4] =	stream.indirect.gather [hbm4b:s1+s19], $0x80, s10, s19, $0xb8;
	[tilespmem:$0x18800] =	vst v63  }
0x59: {  	_ =	swait.ge [sflag:s30], $0x4000  }
0x5a: {  	[sflag:s30] =	ssyncset.done $0x0  }
0x5b: {  	s6 =	simm.s32 $0x200;
	s5 =	simm.s32 $0x0;
	[sflag:s30] =	ssyncadd.s32 $0xFFFFC000  }
.LBB2_6:
0x5c: {  	p0 =	sne.s32 s6, $0xFE00;
	v1 =	vld [tilespmem:s5+$0x470]  }
0x5d: {  	v2 =	vld [tilespmem:s5+$0x400]  }
0x5e: {  	v3 =	vld [tilespmem:s5+$0x410]  }
0x5f: {  	v4 =	vld [tilespmem:s5+$0x420]  }
0x60: {  	v5 =	vld [tilespmem:s5+$0x430]  }
0x61: {  	[tilespmem:s5+$0xC870] =	vst.add.f32.msk $0xffff, v1  }
0x62: {  	v1 =	vld [tilespmem:s5+$0x440]  }
0x63: {  	v6 =	vld [tilespmem:s5+$0x450]  }
0x64: {  	v7 =	vld [tilespmem:s5+$0x460]  }
0x65: {  	[tilespmem:s5+$0xC800] =	vst.add.f32.msk $0xffff, v2  }
0x66: {  	[tilespmem:s5+$0xC810] =	vst.add.f32.msk $0xffff, v3  }
.Ltmp2:
0x67: {  	[tilespmem:s5+$0xC820] =	vst.add.f32.msk $0xffff, v4;
	(pc) =	sbr.rel @p0 .LBB2_6-.Ltmp2, $4  }
0x68: {  	[tilespmem:s5+$0xC830] =	vst.add.f32.msk $0xffff, v5  }
0x69: {  	[tilespmem:s5+$0xC840] =	vst.add.f32.msk $0xffff, v1  }
0x6a: {  	[tilespmem:s5+$0xC850] =	vst.add.f32.msk $0xffff, v6  }
0x6b: {  	[tilespmem:s5+$0xC860] =	vst.add.f32.msk $0xffff, v7;
	s5 =	sshra.s32 s6, $0x2;
	s6 =	sadd.s32 $0x200, s6  }
0x6c: {  	v1 =	vld [tilespmem:s5+$0x470]  }
0x6d: {  	v2 =	vld [tilespmem:s5+$0x400]  }
0x6e: {  	v3 =	vld [tilespmem:s5+$0x410]  }
0x6f: {  	v4 =	vld [tilespmem:s5+$0x420]  }
0x70: {  	v5 =	vld [tilespmem:s5+$0x430]  }
0x71: {  	v6 =	vld [tilespmem:s5+$0x450]  }
0x72: {  	v7 =	vld [tilespmem:s5+$0x460]  }
0x73: {  	[tilespmem:s5+$0xC870] =	vst.add.f32.msk $0xffff, v1  }
0x74: {  	v1 =	vld [tilespmem:s5+$0x440]  }
0x75: {  	[tilespmem:s5+$0xC800] =	vst.add.f32.msk $0xffff, v2  }
0x76: {  	[tilespmem:s5+$0xC810] =	vst.add.f32.msk $0xffff, v3  }
0x77: {  	[tilespmem:s5+$0xC820] =	vst.add.f32.msk $0xffff, v4  }
0x78: {  	[tilespmem:s5+$0xC830] =	vst.add.f32.msk $0xffff, v5  }
0x79: {  	[tilespmem:s5+$0xC850] =	vst.add.f32.msk $0xffff, v6  }
0x7a: {  	[tilespmem:s5+$0xC860] =	vst.add.f32.msk $0xffff, v7  }
0x7b: {  	[tilespmem:s5+$0xC840] =	vst.add.f32.msk $0xffff, v1  }
0x7c: {  	s9 =	simm.s32 $0x0;
	s6 =	rddreg [dreg:$0x9]  }
0x7d: {  	[hbm4b:s6+s9] =	stream.linear.scatter [tilespmem:s21], [sflag:$0x6], $0x4000, $0x38;
	[tilespmem:$0x18800] =	vst v63  }
0x7e: {  	_ =	swait.ge [sflag:s31], $0x4000  }
0x7f: {  	[sflag:s31] =	ssyncset.done $0x0  }
0x80: {  	s10 =	simm.s32 $0x200;
	[sflag:s31] =	ssyncadd.s32 $0xFFFFC000  }
0x81: {  	[tilespmem:s20], [sflag:$0x1] =	stream.indirect.gather [hbm4b:s1+s19], $0x80, s10, s19, $0xb8;
	[tilespmem:$0x18800] =	vst v63  }
0x82: {  	_ =	swait.ge [sflag:s2], $0x4000  }
0x83: {  	[sflag:s2] =	ssyncset.done $0x0  }
0x84: {  	s5 =	simm.s32 $0x0;
	s6 =	simm.s32 $0x200;
	[sflag:s2] =	ssyncadd.s32 $0xFFFFC000  }
.LBB2_8:
0x85: {  	p0 =	sne.s32 s6, $0xFE00;
	v1 =	vld [tilespmem:s5+$0x470]  }
0x86: {  	v2 =	vld [tilespmem:s5+$0x400]  }
0x87: {  	v3 =	vld [tilespmem:s5+$0x410]  }
0x88: {  	v4 =	vld [tilespmem:s5+$0x420]  }
0x89: {  	v5 =	vld [tilespmem:s5+$0x430]  }
0x8a: {  	[tilespmem:s5+$0x10870] =	vst.add.f32.msk $0xffff, v1  }
0x8b: {  	v1 =	vld [tilespmem:s5+$0x440]  }
0x8c: {  	v6 =	vld [tilespmem:s5+$0x450]  }
0x8d: {  	v7 =	vld [tilespmem:s5+$0x460]  }
0x8e: {  	[tilespmem:s5+$0x10800] =	vst.add.f32.msk $0xffff, v2  }
0x8f: {  	[tilespmem:s5+$0x10810] =	vst.add.f32.msk $0xffff, v3  }
.Ltmp3:
0x90: {  	[tilespmem:s5+$0x10820] =	vst.add.f32.msk $0xffff, v4;
	(pc) =	sbr.rel @p0 .LBB2_8-.Ltmp3, $4  }
0x91: {  	[tilespmem:s5+$0x10830] =	vst.add.f32.msk $0xffff, v5  }
0x92: {  	[tilespmem:s5+$0x10840] =	vst.add.f32.msk $0xffff, v1  }
0x93: {  	[tilespmem:s5+$0x10850] =	vst.add.f32.msk $0xffff, v6  }
0x94: {  	[tilespmem:s5+$0x10860] =	vst.add.f32.msk $0xffff, v7;
	s5 =	sshra.s32 s6, $0x2;
	s6 =	sadd.s32 $0x200, s6  }
0x95: {  	v1 =	vld [tilespmem:s5+$0x470]  }
0x96: {  	v2 =	vld [tilespmem:s5+$0x400]  }
0x97: {  	v3 =	vld [tilespmem:s5+$0x410]  }
0x98: {  	v4 =	vld [tilespmem:s5+$0x420]  }
0x99: {  	v5 =	vld [tilespmem:s5+$0x430]  }
0x9a: {  	v6 =	vld [tilespmem:s5+$0x450]  }
0x9b: {  	v7 =	vld [tilespmem:s5+$0x460]  }
0x9c: {  	[tilespmem:s5+$0x10870] =	vst.add.f32.msk $0xffff, v1  }
0x9d: {  	v1 =	vld [tilespmem:s5+$0x440]  }
0x9e: {  	[tilespmem:s5+$0x10800] =	vst.add.f32.msk $0xffff, v2  }
0x9f: {  	[tilespmem:s5+$0x10810] =	vst.add.f32.msk $0xffff, v3  }
0xa0: {  	[tilespmem:s5+$0x10820] =	vst.add.f32.msk $0xffff, v4  }
0xa1: {  	[tilespmem:s5+$0x10830] =	vst.add.f32.msk $0xffff, v5  }
0xa2: {  	[tilespmem:s5+$0x10850] =	vst.add.f32.msk $0xffff, v6  }
0xa3: {  	[tilespmem:s5+$0x10860] =	vst.add.f32.msk $0xffff, v7  }
0xa4: {  	[tilespmem:s5+$0x10840] =	vst.add.f32.msk $0xffff, v1  }
0xa5: {  	s9 =	simm.s32 $0x0;
	s6 =	rddreg [dreg:$0xa]  }
0xa6: {  	[hbm4b:s6+s9] =	stream.linear.scatter [tilespmem:s23], [sflag:$0x7], $0x4000, $0x38;
	[tilespmem:$0x18800] =	vst v63  }
0xa7: {  	_ =	swait.ge [sflag:s17], $0x4000  }
0xa8: {  	[sflag:s17] =	ssyncset.done $0x0  }
0xa9: {  	s10 =	simm.s32 $0x280;
	[sflag:s17] =	ssyncadd.s32 $0xFFFFC000  }
0xaa: {  	[tilespmem:s21], [sflag:$0x2] =	stream.indirect.gather [hbm4b:s1+s19], $0x80, s10, s19, $0xb8;
	[tilespmem:$0x18800] =	vst v63  }
0xab: {  	_ =	swait.ge [sflag:s24], $0x4000  }
0xac: {  	[sflag:s24] =	ssyncset.done $0x0  }
0xad: {  	s5 =	simm.s32 $0x0;
	s6 =	simm.s32 $0x200;
	[sflag:s24] =	ssyncadd.s32 $0xFFFFC000  }
.LBB2_10:
0xae: {  	p0 =	sne.s32 s6, $0xFE00;
	v1 =	vld [tilespmem:s5+$0x470]  }
0xaf: {  	v2 =	vld [tilespmem:s5+$0x400]  }
0xb0: {  	v3 =	vld [tilespmem:s5+$0x410]  }
0xb1: {  	v4 =	vld [tilespmem:s5+$0x420]  }
0xb2: {  	v5 =	vld [tilespmem:s5+$0x430]  }
0xb3: {  	[tilespmem:s5+$0x14870] =	vst.add.f32.msk $0xffff, v1  }
0xb4: {  	v1 =	vld [tilespmem:s5+$0x440]  }
0xb5: {  	v6 =	vld [tilespmem:s5+$0x450]  }
0xb6: {  	v7 =	vld [tilespmem:s5+$0x460]  }
0xb7: {  	[tilespmem:s5+$0x14800] =	vst.add.f32.msk $0xffff, v2  }
0xb8: {  	[tilespmem:s5+$0x14810] =	vst.add.f32.msk $0xffff, v3  }
.Ltmp4:
0xb9: {  	[tilespmem:s5+$0x14820] =	vst.add.f32.msk $0xffff, v4;
	(pc) =	sbr.rel @p0 .LBB2_10-.Ltmp4, $4  }
0xba: {  	[tilespmem:s5+$0x14830] =	vst.add.f32.msk $0xffff, v5  }
0xbb: {  	[tilespmem:s5+$0x14840] =	vst.add.f32.msk $0xffff, v1  }
0xbc: {  	[tilespmem:s5+$0x14850] =	vst.add.f32.msk $0xffff, v6  }
0xbd: {  	[tilespmem:s5+$0x14860] =	vst.add.f32.msk $0xffff, v7;
	s5 =	sshra.s32 s6, $0x2;
	s6 =	sadd.s32 $0x200, s6  }
0xbe: {  	v1 =	vld [tilespmem:s5+$0x470]  }
0xbf: {  	v2 =	vld [tilespmem:s5+$0x400]  }
0xc0: {  	v3 =	vld [tilespmem:s5+$0x410]  }
0xc1: {  	v4 =	vld [tilespmem:s5+$0x420]  }
0xc2: {  	v5 =	vld [tilespmem:s5+$0x430]  }
0xc3: {  	v6 =	vld [tilespmem:s5+$0x450]  }
0xc4: {  	v7 =	vld [tilespmem:s5+$0x460]  }
0xc5: {  	[tilespmem:s5+$0x14870] =	vst.add.f32.msk $0xffff, v1  }
0xc6: {  	v1 =	vld [tilespmem:s5+$0x440]  }
0xc7: {  	[tilespmem:s5+$0x14800] =	vst.add.f32.msk $0xffff, v2  }
0xc8: {  	[tilespmem:s5+$0x14810] =	vst.add.f32.msk $0xffff, v3  }
0xc9: {  	[tilespmem:s5+$0x14820] =	vst.add.f32.msk $0xffff, v4  }
0xca: {  	[tilespmem:s5+$0x14830] =	vst.add.f32.msk $0xffff, v5  }
0xcb: {  	[tilespmem:s5+$0x14850] =	vst.add.f32.msk $0xffff, v6  }
0xcc: {  	[tilespmem:s5+$0x14860] =	vst.add.f32.msk $0xffff, v7  }
0xcd: {  	s9 =	simm.s32 $0x0;
	[tilespmem:s5+$0x14840] =	vst.add.f32.msk $0xffff, v1  }
0xce: {  	[hbm4b:s11+s9] =	stream.linear.scatter [tilespmem:s29], [sflag:$0x8], $0x4000, $0x38;
	[tilespmem:$0x18800] =	vst v63  }
0xcf: {  	_ =	swait.ge [sflag:s28], $0x4000  }
0xd0: {  	[sflag:s28] =	ssyncset.done $0x0  }
0xd1: {  	s10 =	simm.s32 $0x300;
	[sflag:s28] =	ssyncadd.s32 $0xFFFFC000  }
0xd2: {  	[tilespmem:s23], [sflag:$0x3] =	stream.indirect.gather [hbm4b:s1+s19], $0x80, s10, s19, $0xb8;
	[tilespmem:$0x18800] =	vst v63  }
0xd3: {  	_ =	swait.ge [sflag:s26], $0x4000  }
0xd4: {  	[sflag:s26] =	ssyncset.done $0x0  }
0xd5: {  	s6 =	simm.s32 $0x200;
	s5 =	simm.s32 $0x0;
	[sflag:s26] =	ssyncadd.s32 $0xFFFFC000  }
.LBB2_12:
0xd6: {  	p0 =	sne.s32 s6, $0xFE00;
	v1 =	vld [tilespmem:s5+$0x4470]  }
0xd7: {  	v2 =	vld [tilespmem:s5+$0x4400]  }
0xd8: {  	v3 =	vld [tilespmem:s5+$0x4410]  }
0xd9: {  	v4 =	vld [tilespmem:s5+$0x4420]  }
0xda: {  	v5 =	vld [tilespmem:s5+$0x4430]  }
0xdb: {  	[tilespmem:s5+$0x8870] =	vst.add.f32.msk $0xffff, v1  }
0xdc: {  	v1 =	vld [tilespmem:s5+$0x4440]  }
0xdd: {  	v6 =	vld [tilespmem:s5+$0x4450]  }
0xde: {  	v7 =	vld [tilespmem:s5+$0x4460]  }
0xdf: {  	[tilespmem:s5+$0x8800] =	vst.add.f32.msk $0xffff, v2  }
0xe0: {  	[tilespmem:s5+$0x8810] =	vst.add.f32.msk $0xffff, v3  }
.Ltmp5:
0xe1: {  	[tilespmem:s5+$0x8820] =	vst.add.f32.msk $0xffff, v4;
	(pc) =	sbr.rel @p0 .LBB2_12-.Ltmp5, $4  }
0xe2: {  	[tilespmem:s5+$0x8830] =	vst.add.f32.msk $0xffff, v5  }
0xe3: {  	[tilespmem:s5+$0x8840] =	vst.add.f32.msk $0xffff, v1  }
0xe4: {  	[tilespmem:s5+$0x8850] =	vst.add.f32.msk $0xffff, v6  }
0xe5: {  	[tilespmem:s5+$0x8860] =	vst.add.f32.msk $0xffff, v7;
	s5 =	sshra.s32 s6, $0x2;
	s6 =	sadd.s32 $0x200, s6  }
0xe6: {  	v1 =	vld [tilespmem:s5+$0x4470]  }
0xe7: {  	v2 =	vld [tilespmem:s5+$0x4400]  }
0xe8: {  	v3 =	vld [tilespmem:s5+$0x4410]  }
0xe9: {  	v4 =	vld [tilespmem:s5+$0x4420]  }
0xea: {  	v5 =	vld [tilespmem:s5+$0x4430]  }
0xeb: {  	v6 =	vld [tilespmem:s5+$0x4450]  }
0xec: {  	v7 =	vld [tilespmem:s5+$0x4460]  }
0xed: {  	[tilespmem:s5+$0x8870] =	vst.add.f32.msk $0xffff, v1  }
0xee: {  	v1 =	vld [tilespmem:s5+$0x4440]  }
0xef: {  	[tilespmem:s5+$0x8800] =	vst.add.f32.msk $0xffff, v2  }
0xf0: {  	[tilespmem:s5+$0x8810] =	vst.add.f32.msk $0xffff, v3  }
0xf1: {  	[tilespmem:s5+$0x8820] =	vst.add.f32.msk $0xffff, v4  }
0xf2: {  	[tilespmem:s5+$0x8830] =	vst.add.f32.msk $0xffff, v5  }
0xf3: {  	[tilespmem:s5+$0x8850] =	vst.add.f32.msk $0xffff, v6  }
0xf4: {  	[tilespmem:s5+$0x8860] =	vst.add.f32.msk $0xffff, v7  }
0xf5: {  	s9 =	simm.s32 $0x0;
	[tilespmem:s5+$0x8840] =	vst.add.f32.msk $0xffff, v1  }
0xf6: {  	[hbm4b:s12+s9] =	stream.linear.scatter [tilespmem:s20], [sflag:$0x5], $0x4000, $0x38;
	[tilespmem:$0x18800] =	vst v63  }
0xf7: {  	_ =	swait.ge [sflag:s22], $0x4000  }
0xf8: {  	[sflag:s22] =	ssyncset.done $0x0  }
0xf9: {  	s10 =	simm.s32 $0x380;
	[sflag:s22] =	ssyncadd.s32 $0xFFFFC000  }
0xfa: {  	[tilespmem:s29], [sflag:$0x4] =	stream.indirect.gather [hbm4b:s1+s19], $0x80, s10, s19, $0xb8;
	[tilespmem:$0x18800] =	vst v63  }
0xfb: {  	_ =	swait.ge [sflag:s30], $0x4000  }
0xfc: {  	[sflag:s30] =	ssyncset.done $0x0  }
0xfd: {  	s6 =	simm.s32 $0x200;
	s5 =	simm.s32 $0x0;
	[sflag:s30] =	ssyncadd.s32 $0xFFFFC000  }
.LBB2_14:
0xfe: {  	p0 =	sne.s32 s6, $0xFE00;
	v1 =	vld [tilespmem:s5+$0x4470]  }
0xff: {  	v2 =	vld [tilespmem:s5+$0x4400]  }
0x100: {  	v3 =	vld [tilespmem:s5+$0x4410]  }
0x101: {  	v4 =	vld [tilespmem:s5+$0x4420]  }
0x102: {  	v5 =	vld [tilespmem:s5+$0x4430]  }
0x103: {  	[tilespmem:s5+$0xC870] =	vst.add.f32.msk $0xffff, v1  }
0x104: {  	v1 =	vld [tilespmem:s5+$0x4440]  }
0x105: {  	v6 =	vld [tilespmem:s5+$0x4450]  }
0x106: {  	v7 =	vld [tilespmem:s5+$0x4460]  }
0x107: {  	[tilespmem:s5+$0xC800] =	vst.add.f32.msk $0xffff, v2  }
0x108: {  	[tilespmem:s5+$0xC810] =	vst.add.f32.msk $0xffff, v3  }
.Ltmp6:
0x109: {  	[tilespmem:s5+$0xC820] =	vst.add.f32.msk $0xffff, v4;
	(pc) =	sbr.rel @p0 .LBB2_14-.Ltmp6, $4  }
0x10a: {  	[tilespmem:s5+$0xC830] =	vst.add.f32.msk $0xffff, v5  }
0x10b: {  	[tilespmem:s5+$0xC840] =	vst.add.f32.msk $0xffff, v1  }
0x10c: {  	[tilespmem:s5+$0xC850] =	vst.add.f32.msk $0xffff, v6  }
0x10d: {  	[tilespmem:s5+$0xC860] =	vst.add.f32.msk $0xffff, v7;
	s5 =	sshra.s32 s6, $0x2;
	s6 =	sadd.s32 $0x200, s6  }
0x10e: {  	v1 =	vld [tilespmem:s5+$0x4470]  }
0x10f: {  	v2 =	vld [tilespmem:s5+$0x4400]  }
0x110: {  	v3 =	vld [tilespmem:s5+$0x4410]  }
0x111: {  	v4 =	vld [tilespmem:s5+$0x4420]  }
0x112: {  	v5 =	vld [tilespmem:s5+$0x4430]  }
0x113: {  	v6 =	vld [tilespmem:s5+$0x4450]  }
0x114: {  	v7 =	vld [tilespmem:s5+$0x4460]  }
0x115: {  	[tilespmem:s5+$0xC870] =	vst.add.f32.msk $0xffff, v1  }
0x116: {  	v1 =	vld [tilespmem:s5+$0x4440]  }
0x117: {  	[tilespmem:s5+$0xC800] =	vst.add.f32.msk $0xffff, v2  }
0x118: {  	[tilespmem:s5+$0xC810] =	vst.add.f32.msk $0xffff, v3  }
0x119: {  	[tilespmem:s5+$0xC820] =	vst.add.f32.msk $0xffff, v4  }
0x11a: {  	[tilespmem:s5+$0xC830] =	vst.add.f32.msk $0xffff, v5  }
0x11b: {  	[tilespmem:s5+$0xC850] =	vst.add.f32.msk $0xffff, v6  }
0x11c: {  	[tilespmem:s5+$0xC860] =	vst.add.f32.msk $0xffff, v7  }
0x11d: {  	s10 =	simm.s32 $0x0;
	[tilespmem:s5+$0xC840] =	vst.add.f32.msk $0xffff, v1  }
0x11e: {  	[hbm4b:s13+s10] =	stream.linear.scatter [tilespmem:s21], [sflag:$0x6], $0x4000, $0x38;
	[tilespmem:$0x18800] =	vst v63  }
0x11f: {  	_ =	swait.ge [sflag:s2], $0x4000  }
0x120: {  	[sflag:s2] =	ssyncset.done $0x0  }
0x121: {  	s6 =	simm.s32 $0x200;
	s5 =	simm.s32 $0x0;
	[sflag:s2] =	ssyncadd.s32 $0xFFFFC000  }
.LBB2_16:
0x122: {  	p0 =	sne.s32 s6, $0xFE00;
	v1 =	vld [tilespmem:s5+$0x4470]  }
0x123: {  	v2 =	vld [tilespmem:s5+$0x4400]  }
0x124: {  	v3 =	vld [tilespmem:s5+$0x4410]  }
0x125: {  	v4 =	vld [tilespmem:s5+$0x4420]  }
0x126: {  	v5 =	vld [tilespmem:s5+$0x4430]  }
0x127: {  	[tilespmem:s5+$0x10870] =	vst.add.f32.msk $0xffff, v1  }
0x128: {  	v1 =	vld [tilespmem:s5+$0x4440]  }
0x129: {  	v6 =	vld [tilespmem:s5+$0x4450]  }
0x12a: {  	v7 =	vld [tilespmem:s5+$0x4460]  }
0x12b: {  	[tilespmem:s5+$0x10800] =	vst.add.f32.msk $0xffff, v2  }
0x12c: {  	[tilespmem:s5+$0x10810] =	vst.add.f32.msk $0xffff, v3  }
.Ltmp7:
0x12d: {  	[tilespmem:s5+$0x10820] =	vst.add.f32.msk $0xffff, v4;
	(pc) =	sbr.rel @p0 .LBB2_16-.Ltmp7, $4  }
0x12e: {  	[tilespmem:s5+$0x10830] =	vst.add.f32.msk $0xffff, v5  }
0x12f: {  	[tilespmem:s5+$0x10840] =	vst.add.f32.msk $0xffff, v1  }
0x130: {  	[tilespmem:s5+$0x10850] =	vst.add.f32.msk $0xffff, v6  }
0x131: {  	[tilespmem:s5+$0x10860] =	vst.add.f32.msk $0xffff, v7;
	s5 =	sshra.s32 s6, $0x2;
	s6 =	sadd.s32 $0x200, s6  }
0x132: {  	v1 =	vld [tilespmem:s5+$0x4470]  }
0x133: {  	v2 =	vld [tilespmem:s5+$0x4400]  }
0x134: {  	v3 =	vld [tilespmem:s5+$0x4410]  }
0x135: {  	v4 =	vld [tilespmem:s5+$0x4420]  }
0x136: {  	v5 =	vld [tilespmem:s5+$0x4430]  }
0x137: {  	v6 =	vld [tilespmem:s5+$0x4450]  }
0x138: {  	v7 =	vld [tilespmem:s5+$0x4460]  }
0x139: {  	[tilespmem:s5+$0x10870] =	vst.add.f32.msk $0xffff, v1  }
0x13a: {  	v1 =	vld [tilespmem:s5+$0x4440]  }
0x13b: {  	[tilespmem:s5+$0x10800] =	vst.add.f32.msk $0xffff, v2  }
0x13c: {  	[tilespmem:s5+$0x10810] =	vst.add.f32.msk $0xffff, v3  }
0x13d: {  	[tilespmem:s5+$0x10820] =	vst.add.f32.msk $0xffff, v4  }
0x13e: {  	[tilespmem:s5+$0x10830] =	vst.add.f32.msk $0xffff, v5  }
0x13f: {  	[tilespmem:s5+$0x10850] =	vst.add.f32.msk $0xffff, v6  }
0x140: {  	[tilespmem:s5+$0x10860] =	vst.add.f32.msk $0xffff, v7  }
0x141: {  	s10 =	simm.s32 $0x0;
	[tilespmem:s5+$0x10840] =	vst.add.f32.msk $0xffff, v1  }
0x142: {  	[hbm4b:s14+s10] =	stream.linear.scatter [tilespmem:s23], [sflag:$0x7], $0x4000, $0x38;
	[tilespmem:$0x18800] =	vst v63  }
0x143: {  	_ =	swait.ge [sflag:s24], $0x4000  }
0x144: {  	[sflag:s24] =	ssyncset.done $0x0  }
0x145: {  	s6 =	simm.s32 $0x200;
	s5 =	simm.s32 $0x0;
	[sflag:s24] =	ssyncadd.s32 $0xFFFFC000  }
.LBB2_18:
0x146: {  	p0 =	sne.s32 s6, $0xFE00;
	v1 =	vld [tilespmem:s5+$0x4470]  }
0x147: {  	v2 =	vld [tilespmem:s5+$0x4400]  }
0x148: {  	v3 =	vld [tilespmem:s5+$0x4410]  }
0x149: {  	v4 =	vld [tilespmem:s5+$0x4420]  }
0x14a: {  	v5 =	vld [tilespmem:s5+$0x4430]  }
0x14b: {  	[tilespmem:s5+$0x14870] =	vst.add.f32.msk $0xffff, v1  }
0x14c: {  	v1 =	vld [tilespmem:s5+$0x4440]  }
0x14d: {  	v6 =	vld [tilespmem:s5+$0x4450]  }
0x14e: {  	v7 =	vld [tilespmem:s5+$0x4460]  }
0x14f: {  	[tilespmem:s5+$0x14800] =	vst.add.f32.msk $0xffff, v2  }
0x150: {  	[tilespmem:s5+$0x14810] =	vst.add.f32.msk $0xffff, v3  }
.Ltmp8:
0x151: {  	[tilespmem:s5+$0x14820] =	vst.add.f32.msk $0xffff, v4;
	(pc) =	sbr.rel @p0 .LBB2_18-.Ltmp8, $4  }
0x152: {  	[tilespmem:s5+$0x14830] =	vst.add.f32.msk $0xffff, v5  }
0x153: {  	[tilespmem:s5+$0x14840] =	vst.add.f32.msk $0xffff, v1  }
0x154: {  	[tilespmem:s5+$0x14850] =	vst.add.f32.msk $0xffff, v6  }
0x155: {  	[tilespmem:s5+$0x14860] =	vst.add.f32.msk $0xffff, v7;
	s5 =	sshra.s32 s6, $0x2;
	s6 =	sadd.s32 $0x200, s6  }
0x156: {  	v1 =	vld [tilespmem:s5+$0x4470]  }
0x157: {  	v2 =	vld [tilespmem:s5+$0x4400]  }
0x158: {  	v3 =	vld [tilespmem:s5+$0x4410]  }
0x159: {  	v4 =	vld [tilespmem:s5+$0x4420]  }
0x15a: {  	v5 =	vld [tilespmem:s5+$0x4430]  }
0x15b: {  	v6 =	vld [tilespmem:s5+$0x4450]  }
0x15c: {  	v7 =	vld [tilespmem:s5+$0x4460]  }
0x15d: {  	[tilespmem:s5+$0x14870] =	vst.add.f32.msk $0xffff, v1  }
0x15e: {  	v1 =	vld [tilespmem:s5+$0x4440]  }
0x15f: {  	[tilespmem:s5+$0x14800] =	vst.add.f32.msk $0xffff, v2  }
0x160: {  	[tilespmem:s5+$0x14810] =	vst.add.f32.msk $0xffff, v3  }
0x161: {  	[tilespmem:s5+$0x14820] =	vst.add.f32.msk $0xffff, v4  }
0x162: {  	[tilespmem:s5+$0x14830] =	vst.add.f32.msk $0xffff, v5  }
0x163: {  	[tilespmem:s5+$0x14850] =	vst.add.f32.msk $0xffff, v6  }
0x164: {  	[tilespmem:s5+$0x14860] =	vst.add.f32.msk $0xffff, v7  }
0x165: {  	[tilespmem:s5+$0x14840] =	vst.add.f32.msk $0xffff, v1  }
0x166: {  	[hbm4b:s15+s3] =	stream.linear.scatter [tilespmem:s29], [sflag:$0x8], $0x4000, $0x38;
	[tilespmem:$0x18800] =	vst v63  }
0x167: {  	_ =	swait.ge [sflag:s31], $0x4000  }
0x168: {  	[sflag:s31] =	ssyncset.done $0x0  }
0x169: {  	[sflag:s31] =	ssyncadd.s32 $0xFFFFC000  }
0x16a: {  	_ =	swait.ge [sflag:s17], $0x4000  }
0x16b: {  	[sflag:s17] =	ssyncset.done $0x0  }
0x16c: {  	[sflag:s17] =	ssyncadd.s32 $0xFFFFC000  }
0x16d: {  	_ =	swait.ge [sflag:s28], $0x4000  }
0x16e: {  	[sflag:s28] =	ssyncset.done $0x0  }
0x16f: {  	s0 =	sadd.s32 $0x1, s0;
	[sflag:s28] =	ssyncadd.s32 $0xFFFFC000  }
0x170: {  	p0 =	sne.s32 s0, s16;
	_ =	swait.ge [sflag:s22], $0x4000  }
.Ltmp9:
0x171: {  	[sflag:s22] =	ssyncset.done $0x0;
	(pc) =	sbr.rel @p0 .LBB2_1-.Ltmp9, $4  }
0x172: {  	[sflag:s22] =	ssyncadd.s32 $0xFFFFC000  }
0x173: {  	_ =	swait.ge [sflag:s25], $0x400  }
0x174: {  	[sflag:s25] =	ssyncset.done $0x0  }
0x175: {  	[sflag:s25] =	ssyncadd.s32 $0xFFFFFC00  }
0x176: {  	_ =	sfence.sel $0x180000  }
0x177: {  	[bflag:$0x0] =	sbarrier.arrive $0xFFFF  }
0x178: {  	_ =	strace $0x90000047  }
0x179: {  	s0 =	stileid.u32;
	[bflag:$0x2] =	sbarrier.arrive $0xFFFF  }
0x17a: {  	p0 =	sne.s32 s0, $0x0;
	s0 =	rddreg [dreg:$0x5]  }
0x17b: {  	s0 =	sadd.s32 @!p0 $0x100000, s0  }
0x17c: {  	[sflag:s0] =	ssyncadd.tile.s32 @!p0 $0x1;
	_ =	shalt  }
.Lfunc_end2:
_tile_overlayer_lowered:
.L_overlay_start_2:
0x17d: {  	(tag) =	ssettag $0x2  }
0x17e: {  	s0 =	rddreg [dreg:$0x0];
	s2 =	stileid.u32  }
0x17f: {  	s1 =	rddreg [dreg:$0x1];
	p0 =	sne.s32 s2, $0x0  }
0x180: {  	s3 =	rddreg [dreg:$0x2];
	[bflag:$0x3] =	sbarrier.arrive $0xFFFF;
	s2 =	simm.s32 @!p0 $0x1C0B  }
0x181: {  	[timem:s3], [sflag:s2] =	dma.local @!p0 [hbm:s0], s1  }
0x182: {  	s0 =	simm.s32 @!p0 $0xB  }
0x183: {  	_ =	swait.ge @!p0 [sflag:s0], s1  }
0x184: {  	s1 =	ssub.s32 @!p0 $0x0, s1;
	[sflag:s0] =	ssyncset.done @!p0 $0x0  }
0x185: {  	[sflag:s0] =	ssyncadd.s32 @!p0 s1  }
0x186: {  	[bflag:$0x3] =	sbarrier.arrive $0xFFFF  }
0x187: {  	_ =	shalt  }

</sc_bundles>
